<compile_context>
chip_gen: v7x
topology: tpu7x:2x2x1
jax: 0.10.2.dev20260603
libtpu: 0.0.44.dev20260713+nightly
codegen_flags: <defaults>
</compile_context>

<pallas_src>
import functools

import jax
import jax.numpy as jnp
from jax import lax
from jax.experimental import pallas as pl
from jax.experimental.pallas import tpu as pltpu
from jax.experimental.pallas import tpu_sc as plsc

N = 1048576
NCELL = 2097152
NC = 2
NS = 16
NW = NC * NS
L = 16
CHUNK = N // NW
PC = 2048
HALF = NCELL // NC
SLICE = HALF // NS
NB = 2048
CPB = NCELL // NB
RANGE = NCELL // NW
HC = 8192
NCH = N // HC
OUTCAP = 36864

_params = pltpu.CompilerParams(needs_layout_passes=False)


def _iota():
    return lax.iota(jnp.int32, L)


def _full(v):
    return jnp.full((L,), v, jnp.int32)


@functools.cache
def _build():
    mesh = plsc.VectorSubcoreMesh(core_axis_name="c", subcore_axis_name="s")

    @functools.partial(
        pl.kernel, mesh=mesh, compiler_params=_params,
        out_type=jax.ShapeDtypeStruct((N,), jnp.int32),
        scratch_types=[pltpu.VMEM((PC * 3,), jnp.float32),
                       pltpu.VMEM((PC,), jnp.int32)],
    )
    def k1a(pos_hbm, hash_hbm, posv, hashv):
        c = lax.axis_index("c")
        s = lax.axis_index("s")
        wid = c * NS + s
        base = wid * CHUNK

        def sub_body(sub, _):
            off = base + sub * PC
            pltpu.sync_copy(pos_hbm.at[pl.ds(off * 3, PC * 3)], posv)

            def vec_body(i, _):
                ri = _full(3 * i * L) + _iota() * 3
                x = plsc.load_gather(posv, [ri])
                y = plsc.load_gather(posv, [ri + 1])
                z = plsc.load_gather(posv, [ri + 2])
                sc = jnp.float32(128.0)
                xi = jnp.minimum((x * sc).astype(jnp.int32), 127)
                yi = jnp.minimum((y * sc).astype(jnp.int32), 127)
                zi = jnp.minimum((z * sc).astype(jnp.int32), 127)
                h = jnp.bitwise_or(
                    jnp.bitwise_or(lax.shift_left(xi, 14),
                                   lax.shift_left(yi, 7)), zi)
                hashv[pl.ds(i * L, L)] = h
                return 0
            lax.fori_loop(0, PC // L, vec_body, 0)
            pltpu.sync_copy(hashv, hash_hbm.at[pl.ds(off, PC)])
            return 0
        lax.fori_loop(0, CHUNK // PC, sub_body, 0)

    @functools.partial(
        pl.kernel, mesh=mesh, compiler_params=_params,
        out_type=(jax.ShapeDtypeStruct((NCELL,), jnp.int32),
                  jax.ShapeDtypeStruct((NW, L), jnp.int32)),
        scratch_types=[pltpu.VMEM_SHARED((HALF,), jnp.int32),
                       pltpu.VMEM((PC,), jnp.int32),
                       pltpu.VMEM((PC // 128, 128), jnp.int32),
                       pltpu.VMEM((PC // 128, 128), jnp.int32),
                       pltpu.VMEM((8192,), jnp.int32),
                       pltpu.VMEM((L,), jnp.int32)],
    )
    def k1b(hash_hbm, counts_hbm, sums_hbm, spc, hv, idx2, upd2, zv, sumv):
        c = lax.axis_index("c")
        s = lax.axis_index("s")
        wid = c * NS + s

        def zero_body(i, _):
            zv[pl.ds(i * L, L)] = jnp.zeros((L,), jnp.int32)
            return 0
        lax.fori_loop(0, 8192 // L, zero_body, 0)

        def zdma_body(j, _):
            pltpu.sync_copy(zv, spc.at[pl.ds(s * SLICE + j * 8192, 8192)])
            return 0
        lax.fori_loop(0, SLICE // 8192, zdma_body, 0)
        plsc.subcore_barrier()

        pts = N // NS

        def sub_body(sub, _):
            pltpu.sync_copy(hash_hbm.at[pl.ds(s * pts + sub * PC, PC)], hv)

            def vec_body(i, _):
                h = hv[pl.ds(i * L, L)]
                lo = jnp.bitwise_and(h, HALF - 1)
                mine = lax.shift_right_logical(h, 20) == c
                row = i // 8
                col = (i % 8) * L
                idx2[row, pl.ds(col, L)] = lo
                upd2[row, pl.ds(col, L)] = jnp.where(mine, 1, 0).astype(jnp.int32)
                return 0
            lax.fori_loop(0, PC // L, vec_body, 0)

            def sdma_body(j, _):
                pltpu.sync_copy(upd2.at[j], spc.at[idx2.at[j]], add=True)
                return 0
            lax.fori_loop(0, PC // 128, sdma_body, 0, unroll=True)
            return 0
        lax.fori_loop(0, pts // PC, sub_body, 0)
        plsc.subcore_barrier()

        gbase = c * HALF + s * SLICE

        def out_body(k, acc):
            pltpu.sync_copy(spc.at[pl.ds(s * SLICE + k * 8192, 8192)], zv)

            def acc_body(i, a):
                return a + zv[pl.ds(i * L, L)]
            acc = lax.fori_loop(0, 8192 // L, acc_body, acc)
            pltpu.sync_copy(zv, counts_hbm.at[pl.ds(gbase + k * 8192, 8192)])
            return acc
        acc = lax.fori_loop(0, SLICE // 8192, out_body,
                            jnp.zeros((L,), jnp.int32))
        sumv[...] = acc
        pltpu.sync_copy(sumv, sums_hbm.at[wid])

    @functools.partial(
        pl.kernel, mesh=mesh, compiler_params=_params,
        out_type=jax.ShapeDtypeStruct((NCELL,), jnp.int32),
        scratch_types=[pltpu.VMEM((8192,), jnp.int32),
                       pltpu.VMEM((NW, L), jnp.int32)],
    )
    def k3(counts_hbm, sums_hbm, starts_hbm, zv, sumsv):
        c = lax.axis_index("c")
        s = lax.axis_index("s")
        wid = c * NS + s
        pltpu.sync_copy(sums_hbm, sumsv)

        def pre_body(w, a):
            r = sumsv[w, :]
            return a + jnp.where(_full(w) < _full(wid), r, 0)
        acc = lax.fori_loop(0, NW, pre_body, jnp.zeros((L,), jnp.int32))
        off0 = jnp.sum(acc)
        gbase = wid * SLICE

        def chunk_body(k, off):
            pltpu.sync_copy(counts_hbm.at[pl.ds(gbase + k * 8192, 8192)], zv)

            def scan_body(i, o):
                x = zv[pl.ds(i * L, L)]
                inc = plsc.cumsum(x)
                zv[pl.ds(i * L, L)] = inc - x + o
                return o + jnp.sum(x)
            off = lax.fori_loop(0, 8192 // L, scan_body, off)
            pltpu.sync_copy(zv, starts_hbm.at[pl.ds(gbase + k * 8192, 8192)])
            return off
        lax.fori_loop(0, SLICE // 8192, chunk_body, off0)

    @functools.partial(
        pl.kernel, mesh=mesh, compiler_params=_params,
        out_type=jax.ShapeDtypeStruct((N,), jnp.int32),
        scratch_types=[pltpu.VMEM((RANGE,), jnp.int32),
                       pltpu.VMEM((OUTCAP,), jnp.int32),
                       pltpu.VMEM((HC,), jnp.int32),
                       pltpu.VMEM((HC,), jnp.int32),
                       pltpu.VMEM((L,), jnp.int32),
                       pltpu.VMEM((L,), jnp.int32),
                       pltpu.VMEM((L,), jnp.int32),
                       pltpu.SemaphoreType.DMA,
                       pltpu.SemaphoreType.DMA],
    )
    def k6(hash_hbm, starts_hbm, pid_hbm, curv, outbuf, hb0, hb1, tmpv,
           eposv, evalv, sem0, sem1):
        c = lax.axis_index("c")
        s = lax.axis_index("s")
        wid = c * NS + s

        pltpu.sync_copy(starts_hbm.at[pl.ds(wid * RANGE, RANGE)], curv)
        gstart = curv[pl.ds(0, L)][0]
        off2 = pl.multiple_of(jnp.minimum((wid + 1) * RANGE, NCELL - L), 8)
        pltpu.sync_copy(starts_hbm.at[pl.ds(off2, L)], tmpv)
        end = jnp.where(wid == NW - 1, jnp.int32(N), tmpv[...][0])
        g8 = jnp.bitwise_and(gstart + 7, jnp.int32(-8))
        e8 = jnp.bitwise_and(end, jnp.int32(-8))
        ncap = e8 - g8
        fast = ncap <= OUTCAP
        widv = _full(wid)
        fastv = jnp.full((L,), fast)

        def process(hb, k):
            def vec_body(i, _):
                h = hb[pl.ds(i * L, L)]
                valid = lax.shift_right_logical(h, 16) == widv
                nv = plsc.all_reduce_population_count(valid)

                @pl.when(nv[0] > 0)
                def _():
                    cell = jnp.bitwise_and(h, RANGE - 1)
                    occ, last = plsc.scan_count(cell, valid)
                    cur = plsc.load_gather(curv, [cell])
                    plsc.store_scatter(curv, [cell], cur + occ, mask=last)
                    pos = cur + occ - 1
                    val = _full(k * HC + i * L) + _iota()
                    inb = jnp.logical_and(
                        valid,
                        jnp.logical_and(fastv,
                                        jnp.logical_and(pos >= g8, pos < e8)))
                    plsc.store_scatter(outbuf, [pos - g8], val, mask=inb)
                    edge = jnp.logical_and(valid, jnp.logical_not(inb))
                    ne = plsc.all_reduce_population_count(edge)

                    @pl.when(ne[0] > 0)
                    def _():
                        f = plsc.all_reduce_ffs(edge)
                        eposv[...] = pos
                        evalv[...] = val
                        pfirst = plsc.load_gather(eposv, [f])
                        vfirst = plsc.load_gather(evalv, [f])
                        eposv[...] = jnp.where(edge, pos, pfirst)
                        evalv[...] = jnp.where(edge, val, vfirst)
                        pltpu.sync_copy(evalv, pid_hbm.at[eposv])
                return 0
            lax.fori_loop(0, HC // L, vec_body, 0, unroll=2)

        pltpu.async_copy(hash_hbm.at[pl.ds(0, HC)], hb0, sem0)

        def chunk_body(k, _):
            for par, hb, hbn, semc, semn in ((0, hb0, hb1, sem0, sem1),
                                             (1, hb1, hb0, sem1, sem0)):
                @pl.when(jnp.bitwise_and(k, 1) == par)
                def _():
                    off = pl.multiple_of(k * HC, 8)
                    pltpu.make_async_copy(
                        hash_hbm.at[pl.ds(off, HC)], hb, semc).wait()

                    @pl.when(k + 1 < NCH)
                    def _():
                        offn = pl.multiple_of((k + 1) * HC, 8)
                        pltpu.async_copy(
                            hash_hbm.at[pl.ds(offn, HC)], hbn, semn)
                    process(hb, k)
            return 0
        lax.fori_loop(0, NCH, chunk_body, 0)

        @pl.when(jnp.logical_and(fast, ncap > 0))
        def _():
            nfull = jnp.maximum(ncap, 0) // 8192

            def full_body(j, _):
                o = pl.multiple_of(j * 8192, 8)
                pltpu.sync_copy(outbuf.at[pl.ds(o, 8192)],
                                pid_hbm.at[pl.ds(pl.multiple_of(g8 + o, 8),
                                                 8192)])
                return 0
            lax.fori_loop(0, nfull, full_body, 0)
            rem = jnp.maximum(ncap, 0) - nfull * 8192
            offcur = nfull * 8192
            for size in (4096, 2048, 1024, 512, 256, 128, 64, 32, 16, 8):
                bit = jnp.bitwise_and(rem, size) != 0
                o = pl.multiple_of(offcur, 8)

                @pl.when(bit)
                def _(o=o, size=size):
                    pltpu.sync_copy(
                        outbuf.at[pl.ds(o, size)],
                        pid_hbm.at[pl.ds(pl.multiple_of(g8 + o, 8), size)])
                offcur = offcur + jnp.where(bit, size, 0)

    return k1a, k1b, k3, k6



def kernel(position_stack):
    k1a, k1b, k3, k6 = _build()
    hashes = k1a(position_stack.reshape(-1))
    counts, sums = k1b(hashes)
    starts = k3(counts, sums)
    pid = k6(hashes, starts)
    return hashes, starts, counts, pid

# --- scband reference (transcript-rebuilt; emitter-appended) ---
"""Pipeline reference for scband-grid-stencil-map-68779606278319 (READ-ONLY COPY).

The authoritative reference and input builder live on the scoring server;
editing this copy changes nothing except your own understanding.
"""

import jax, jax.numpy as jnp
import numpy as np

GRID_SIZE = (128, 128, 128)
NUM_CELLS = 128 * 128 * 128
NUM_POINTS = 1048576
ORIGIN = jnp.array([0.0, 0.0, 0.0], dtype=jnp.float32)
INV_CELL_SIZE = 128.0  # 1.0 / cell_size, cell_size = 1/128


def setup_inputs(seed: int = 0) -> dict:
    key = jax.random.key(seed)
    # particle positions uniformly inside the unit cube domain
    position_stack = jax.random.uniform(key, (NUM_POINTS, 3), dtype=jnp.float32)
    return {"position_stack": position_stack}


def _get_hash(position_stack):
    # vmapped: rel_pos = (p - origin) * inv_cell_size; grid_pos = floor; ravel with wrap
    rel_pos = (position_stack - ORIGIN[None, :]) * INV_CELL_SIZE
    grid_pos = jnp.floor(rel_pos).astype(jnp.int32)
    return jnp.ravel_multi_index(
        (grid_pos[:, 0], grid_pos[:, 1], grid_pos[:, 2]), GRID_SIZE, mode="wrap"
    ).astype(jnp.int32)


def reference(position_stack):
    # Faithful translation of GridStencilMap.partition
    new_point_hash_stack = _get_hash(position_stack)
    # histogram of points per cell via scatter-add
    new_cell_count_stack = (
        jnp.zeros(NUM_CELLS, dtype=jnp.int32).at[new_point_hash_stack].add(1)
    )
    # sort permutation of point hashes
    new_point_id_stack = jnp.argsort(new_point_hash_stack).astype(jnp.int32)
    # searchsorted with sorter (equivalent: search the sorted hashes)
    cell_id_stack = jnp.arange(NUM_CELLS, dtype=jnp.int32)
    sorted_hashes = new_point_hash_stack[new_point_id_stack]
    new_cell_start_stack = jnp.searchsorted(
        sorted_hashes, cell_id_stack, method="sort"
    ).astype(jnp.int32)
    return (
        new_point_hash_stack,
        new_cell_start_stack,
        new_cell_count_stack,
        new_point_id_stack,
    )

if __name__ == "__main__":
    import jax
    _d = setup_inputs()
    print(jax.jit(kernel)(*tuple(_d.values())))

</pallas_src>

<mosaic_0001>
#map = affine_map<(d0, d1) -> (0)>
#map1 = affine_map<(d0, d1) -> (0, 0)>
module attributes {stable_mosaic.version = 14 : i64} {
  func.func @k1b(%arg0: i32, %arg1: i32, %arg2: memref<1048576xi32, #tpu.memory_space<hbm>>, %arg3: memref<2097152xi32, #tpu.memory_space<hbm>>, %arg4: memref<32x16xi32, #tpu.memory_space<hbm>>, %arg5: memref<1048576xi32, #tpu.memory_space<vmem_shared>>, %arg6: memref<2048xi32, #tpu.memory_space<vmem>>, %arg7: memref<16x128xi32, #tpu.memory_space<vmem>>, %arg8: memref<16x128xi32, #tpu.memory_space<vmem>>, %arg9: memref<8192xi32, #tpu.memory_space<vmem>>, %arg10: memref<16xi32, #tpu.memory_space<vmem>>) attributes {dimension_semantics = [#tpu.dimension_semantics<core_parallel>, #tpu.dimension_semantics<subcore_parallel>], iteration_bounds = array<i64: 2, 16>, scalar_prefetch = 0 : i64, scratch_operands = 6 : i64, tpu.core_type = #tpu.core_type<sc_vector_subcore>, window_params = [{transform_indices = #map}, {transform_indices = #map}, {transform_indices = #map1}]} {
    %mul3A = arith.constant 16 : i32
    %mul3A_0 = arith.muli %arg0, %mul3A : i32
    %add3A = arith.addi %mul3A_0, %arg1 : i32
    %scan3A = arith.constant 0 : i32
    %scan3A_1 = arith.constant 0 : i32
    %scan3A_2 = arith.constant 512 : i32
    %scan3A_3 = arith.addi %scan3A_1, %scan3A_2 : i32
    %scan3A_4 = arith.constant 1 : i32
    %scan3A_5 = scf.for %scan3A_35 = %scan3A_1 to %scan3A_3 step %scan3A_4 iter_args(%scan3A_36 = %scan3A) -> (i32)  : i32 {
      %broadcast_in_dim3A_37 = arith.constant 0 : i32
      %broadcast_in_dim3A_38 = vector.broadcast %broadcast_in_dim3A_37 : i32 to vector<16xi32>
      %mul3A_39 = arith.constant 16 : i32
      %mul3A_40 = arith.muli %scan3A_35, %mul3A_39 : i32
      %swap3A_41 = arith.index_cast %mul3A_40 : i32 to index
      %swap3A_42 = tpu.vector_load %arg9[%swap3A_41] {strides = array<i32>} : memref<8192xi32, #tpu.memory_space<vmem>>, vector<16xi32>,
      tpu.vector_store %arg9[%swap3A_41], %broadcast_in_dim3A_38 {strides = array<i32>} : memref<8192xi32, #tpu.memory_space<vmem>>, vector<16xi32>,
      %scan3A_43 = arith.constant 0 : i32
      scf.yield %scan3A_43 : i32
    }
    %scan3A_6 = arith.constant 512 : i32
    %scan3A_7 = arith.constant 0 : i32
    %scan3A_8 = arith.constant 0 : i32
    %scan3A_9 = arith.constant 8 : i32
    %scan3A_10 = arith.addi %scan3A_8, %scan3A_9 : i32
    %scan3A_11 = arith.constant 1 : i32
    %scan3A_12 = scf.for %scan3A_35 = %scan3A_8 to %scan3A_10 step %scan3A_11 iter_args(%scan3A_36 = %scan3A_7) -> (i32)  : i32 {
      %mul3A_37 = arith.constant 65536 : i32
      %mul3A_38 = arith.muli %arg1, %mul3A_37 : i32
      %mul3A_39 = arith.constant 8192 : i32
      %mul3A_40 = arith.muli %scan3A_35, %mul3A_39 : i32
      %add3A_41 = arith.addi %mul3A_38, %mul3A_40 : i32
      "tpu.region"() ({
        %run_scoped3A = tpu.sem_alloc : memref<!tpu.dma_semaphore, #tpu.memory_space<semaphore_mem>>
        %dma_start3A = tpu.memref_slice %arg5[%add3A_41] : memref<1048576xi32, #tpu.memory_space<vmem_shared>> -> memref<8192xi32, #tpu.memory_space<vmem_shared>>
        %dma_start3A_43 = tpu.memref_slice %arg5[%add3A_41] : memref<1048576xi32, #tpu.memory_space<vmem_shared>> -> memref<8192xi32, #tpu.memory_space<vmem_shared>>
        tpu.enqueue_dma source(%arg9 : memref<8192xi32, #tpu.memory_space<vmem>>) target(%dma_start3A_43 : memref<8192xi32, #tpu.memory_space<vmem_shared>>) target_semaphore(%run_scoped3A : memref<!tpu.dma_semaphore, #tpu.memory_space<semaphore_mem>>)
        %dma_wait3A = tpu.memref_slice %arg5[%add3A_41] : memref<1048576xi32, #tpu.memory_space<vmem_shared>> -> memref<8192xi32, #tpu.memory_space<vmem_shared>>
        %dma_wait3A_44 = tpu.memref_slice %arg5[%add3A_41] : memref<1048576xi32, #tpu.memory_space<vmem_shared>> -> memref<8192xi32, #tpu.memory_space<vmem_shared>>
        tpu.wait_dma2 semaphore(%run_scoped3A : memref<!tpu.dma_semaphore, #tpu.memory_space<semaphore_mem>>) src(%arg9 : memref<8192xi32, #tpu.memory_space<vmem>>) dst(%dma_wait3A_44 : memref<8192xi32, #tpu.memory_space<vmem_shared>>)
        tpu.yield
      }) : () -> ()
      %scan3A_42 = arith.constant 0 : i32
      scf.yield %scan3A_42 : i32
    }
    %scan3A_13 = arith.constant 8 : i32
    %barrier3A = arith.constant 0 : index
    tpu.barrier barrier_id(%barrier3A)
    %scan3A_14 = arith.constant 0 : i32
    %scan3A_15 = arith.constant 0 : i32
    %scan3A_16 = arith.constant 32 : i32
    %scan3A_17 = arith.addi %scan3A_15, %scan3A_16 : i32
    %scan3A_18 = arith.constant 1 : i32
    %scan3A_19 = scf.for %scan3A_35 = %scan3A_15 to %scan3A_17 step %scan3A_18 iter_args(%scan3A_36 = %scan3A_14) -> (i32)  : i32 {
      %mul3A_37 = arith.constant 65536 : i32
      %mul3A_38 = arith.muli %arg1, %mul3A_37 : i32
      %mul3A_39 = arith.constant 2048 : i32
      %mul3A_40 = arith.muli %scan3A_35, %mul3A_39 : i32
      %add3A_41 = arith.addi %mul3A_38, %mul3A_40 : i32
      "tpu.region"() ({
        %run_scoped3A = tpu.sem_alloc : memref<!tpu.dma_semaphore, #tpu.memory_space<semaphore_mem>>
        %dma_start3A = tpu.memref_slice %arg2[%add3A_41] : memref<1048576xi32, #tpu.memory_space<hbm>> -> memref<2048xi32, #tpu.memory_space<hbm>>
        %dma_start3A_84 = tpu.memref_slice %arg2[%add3A_41] : memref<1048576xi32, #tpu.memory_space<hbm>> -> memref<2048xi32, #tpu.memory_space<hbm>>
        tpu.enqueue_dma source(%dma_start3A_84 : memref<2048xi32, #tpu.memory_space<hbm>>) target(%arg6 : memref<2048xi32, #tpu.memory_space<vmem>>) target_semaphore(%run_scoped3A : memref<!tpu.dma_semaphore, #tpu.memory_space<semaphore_mem>>)
        %dma_wait3A = tpu.memref_slice %arg2[%add3A_41] : memref<1048576xi32, #tpu.memory_space<hbm>> -> memref<2048xi32, #tpu.memory_space<hbm>>
        %dma_wait3A_85 = tpu.memref_slice %arg2[%add3A_41] : memref<1048576xi32, #tpu.memory_space<hbm>> -> memref<2048xi32, #tpu.memory_space<hbm>>
        tpu.wait_dma2 semaphore(%run_scoped3A : memref<!tpu.dma_semaphore, #tpu.memory_space<semaphore_mem>>) src(%dma_wait3A_85 : memref<2048xi32, #tpu.memory_space<hbm>>) dst(%arg6 : memref<2048xi32, #tpu.memory_space<vmem>>)
        tpu.yield
      }) : () -> ()
      %scan3A_42 = arith.constant 0 : i32
      %scan3A_43 = arith.constant 0 : i32
      %scan3A_44 = arith.constant 128 : i32
      %scan3A_45 = arith.addi %scan3A_43, %scan3A_44 : i32
      %scan3A_46 = arith.constant 1 : i32
      %scan3A_47 = scf.for %scan3A_84 = %scan3A_43 to %scan3A_45 step %scan3A_46 iter_args(%scan3A_85 = %scan3A_42) -> (i32)  : i32 {
        %mul3A_86 = arith.constant 16 : i32
        %mul3A_87 = arith.muli %scan3A_84, %mul3A_86 : i32
        %get3A = arith.index_cast %mul3A_87 : i32 to index
        %get3A_88 = tpu.vector_load %arg6[%get3A] {strides = array<i32>} : memref<2048xi32, #tpu.memory_space<vmem>>, vector<16xi32>,
        %and3A = arith.constant 1048575 : i32
        %and3A_89 = vector.broadcast %and3A : i32 to vector<16xi32>
        %and3A_90 = arith.andi %get3A_88, %and3A_89 : vector<16xi32>
        %shift_right_logical3A = arith.constant 20 : i32
        %shift_right_logical3A_91 = vector.broadcast %shift_right_logical3A : i32 to vector<16xi32>
        %shift_right_logical3A_92 = arith.shrui %get3A_88, %shift_right_logical3A_91 : vector<16xi32>
        %eq3A = vector.broadcast %arg0 : i32 to vector<16xi32>
        %eq3A_93 = arith.cmpi eq, %shift_right_logical3A_92, %eq3A : vector<16xi32>
        %jit3A = arith.constant 8 : i32
        %div3A = arith.divsi %scan3A_84, %jit3A : i32
        %sign3A = arith.constant 0 : i32
        %sign3A_94 = arith.cmpi sgt, %scan3A_84, %sign3A : i32
        %sign3A_95 = arith.extui %sign3A_94 : i1 to i32
        %sign3A_96 = arith.constant 0 : i32
        %sign3A_97 = arith.cmpi slt, %scan3A_84, %sign3A_96 : i32
        %sign3A_98 = arith.extui %sign3A_97 : i1 to i32
        %sign3A_99 = arith.subi %sign3A_95, %sign3A_98 : i32
        %sign3A_100 = arith.constant 0 : i32
        %sign3A_101 = arith.cmpi sgt, %jit3A, %sign3A_100 : i32
        %sign3A_102 = arith.extui %sign3A_101 : i1 to i32
        %sign3A_103 = arith.constant 0 : i32
        %sign3A_104 = arith.cmpi slt, %jit3A, %sign3A_103 : i32
        %sign3A_105 = arith.extui %sign3A_104 : i1 to i32
        %sign3A_106 = arith.subi %sign3A_102, %sign3A_105 : i32
        %ne3A = arith.cmpi ne, %sign3A_99, %sign3A_106 : i32
        %rem3A = arith.remsi %scan3A_84, %jit3A : i32
        %ne3A_107 = arith.constant 0 : i32
        %ne3A_108 = arith.cmpi ne, %rem3A, %ne3A_107 : i32
        %and3A_109 = arith.andi %ne3A, %ne3A_108 : i1
        %sub3A = arith.constant 1 : i32
        %sub3A_110 = arith.subi %div3A, %sub3A : i32
        %select_n3A = arith.select %and3A_109, %sub3A_110, %div3A : i32
        %jit3A_111 = arith.constant 8 : i32
        %eq3A_112 = arith.constant 0 : i32
        %eq3A_113 = arith.cmpi eq, %jit3A_111, %eq3A_112 : i32
        %jit3A_114 = arith.constant 1 : i32
        %select_n3A_115 = arith.select %eq3A_113, %jit3A_114, %jit3A_111 : i32
        %rem3A_116 = arith.remsi %scan3A_84, %select_n3A_115 : i32
        %ne3A_117 = arith.constant 0 : i32
        %ne3A_118 = arith.cmpi ne, %rem3A_116, %ne3A_117 : i32
        %lt3A = arith.constant 0 : i32
        %lt3A_119 = arith.cmpi slt, %rem3A_116, %lt3A : i32
        %lt3A_120 = arith.constant 0 : i32
        %lt3A_121 = arith.cmpi slt, %select_n3A_115, %lt3A_120 : i32
        %ne3A_122 = arith.xori %lt3A_119, %lt3A_121 : i1
        %and3A_123 = arith.andi %ne3A_122, %ne3A_118 : i1
        %add3A_124 = arith.addi %rem3A_116, %select_n3A_115 : i32
        %select_n3A_125 = arith.select %and3A_123, %add3A_124, %rem3A_116 : i32
        %mul3A_126 = arith.constant 16 : i32
        %mul3A_127 = arith.muli %select_n3A_125, %mul3A_126 : i32
        %swap3A_128 = arith.index_cast %select_n3A : i32 to index
        %swap3A_129 = arith.index_cast %mul3A_127 : i32 to index
        %swap3A_130 = tpu.vector_load %arg7[%swap3A_128, %swap3A_129] {strides = array<i32>} : memref<16x128xi32, #tpu.memory_space<vmem>>, vector<16xi32>,
        tpu.vector_store %arg7[%swap3A_128, %swap3A_129], %and3A_90 {strides = array<i32>} : memref<16x128xi32, #tpu.memory_space<vmem>>, vector<16xi32>,
        %jit3A_131 = arith.constant 1 : i32
        %jit3A_132 = arith.constant 0 : i32
        %broadcast_in_dim3A_133 = vector.broadcast %jit3A_131 : i32 to vector<16xi32>
        %broadcast_in_dim3A_134 = vector.broadcast %jit3A_132 : i32 to vector<16xi32>
        %select_n3A_135 = arith.select %eq3A_93, %broadcast_in_dim3A_133, %broadcast_in_dim3A_134 : vector<16xi1>, vector<16xi32>
        %swap3A_136 = arith.index_cast %select_n3A : i32 to index
        %swap3A_137 = arith.index_cast %mul3A_127 : i32 to index
        %swap3A_138 = tpu.vector_load %arg8[%swap3A_136, %swap3A_137] {strides = array<i32>} : memref<16x128xi32, #tpu.memory_space<vmem>>, vector<16xi32>,
        tpu.vector_store %arg8[%swap3A_136, %swap3A_137], %select_n3A_135 {strides = array<i32>} : memref<16x128xi32, #tpu.memory_space<vmem>>, vector<16xi32>,
        %scan3A_139 = arith.constant 0 : i32
        scf.yield %scan3A_139 : i32
      }
      %scan3A_48 = arith.constant 128 : i32
      %scan3A_49 = arith.constant 0 : i32
      %scan3A_50 = arith.constant 0 : i32
      "tpu.region"() ({
        %run_scoped3A = tpu.sem_alloc : memref<!tpu.dma_semaphore, #tpu.memory_space<semaphore_mem>>
        %dma_start3A = arith.constant 0 : i32
        %dma_start3A_84 = tpu.memref_slice %arg8[%scan3A_50, %dma_start3A] : memref<16x128xi32, #tpu.memory_space<vmem>> -> memref<1x128xi32, #tpu.memory_space<vmem>>
        %dma_start3A_85 = tpu.memref_squeeze %dma_start3A_84 : memref<1x128xi32, #tpu.memory_space<vmem>> -> memref<128xi32, #tpu.memory_space<vmem>>
        %dma_start3A_86 = arith.constant 0 : i32
        %dma_start3A_87 = tpu.memref_slice %arg7[%scan3A_50, %dma_start3A_86] : memref<16x128xi32, #tpu.memory_space<vmem>> -> memref<1x128xi32, #tpu.memory_space<vmem>>
        %dma_start3A_88 = tpu.memref_squeeze %dma_start3A_87 : memref<1x128xi32, #tpu.memory_space<vmem>> -> memref<128xi32, #tpu.memory_space<vmem>>
        %dma_start3A_89 = arith.constant 0 : i32
        %dma_start3A_90 = tpu.memref_slice %arg5[%dma_start3A_89] : memref<1048576xi32, #tpu.memory_space<vmem_shared>> -> memref<1048576xi32, #tpu.memory_space<vmem_shared>>
        tpu.enqueue_indirect_dma source(%dma_start3A_85 : memref<128xi32, #tpu.memory_space<vmem>>) target(%dma_start3A_90 : memref<1048576xi32, #tpu.memory_space<vmem_shared>>) offsets(%dma_start3A_88 : memref<128xi32, #tpu.memory_space<vmem>>) semaphore(%run_scoped3A : memref<!tpu.dma_semaphore, #tpu.memory_space<semaphore_mem>>) {add = true}
        %dma_wait3A = arith.constant 0 : i32
        %dma_wait3A_91 = tpu.memref_slice %arg8[%scan3A_50, %dma_wait3A] : memref<16x128xi32, #tpu.memory_space<vmem>> -> memref<1x128xi32, #tpu.memory_space<vmem>>
        %dma_wait3A_92 = tpu.memref_squeeze %dma_wait3A_91 : memref<1x128xi32, #tpu.memory_space<vmem>> -> memref<128xi32, #tpu.memory_space<vmem>>
        %dma_wait3A_93 = arith.constant 0 : i32
        %dma_wait3A_94 = tpu.memref_slice %arg7[%scan3A_50, %dma_wait3A_93] : memref<16x128xi32, #tpu.memory_space<vmem>> -> memref<1x128xi32, #tpu.memory_space<vmem>>
        %dma_wait3A_95 = tpu.memref_squeeze %dma_wait3A_94 : memref<1x128xi32, #tpu.memory_space<vmem>> -> memref<128xi32, #tpu.memory_space<vmem>>
        %dma_wait3A_96 = arith.constant 0 : i32
        %dma_wait3A_97 = tpu.memref_slice %arg5[%dma_wait3A_96] : memref<1048576xi32, #tpu.memory_space<vmem_shared>> -> memref<1048576xi32, #tpu.memory_space<vmem_shared>>
        tpu.wait_indirect_dma semaphore(%run_scoped3A : memref<!tpu.dma_semaphore, #tpu.memory_space<semaphore_mem>>) src(%dma_wait3A_92 : memref<128xi32, #tpu.memory_space<vmem>>) dst(%dma_wait3A_97 : memref<1048576xi32, #tpu.memory_space<vmem_shared>>)
        tpu.yield
      }) : () -> ()
      %scan3A_51 = arith.constant 0 : i32
      %scan3A_52 = arith.constant 1 : i32
      "tpu.region"() ({
        %run_scoped3A = tpu.sem_alloc : memref<!tpu.dma_semaphore, #tpu.memory_space<semaphore_mem>>
        %dma_start3A = arith.constant 0 : i32
        %dma_start3A_84 = tpu.memref_slice %arg8[%scan3A_52, %dma_start3A] : memref<16x128xi32, #tpu.memory_space<vmem>> -> memref<1x128xi32, #tpu.memory_space<vmem>>
        %dma_start3A_85 = tpu.memref_squeeze %dma_start3A_84 : memref<1x128xi32, #tpu.memory_space<vmem>> -> memref<128xi32, #tpu.memory_space<vmem>>
        %dma_start3A_86 = arith.constant 0 : i32
        %dma_start3A_87 = tpu.memref_slice %arg7[%scan3A_52, %dma_start3A_86] : memref<16x128xi32, #tpu.memory_space<vmem>> -> memref<1x128xi32, #tpu.memory_space<vmem>>
        %dma_start3A_88 = tpu.memref_squeeze %dma_start3A_87 : memref<1x128xi32, #tpu.memory_space<vmem>> -> memref<128xi32, #tpu.memory_space<vmem>>
        %dma_start3A_89 = arith.constant 0 : i32
        %dma_start3A_90 = tpu.memref_slice %arg5[%dma_start3A_89] : memref<1048576xi32, #tpu.memory_space<vmem_shared>> -> memref<1048576xi32, #tpu.memory_space<vmem_shared>>
        tpu.enqueue_indirect_dma source(%dma_start3A_85 : memref<128xi32, #tpu.memory_space<vmem>>) target(%dma_start3A_90 : memref<1048576xi32, #tpu.memory_space<vmem_shared>>) offsets(%dma_start3A_88 : memref<128xi32, #tpu.memory_space<vmem>>) semaphore(%run_scoped3A : memref<!tpu.dma_semaphore, #tpu.memory_space<semaphore_mem>>) {add = true}
        %dma_wait3A = arith.constant 0 : i32
        %dma_wait3A_91 = tpu.memref_slice %arg8[%scan3A_52, %dma_wait3A] : memref<16x128xi32, #tpu.memory_space<vmem>> -> memref<1x128xi32, #tpu.memory_space<vmem>>
        %dma_wait3A_92 = tpu.memref_squeeze %dma_wait3A_91 : memref<1x128xi32, #tpu.memory_space<vmem>> -> memref<128xi32, #tpu.memory_space<vmem>>
        %dma_wait3A_93 = arith.constant 0 : i32
        %dma_wait3A_94 = tpu.memref_slice %arg7[%scan3A_52, %dma_wait3A_93] : memref<16x128xi32, #tpu.memory_space<vmem>> -> memref<1x128xi32, #tpu.memory_space<vmem>>
        %dma_wait3A_95 = tpu.memref_squeeze %dma_wait3A_94 : memref<1x128xi32, #tpu.memory_space<vmem>> -> memref<128xi32, #tpu.memory_space<vmem>>
        %dma_wait3A_96 = arith.constant 0 : i32
        %dma_wait3A_97 = tpu.memref_slice %arg5[%dma_wait3A_96] : memref<1048576xi32, #tpu.memory_space<vmem_shared>> -> memref<1048576xi32, #tpu.memory_space<vmem_shared>>
        tpu.wait_indirect_dma semaphore(%run_scoped3A : memref<!tpu.dma_semaphore, #tpu.memory_space<semaphore_mem>>) src(%dma_wait3A_92 : memref<128xi32, #tpu.memory_space<vmem>>) dst(%dma_wait3A_97 : memref<1048576xi32, #tpu.memory_space<vmem_shared>>)
        tpu.yield
      }) : () -> ()
      %scan3A_53 = arith.constant 0 : i32
      %scan3A_54 = arith.constant 2 : i32
      "tpu.region"() ({
        %run_scoped3A = tpu.sem_alloc : memref<!tpu.dma_semaphore, #tpu.memory_space<semaphore_mem>>
        %dma_start3A = arith.constant 0 : i32
        %dma_start3A_84 = tpu.memref_slice %arg8[%scan3A_54, %dma_start3A] : memref<16x128xi32, #tpu.memory_space<vmem>> -> memref<1x128xi32, #tpu.memory_space<vmem>>
        %dma_start3A_85 = tpu.memref_squeeze %dma_start3A_84 : memref<1x128xi32, #tpu.memory_space<vmem>> -> memref<128xi32, #tpu.memory_space<vmem>>
        %dma_start3A_86 = arith.constant 0 : i32
        %dma_start3A_87 = tpu.memref_slice %arg7[%scan3A_54, %dma_start3A_86] : memref<16x128xi32, #tpu.memory_space<vmem>> -> memref<1x128xi32, #tpu.memory_space<vmem>>
        %dma_start3A_88 = tpu.memref_squeeze %dma_start3A_87 : memref<1x128xi32, #tpu.memory_space<vmem>> -> memref<128xi32, #tpu.memory_space<vmem>>
        %dma_start3A_89 = arith.constant 0 : i32
        %dma_start3A_90 = tpu.memref_slice %arg5[%dma_start3A_89] : memref<1048576xi32, #tpu.memory_space<vmem_shared>> -> memref<1048576xi32, #tpu.memory_space<vmem_shared>>
        tpu.enqueue_indirect_dma source(%dma_start3A_85 : memref<128xi32, #tpu.memory_space<vmem>>) target(%dma_start3A_90 : memref<1048576xi32, #tpu.memory_space<vmem_shared>>) offsets(%dma_start3A_88 : memref<128xi32, #tpu.memory_space<vmem>>) semaphore(%run_scoped3A : memref<!tpu.dma_semaphore, #tpu.memory_space<semaphore_mem>>) {add = true}
        %dma_wait3A = arith.constant 0 : i32
        %dma_wait3A_91 = tpu.memref_slice %arg8[%scan3A_54, %dma_wait3A] : memref<16x128xi32, #tpu.memory_space<vmem>> -> memref<1x128xi32, #tpu.memory_space<vmem>>
        %dma_wait3A_92 = tpu.memref_squeeze %dma_wait3A_91 : memref<1x128xi32, #tpu.memory_space<vmem>> -> memref<128xi32, #tpu.memory_space<vmem>>
        %dma_wait3A_93 = arith.constant 0 : i32
        %dma_wait3A_94 = tpu.memref_slice %arg7[%scan3A_54, %dma_wait3A_93] : memref<16x128xi32, #tpu.memory_space<vmem>> -> memref<1x128xi32, #tpu.memory_space<vmem>>
        %dma_wait3A_95 = tpu.memref_squeeze %dma_wait3A_94 : memref<1x128xi32, #tpu.memory_space<vmem>> -> memref<128xi32, #tpu.memory_space<vmem>>
        %dma_wait3A_96 = arith.constant 0 : i32
        %dma_wait3A_97 = tpu.memref_slice %arg5[%dma_wait3A_96] : memref<1048576xi32, #tpu.memory_space<vmem_shared>> -> memref<1048576xi32, #tpu.memory_space<vmem_shared>>
        tpu.wait_indirect_dma semaphore(%run_scoped3A : memref<!tpu.dma_semaphore, #tpu.memory_space<semaphore_mem>>) src(%dma_wait3A_92 : memref<128xi32, #tpu.memory_space<vmem>>) dst(%dma_wait3A_97 : memref<1048576xi32, #tpu.memory_space<vmem_shared>>)
        tpu.yield
      }) : () -> ()
      %scan3A_55 = arith.constant 0 : i32
      %scan3A_56 = arith.constant 3 : i32
      "tpu.region"() ({
        %run_scoped3A = tpu.sem_alloc : memref<!tpu.dma_semaphore, #tpu.memory_space<semaphore_mem>>
        %dma_start3A = arith.constant 0 : i32
        %dma_start3A_84 = tpu.memref_slice %arg8[%scan3A_56, %dma_start3A] : memref<16x128xi32, #tpu.memory_space<vmem>> -> memref<1x128xi32, #tpu.memory_space<vmem>>
        %dma_start3A_85 = tpu.memref_squeeze %dma_start3A_84 : memref<1x128xi32, #tpu.memory_space<vmem>> -> memref<128xi32, #tpu.memory_space<vmem>>
        %dma_start3A_86 = arith.constant 0 : i32
        %dma_start3A_87 = tpu.memref_slice %arg7[%scan3A_56, %dma_start3A_86] : memref<16x128xi32, #tpu.memory_space<vmem>> -> memref<1x128xi32, #tpu.memory_space<vmem>>
        %dma_start3A_88 = tpu.memref_squeeze %dma_start3A_87 : memref<1x128xi32, #tpu.memory_space<vmem>> -> memref<128xi32, #tpu.memory_space<vmem>>
        %dma_start3A_89 = arith.constant 0 : i32
        %dma_start3A_90 = tpu.memref_slice %arg5[%dma_start3A_89] : memref<1048576xi32, #tpu.memory_space<vmem_shared>> -> memref<1048576xi32, #tpu.memory_space<vmem_shared>>
        tpu.enqueue_indirect_dma source(%dma_start3A_85 : memref<128xi32, #tpu.memory_space<vmem>>) target(%dma_start3A_90 : memref<1048576xi32, #tpu.memory_space<vmem_shared>>) offsets(%dma_start3A_88 : memref<128xi32, #tpu.memory_space<vmem>>) semaphore(%run_scoped3A : memref<!tpu.dma_semaphore, #tpu.memory_space<semaphore_mem>>) {add = true}
        %dma_wait3A = arith.constant 0 : i32
        %dma_wait3A_91 = tpu.memref_slice %arg8[%scan3A_56, %dma_wait3A] : memref<16x128xi32, #tpu.memory_space<vmem>> -> memref<1x128xi32, #tpu.memory_space<vmem>>
        %dma_wait3A_92 = tpu.memref_squeeze %dma_wait3A_91 : memref<1x128xi32, #tpu.memory_space<vmem>> -> memref<128xi32, #tpu.memory_space<vmem>>
        %dma_wait3A_93 = arith.constant 0 : i32
        %dma_wait3A_94 = tpu.memref_slice %arg7[%scan3A_56, %dma_wait3A_93] : memref<16x128xi32, #tpu.memory_space<vmem>> -> memref<1x128xi32, #tpu.memory_space<vmem>>
        %dma_wait3A_95 = tpu.memref_squeeze %dma_wait3A_94 : memref<1x128xi32, #tpu.memory_space<vmem>> -> memref<128xi32, #tpu.memory_space<vmem>>
        %dma_wait3A_96 = arith.constant 0 : i32
        %dma_wait3A_97 = tpu.memref_slice %arg5[%dma_wait3A_96] : memref<1048576xi32, #tpu.memory_space<vmem_shared>> -> memref<1048576xi32, #tpu.memory_space<vmem_shared>>
        tpu.wait_indirect_dma semaphore(%run_scoped3A : memref<!tpu.dma_semaphore, #tpu.memory_space<semaphore_mem>>) src(%dma_wait3A_92 : memref<128xi32, #tpu.memory_space<vmem>>) dst(%dma_wait3A_97 : memref<1048576xi32, #tpu.memory_space<vmem_shared>>)
        tpu.yield
      }) : () -> ()
      %scan3A_57 = arith.constant 0 : i32
      %scan3A_58 = arith.constant 4 : i32
      "tpu.region"() ({
        %run_scoped3A = tpu.sem_alloc : memref<!tpu.dma_semaphore, #tpu.memory_space<semaphore_mem>>
        %dma_start3A = arith.constant 0 : i32
        %dma_start3A_84 = tpu.memref_slice %arg8[%scan3A_58, %dma_start3A] : memref<16x128xi32, #tpu.memory_space<vmem>> -> memref<1x128xi32, #tpu.memory_space<vmem>>
        %dma_start3A_85 = tpu.memref_squeeze %dma_start3A_84 : memref<1x128xi32, #tpu.memory_space<vmem>> -> memref<128xi32, #tpu.memory_space<vmem>>
        %dma_start3A_86 = arith.constant 0 : i32
        %dma_start3A_87 = tpu.memref_slice %arg7[%scan3A_58, %dma_start3A_86] : memref<16x128xi32, #tpu.memory_space<vmem>> -> memref<1x128xi32, #tpu.memory_space<vmem>>
        %dma_start3A_88 = tpu.memref_squeeze %dma_start3A_87 : memref<1x128xi32, #tpu.memory_space<vmem>> -> memref<128xi32, #tpu.memory_space<vmem>>
        %dma_start3A_89 = arith.constant 0 : i32
        %dma_start3A_90 = tpu.memref_slice %arg5[%dma_start3A_89] : memref<1048576xi32, #tpu.memory_space<vmem_shared>> -> memref<1048576xi32, #tpu.memory_space<vmem_shared>>
        tpu.enqueue_indirect_dma source(%dma_start3A_85 : memref<128xi32, #tpu.memory_space<vmem>>) target(%dma_start3A_90 : memref<1048576xi32, #tpu.memory_space<vmem_shared>>) offsets(%dma_start3A_88 : memref<128xi32, #tpu.memory_space<vmem>>) semaphore(%run_scoped3A : memref<!tpu.dma_semaphore, #tpu.memory_space<semaphore_mem>>) {add = true}
        %dma_wait3A = arith.constant 0 : i32
        %dma_wait3A_91 = tpu.memref_slice %arg8[%scan3A_58, %dma_wait3A] : memref<16x128xi32, #tpu.memory_space<vmem>> -> memref<1x128xi32, #tpu.memory_space<vmem>>
        %dma_wait3A_92 = tpu.memref_squeeze %dma_wait3A_91 : memref<1x128xi32, #tpu.memory_space<vmem>> -> memref<128xi32, #tpu.memory_space<vmem>>
        %dma_wait3A_93 = arith.constant 0 : i32
        %dma_wait3A_94 = tpu.memref_slice %arg7[%scan3A_58, %dma_wait3A_93] : memref<16x128xi32, #tpu.memory_space<vmem>> -> memref<1x128xi32, #tpu.memory_space<vmem>>
        %dma_wait3A_95 = tpu.memref_squeeze %dma_wait3A_94 : memref<1x128xi32, #tpu.memory_space<vmem>> -> memref<128xi32, #tpu.memory_space<vmem>>
        %dma_wait3A_96 = arith.constant 0 : i32
        %dma_wait3A_97 = tpu.memref_slice %arg5[%dma_wait3A_96] : memref<1048576xi32, #tpu.memory_space<vmem_shared>> -> memref<1048576xi32, #tpu.memory_space<vmem_shared>>
        tpu.wait_indirect_dma semaphore(%run_scoped3A : memref<!tpu.dma_semaphore, #tpu.memory_space<semaphore_mem>>) src(%dma_wait3A_92 : memref<128xi32, #tpu.memory_space<vmem>>) dst(%dma_wait3A_97 : memref<1048576xi32, #tpu.memory_space<vmem_shared>>)
        tpu.yield
      }) : () -> ()
      %scan3A_59 = arith.constant 0 : i32
      %scan3A_60 = arith.constant 5 : i32
      "tpu.region"() ({
        %run_scoped3A = tpu.sem_alloc : memref<!tpu.dma_semaphore, #tpu.memory_space<semaphore_mem>>
        %dma_start3A = arith.constant 0 : i32
        %dma_start3A_84 = tpu.memref_slice %arg8[%scan3A_60, %dma_start3A] : memref<16x128xi32, #tpu.memory_space<vmem>> -> memref<1x128xi32, #tpu.memory_space<vmem>>
        %dma_start3A_85 = tpu.memref_squeeze %dma_start3A_84 : memref<1x128xi32, #tpu.memory_space<vmem>> -> memref<128xi32, #tpu.memory_space<vmem>>
        %dma_start3A_86 = arith.constant 0 : i32
        %dma_start3A_87 = tpu.memref_slice %arg7[%scan3A_60, %dma_start3A_86] : memref<16x128xi32, #tpu.memory_space<vmem>> -> memref<1x128xi32, #tpu.memory_space<vmem>>
        %dma_start3A_88 = tpu.memref_squeeze %dma_start3A_87 : memref<1x128xi32, #tpu.memory_space<vmem>> -> memref<128xi32, #tpu.memory_space<vmem>>
        %dma_start3A_89 = arith.constant 0 : i32
        %dma_start3A_90 = tpu.memref_slice %arg5[%dma_start3A_89] : memref<1048576xi32, #tpu.memory_space<vmem_shared>> -> memref<1048576xi32, #tpu.memory_space<vmem_shared>>
        tpu.enqueue_indirect_dma source(%dma_start3A_85 : memref<128xi32, #tpu.memory_space<vmem>>) target(%dma_start3A_90 : memref<1048576xi32, #tpu.memory_space<vmem_shared>>) offsets(%dma_start3A_88 : memref<128xi32, #tpu.memory_space<vmem>>) semaphore(%run_scoped3A : memref<!tpu.dma_semaphore, #tpu.memory_space<semaphore_mem>>) {add = true}
        %dma_wait3A = arith.constant 0 : i32
        %dma_wait3A_91 = tpu.memref_slice %arg8[%scan3A_60, %dma_wait3A] : memref<16x128xi32, #tpu.memory_space<vmem>> -> memref<1x128xi32, #tpu.memory_space<vmem>>
        %dma_wait3A_92 = tpu.memref_squeeze %dma_wait3A_91 : memref<1x128xi32, #tpu.memory_space<vmem>> -> memref<128xi32, #tpu.memory_space<vmem>>
        %dma_wait3A_93 = arith.constant 0 : i32
        %dma_wait3A_94 = tpu.memref_slice %arg7[%scan3A_60, %dma_wait3A_93] : memref<16x128xi32, #tpu.memory_space<vmem>> -> memref<1x128xi32, #tpu.memory_space<vmem>>
        %dma_wait3A_95 = tpu.memref_squeeze %dma_wait3A_94 : memref<1x128xi32, #tpu.memory_space<vmem>> -> memref<128xi32, #tpu.memory_space<vmem>>
        %dma_wait3A_96 = arith.constant 0 : i32
        %dma_wait3A_97 = tpu.memref_slice %arg5[%dma_wait3A_96] : memref<1048576xi32, #tpu.memory_space<vmem_shared>> -> memref<1048576xi32, #tpu.memory_space<vmem_shared>>
        tpu.wait_indirect_dma semaphore(%run_scoped3A : memref<!tpu.dma_semaphore, #tpu.memory_space<semaphore_mem>>) src(%dma_wait3A_92 : memref<128xi32, #tpu.memory_space<vmem>>) dst(%dma_wait3A_97 : memref<1048576xi32, #tpu.memory_space<vmem_shared>>)
        tpu.yield
      }) : () -> ()
      %scan3A_61 = arith.constant 0 : i32
      %scan3A_62 = arith.constant 6 : i32
      "tpu.region"() ({
        %run_scoped3A = tpu.sem_alloc : memref<!tpu.dma_semaphore, #tpu.memory_space<semaphore_mem>>
        %dma_start3A = arith.constant 0 : i32
        %dma_start3A_84 = tpu.memref_slice %arg8[%scan3A_62, %dma_start3A] : memref<16x128xi32, #tpu.memory_space<vmem>> -> memref<1x128xi32, #tpu.memory_space<vmem>>
        %dma_start3A_85 = tpu.memref_squeeze %dma_start3A_84 : memref<1x128xi32, #tpu.memory_space<vmem>> -> memref<128xi32, #tpu.memory_space<vmem>>
        %dma_start3A_86 = arith.constant 0 : i32
        %dma_start3A_87 = tpu.memref_slice %arg7[%scan3A_62, %dma_start3A_86] : memref<16x128xi32, #tpu.memory_space<vmem>> -> memref<1x128xi32, #tpu.memory_space<vmem>>
        %dma_start3A_88 = tpu.memref_squeeze %dma_start3A_87 : memref<1x128xi32, #tpu.memory_space<vmem>> -> memref<128xi32, #tpu.memory_space<vmem>>
        %dma_start3A_89 = arith.constant 0 : i32
        %dma_start3A_90 = tpu.memref_slice %arg5[%dma_start3A_89] : memref<1048576xi32, #tpu.memory_space<vmem_shared>> -> memref<1048576xi32, #tpu.memory_space<vmem_shared>>
        tpu.enqueue_indirect_dma source(%dma_start3A_85 : memref<128xi32, #tpu.memory_space<vmem>>) target(%dma_start3A_90 : memref<1048576xi32, #tpu.memory_space<vmem_shared>>) offsets(%dma_start3A_88 : memref<128xi32, #tpu.memory_space<vmem>>) semaphore(%run_scoped3A : memref<!tpu.dma_semaphore, #tpu.memory_space<semaphore_mem>>) {add = true}
        %dma_wait3A = arith.constant 0 : i32
        %dma_wait3A_91 = tpu.memref_slice %arg8[%scan3A_62, %dma_wait3A] : memref<16x128xi32, #tpu.memory_space<vmem>> -> memref<1x128xi32, #tpu.memory_space<vmem>>
        %dma_wait3A_92 = tpu.memref_squeeze %dma_wait3A_91 : memref<1x128xi32, #tpu.memory_space<vmem>> -> memref<128xi32, #tpu.memory_space<vmem>>
        %dma_wait3A_93 = arith.constant 0 : i32
        %dma_wait3A_94 = tpu.memref_slice %arg7[%scan3A_62, %dma_wait3A_93] : memref<16x128xi32, #tpu.memory_space<vmem>> -> memref<1x128xi32, #tpu.memory_space<vmem>>
        %dma_wait3A_95 = tpu.memref_squeeze %dma_wait3A_94 : memref<1x128xi32, #tpu.memory_space<vmem>> -> memref<128xi32, #tpu.memory_space<vmem>>
        %dma_wait3A_96 = arith.constant 0 : i32
        %dma_wait3A_97 = tpu.memref_slice %arg5[%dma_wait3A_96] : memref<1048576xi32, #tpu.memory_space<vmem_shared>> -> memref<1048576xi32, #tpu.memory_space<vmem_shared>>
        tpu.wait_indirect_dma semaphore(%run_scoped3A : memref<!tpu.dma_semaphore, #tpu.memory_space<semaphore_mem>>) src(%dma_wait3A_92 : memref<128xi32, #tpu.memory_space<vmem>>) dst(%dma_wait3A_97 : memref<1048576xi32, #tpu.memory_space<vmem_shared>>)
        tpu.yield
      }) : () -> ()
      %scan3A_63 = arith.constant 0 : i32
      %scan3A_64 = arith.constant 7 : i32
      "tpu.region"() ({
        %run_scoped3A = tpu.sem_alloc : memref<!tpu.dma_semaphore, #tpu.memory_space<semaphore_mem>>
        %dma_start3A = arith.constant 0 : i32
        %dma_start3A_84 = tpu.memref_slice %arg8[%scan3A_64, %dma_start3A] : memref<16x128xi32, #tpu.memory_space<vmem>> -> memref<1x128xi32, #tpu.memory_space<vmem>>
        %dma_start3A_85 = tpu.memref_squeeze %dma_start3A_84 : memref<1x128xi32, #tpu.memory_space<vmem>> -> memref<128xi32, #tpu.memory_space<vmem>>
        %dma_start3A_86 = arith.constant 0 : i32
        %dma_start3A_87 = tpu.memref_slice %arg7[%scan3A_64, %dma_start3A_86] : memref<16x128xi32, #tpu.memory_space<vmem>> -> memref<1x128xi32, #tpu.memory_space<vmem>>
        %dma_start3A_88 = tpu.memref_squeeze %dma_start3A_87 : memref<1x128xi32, #tpu.memory_space<vmem>> -> memref<128xi32, #tpu.memory_space<vmem>>
        %dma_start3A_89 = arith.constant 0 : i32
        %dma_start3A_90 = tpu.memref_slice %arg5[%dma_start3A_89] : memref<1048576xi32, #tpu.memory_space<vmem_shared>> -> memref<1048576xi32, #tpu.memory_space<vmem_shared>>
        tpu.enqueue_indirect_dma source(%dma_start3A_85 : memref<128xi32, #tpu.memory_space<vmem>>) target(%dma_start3A_90 : memref<1048576xi32, #tpu.memory_space<vmem_shared>>) offsets(%dma_start3A_88 : memref<128xi32, #tpu.memory_space<vmem>>) semaphore(%run_scoped3A : memref<!tpu.dma_semaphore, #tpu.memory_space<semaphore_mem>>) {add = true}
        %dma_wait3A = arith.constant 0 : i32
        %dma_wait3A_91 = tpu.memref_slice %arg8[%scan3A_64, %dma_wait3A] : memref<16x128xi32, #tpu.memory_space<vmem>> -> memref<1x128xi32, #tpu.memory_space<vmem>>
        %dma_wait3A_92 = tpu.memref_squeeze %dma_wait3A_91 : memref<1x128xi32, #tpu.memory_space<vmem>> -> memref<128xi32, #tpu.memory_space<vmem>>
        %dma_wait3A_93 = arith.constant 0 : i32
        %dma_wait3A_94 = tpu.memref_slice %arg7[%scan3A_64, %dma_wait3A_93] : memref<16x128xi32, #tpu.memory_space<vmem>> -> memref<1x128xi32, #tpu.memory_space<vmem>>
        %dma_wait3A_95 = tpu.memref_squeeze %dma_wait3A_94 : memref<1x128xi32, #tpu.memory_space<vmem>> -> memref<128xi32, #tpu.memory_space<vmem>>
        %dma_wait3A_96 = arith.constant 0 : i32
        %dma_wait3A_97 = tpu.memref_slice %arg5[%dma_wait3A_96] : memref<1048576xi32, #tpu.memory_space<vmem_shared>> -> memref<1048576xi32, #tpu.memory_space<vmem_shared>>
        tpu.wait_indirect_dma semaphore(%run_scoped3A : memref<!tpu.dma_semaphore, #tpu.memory_space<semaphore_mem>>) src(%dma_wait3A_92 : memref<128xi32, #tpu.memory_space<vmem>>) dst(%dma_wait3A_97 : memref<1048576xi32, #tpu.memory_space<vmem_shared>>)
        tpu.yield
      }) : () -> ()
      %scan3A_65 = arith.constant 0 : i32
      %scan3A_66 = arith.constant 8 : i32
      "tpu.region"() ({
        %run_scoped3A = tpu.sem_alloc : memref<!tpu.dma_semaphore, #tpu.memory_space<semaphore_mem>>
        %dma_start3A = arith.constant 0 : i32
        %dma_start3A_84 = tpu.memref_slice %arg8[%scan3A_66, %dma_start3A] : memref<16x128xi32, #tpu.memory_space<vmem>> -> memref<1x128xi32, #tpu.memory_space<vmem>>
        %dma_start3A_85 = tpu.memref_squeeze %dma_start3A_84 : memref<1x128xi32, #tpu.memory_space<vmem>> -> memref<128xi32, #tpu.memory_space<vmem>>
        %dma_start3A_86 = arith.constant 0 : i32
        %dma_start3A_87 = tpu.memref_slice %arg7[%scan3A_66, %dma_start3A_86] : memref<16x128xi32, #tpu.memory_space<vmem>> -> memref<1x128xi32, #tpu.memory_space<vmem>>
        %dma_start3A_88 = tpu.memref_squeeze %dma_start3A_87 : memref<1x128xi32, #tpu.memory_space<vmem>> -> memref<128xi32, #tpu.memory_space<vmem>>
        %dma_start3A_89 = arith.constant 0 : i32
        %dma_start3A_90 = tpu.memref_slice %arg5[%dma_start3A_89] : memref<1048576xi32, #tpu.memory_space<vmem_shared>> -> memref<1048576xi32, #tpu.memory_space<vmem_shared>>
        tpu.enqueue_indirect_dma source(%dma_start3A_85 : memref<128xi32, #tpu.memory_space<vmem>>) target(%dma_start3A_90 : memref<1048576xi32, #tpu.memory_space<vmem_shared>>) offsets(%dma_start3A_88 : memref<128xi32, #tpu.memory_space<vmem>>) semaphore(%run_scoped3A : memref<!tpu.dma_semaphore, #tpu.memory_space<semaphore_mem>>) {add = true}
        %dma_wait3A = arith.constant 0 : i32
        %dma_wait3A_91 = tpu.memref_slice %arg8[%scan3A_66, %dma_wait3A] : memref<16x128xi32, #tpu.memory_space<vmem>> -> memref<1x128xi32, #tpu.memory_space<vmem>>
        %dma_wait3A_92 = tpu.memref_squeeze %dma_wait3A_91 : memref<1x128xi32, #tpu.memory_space<vmem>> -> memref<128xi32, #tpu.memory_space<vmem>>
        %dma_wait3A_93 = arith.constant 0 : i32
        %dma_wait3A_94 = tpu.memref_slice %arg7[%scan3A_66, %dma_wait3A_93] : memref<16x128xi32, #tpu.memory_space<vmem>> -> memref<1x128xi32, #tpu.memory_space<vmem>>
        %dma_wait3A_95 = tpu.memref_squeeze %dma_wait3A_94 : memref<1x128xi32, #tpu.memory_space<vmem>> -> memref<128xi32, #tpu.memory_space<vmem>>
        %dma_wait3A_96 = arith.constant 0 : i32
        %dma_wait3A_97 = tpu.memref_slice %arg5[%dma_wait3A_96] : memref<1048576xi32, #tpu.memory_space<vmem_shared>> -> memref<1048576xi32, #tpu.memory_space<vmem_shared>>
        tpu.wait_indirect_dma semaphore(%run_scoped3A : memref<!tpu.dma_semaphore, #tpu.memory_space<semaphore_mem>>) src(%dma_wait3A_92 : memref<128xi32, #tpu.memory_space<vmem>>) dst(%dma_wait3A_97 : memref<1048576xi32, #tpu.memory_space<vmem_shared>>)
        tpu.yield
      }) : () -> ()
      %scan3A_67 = arith.constant 0 : i32
      %scan3A_68 = arith.constant 9 : i32
      "tpu.region"() ({
        %run_scoped3A = tpu.sem_alloc : memref<!tpu.dma_semaphore, #tpu.memory_space<semaphore_mem>>
        %dma_start3A = arith.constant 0 : i32
        %dma_start3A_84 = tpu.memref_slice %arg8[%scan3A_68, %dma_start3A] : memref<16x128xi32, #tpu.memory_space<vmem>> -> memref<1x128xi32, #tpu.memory_space<vmem>>
        %dma_start3A_85 = tpu.memref_squeeze %dma_start3A_84 : memref<1x128xi32, #tpu.memory_space<vmem>> -> memref<128xi32, #tpu.memory_space<vmem>>
        %dma_start3A_86 = arith.constant 0 : i32
        %dma_start3A_87 = tpu.memref_slice %arg7[%scan3A_68, %dma_start3A_86] : memref<16x128xi32, #tpu.memory_space<vmem>> -> memref<1x128xi32, #tpu.memory_space<vmem>>
        %dma_start3A_88 = tpu.memref_squeeze %dma_start3A_87 : memref<1x128xi32, #tpu.memory_space<vmem>> -> memref<128xi32, #tpu.memory_space<vmem>>
        %dma_start3A_89 = arith.constant 0 : i32
        %dma_start3A_90 = tpu.memref_slice %arg5[%dma_start3A_89] : memref<1048576xi32, #tpu.memory_space<vmem_shared>> -> memref<1048576xi32, #tpu.memory_space<vmem_shared>>
        tpu.enqueue_indirect_dma source(%dma_start3A_85 : memref<128xi32, #tpu.memory_space<vmem>>) target(%dma_start3A_90 : memref<1048576xi32, #tpu.memory_space<vmem_shared>>) offsets(%dma_start3A_88 : memref<128xi32, #tpu.memory_space<vmem>>) semaphore(%run_scoped3A : memref<!tpu.dma_semaphore, #tpu.memory_space<semaphore_mem>>) {add = true}
        %dma_wait3A = arith.constant 0 : i32
        %dma_wait3A_91 = tpu.memref_slice %arg8[%scan3A_68, %dma_wait3A] : memref<16x128xi32, #tpu.memory_space<vmem>> -> memref<1x128xi32, #tpu.memory_space<vmem>>
        %dma_wait3A_92 = tpu.memref_squeeze %dma_wait3A_91 : memref<1x128xi32, #tpu.memory_space<vmem>> -> memref<128xi32, #tpu.memory_space<vmem>>
        %dma_wait3A_93 = arith.constant 0 : i32
        %dma_wait3A_94 = tpu.memref_slice %arg7[%scan3A_68, %dma_wait3A_93] : memref<16x128xi32, #tpu.memory_space<vmem>> -> memref<1x128xi32, #tpu.memory_space<vmem>>
        %dma_wait3A_95 = tpu.memref_squeeze %dma_wait3A_94 : memref<1x128xi32, #tpu.memory_space<vmem>> -> memref<128xi32, #tpu.memory_space<vmem>>
        %dma_wait3A_96 = arith.constant 0 : i32
        %dma_wait3A_97 = tpu.memref_slice %arg5[%dma_wait3A_96] : memref<1048576xi32, #tpu.memory_space<vmem_shared>> -> memref<1048576xi32, #tpu.memory_space<vmem_shared>>
        tpu.wait_indirect_dma semaphore(%run_scoped3A : memref<!tpu.dma_semaphore, #tpu.memory_space<semaphore_mem>>) src(%dma_wait3A_92 : memref<128xi32, #tpu.memory_space<vmem>>) dst(%dma_wait3A_97 : memref<1048576xi32, #tpu.memory_space<vmem_shared>>)
        tpu.yield
      }) : () -> ()
      %scan3A_69 = arith.constant 0 : i32
      %scan3A_70 = arith.constant 10 : i32
      "tpu.region"() ({
        %run_scoped3A = tpu.sem_alloc : memref<!tpu.dma_semaphore, #tpu.memory_space<semaphore_mem>>
        %dma_start3A = arith.constant 0 : i32
        %dma_start3A_84 = tpu.memref_slice %arg8[%scan3A_70, %dma_start3A] : memref<16x128xi32, #tpu.memory_space<vmem>> -> memref<1x128xi32, #tpu.memory_space<vmem>>
        %dma_start3A_85 = tpu.memref_squeeze %dma_start3A_84 : memref<1x128xi32, #tpu.memory_space<vmem>> -> memref<128xi32, #tpu.memory_space<vmem>>
        %dma_start3A_86 = arith.constant 0 : i32
        %dma_start3A_87 = tpu.memref_slice %arg7[%scan3A_70, %dma_start3A_86] : memref<16x128xi32, #tpu.memory_space<vmem>> -> memref<1x128xi32, #tpu.memory_space<vmem>>
        %dma_start3A_88 = tpu.memref_squeeze %dma_start3A_87 : memref<1x128xi32, #tpu.memory_space<vmem>> -> memref<128xi32, #tpu.memory_space<vmem>>
        %dma_start3A_89 = arith.constant 0 : i32
        %dma_start3A_90 = tpu.memref_slice %arg5[%dma_start3A_89] : memref<1048576xi32, #tpu.memory_space<vmem_shared>> -> memref<1048576xi32, #tpu.memory_space<vmem_shared>>
        tpu.enqueue_indirect_dma source(%dma_start3A_85 : memref<128xi32, #tpu.memory_space<vmem>>) target(%dma_start3A_90 : memref<1048576xi32, #tpu.memory_space<vmem_shared>>) offsets(%dma_start3A_88 : memref<128xi32, #tpu.memory_space<vmem>>) semaphore(%run_scoped3A : memref<!tpu.dma_semaphore, #tpu.memory_space<semaphore_mem>>) {add = true}
        %dma_wait3A = arith.constant 0 : i32
        %dma_wait3A_91 = tpu.memref_slice %arg8[%scan3A_70, %dma_wait3A] : memref<16x128xi32, #tpu.memory_space<vmem>> -> memref<1x128xi32, #tpu.memory_space<vmem>>
        %dma_wait3A_92 = tpu.memref_squeeze %dma_wait3A_91 : memref<1x128xi32, #tpu.memory_space<vmem>> -> memref<128xi32, #tpu.memory_space<vmem>>
        %dma_wait3A_93 = arith.constant 0 : i32
        %dma_wait3A_94 = tpu.memref_slice %arg7[%scan3A_70, %dma_wait3A_93] : memref<16x128xi32, #tpu.memory_space<vmem>> -> memref<1x128xi32, #tpu.memory_space<vmem>>
        %dma_wait3A_95 = tpu.memref_squeeze %dma_wait3A_94 : memref<1x128xi32, #tpu.memory_space<vmem>> -> memref<128xi32, #tpu.memory_space<vmem>>
        %dma_wait3A_96 = arith.constant 0 : i32
        %dma_wait3A_97 = tpu.memref_slice %arg5[%dma_wait3A_96] : memref<1048576xi32, #tpu.memory_space<vmem_shared>> -> memref<1048576xi32, #tpu.memory_space<vmem_shared>>
        tpu.wait_indirect_dma semaphore(%run_scoped3A : memref<!tpu.dma_semaphore, #tpu.memory_space<semaphore_mem>>) src(%dma_wait3A_92 : memref<128xi32, #tpu.memory_space<vmem>>) dst(%dma_wait3A_97 : memref<1048576xi32, #tpu.memory_space<vmem_shared>>)
        tpu.yield
      }) : () -> ()
      %scan3A_71 = arith.constant 0 : i32
      %scan3A_72 = arith.constant 11 : i32
      "tpu.region"() ({
        %run_scoped3A = tpu.sem_alloc : memref<!tpu.dma_semaphore, #tpu.memory_space<semaphore_mem>>
        %dma_start3A = arith.constant 0 : i32
        %dma_start3A_84 = tpu.memref_slice %arg8[%scan3A_72, %dma_start3A] : memref<16x128xi32, #tpu.memory_space<vmem>> -> memref<1x128xi32, #tpu.memory_space<vmem>>
        %dma_start3A_85 = tpu.memref_squeeze %dma_start3A_84 : memref<1x128xi32, #tpu.memory_space<vmem>> -> memref<128xi32, #tpu.memory_space<vmem>>
        %dma_start3A_86 = arith.constant 0 : i32
        %dma_start3A_87 = tpu.memref_slice %arg7[%scan3A_72, %dma_start3A_86] : memref<16x128xi32, #tpu.memory_space<vmem>> -> memref<1x128xi32, #tpu.memory_space<vmem>>
        %dma_start3A_88 = tpu.memref_squeeze %dma_start3A_87 : memref<1x128xi32, #tpu.memory_space<vmem>> -> memref<128xi32, #tpu.memory_space<vmem>>
        %dma_start3A_89 = arith.constant 0 : i32
        %dma_start3A_90 = tpu.memref_slice %arg5[%dma_start3A_89] : memref<1048576xi32, #tpu.memory_space<vmem_shared>> -> memref<1048576xi32, #tpu.memory_space<vmem_shared>>
        tpu.enqueue_indirect_dma source(%dma_start3A_85 : memref<128xi32, #tpu.memory_space<vmem>>) target(%dma_start3A_90 : memref<1048576xi32, #tpu.memory_space<vmem_shared>>) offsets(%dma_start3A_88 : memref<128xi32, #tpu.memory_space<vmem>>) semaphore(%run_scoped3A : memref<!tpu.dma_semaphore, #tpu.memory_space<semaphore_mem>>) {add = true}
        %dma_wait3A = arith.constant 0 : i32
        %dma_wait3A_91 = tpu.memref_slice %arg8[%scan3A_72, %dma_wait3A] : memref<16x128xi32, #tpu.memory_space<vmem>> -> memref<1x128xi32, #tpu.memory_space<vmem>>
        %dma_wait3A_92 = tpu.memref_squeeze %dma_wait3A_91 : memref<1x128xi32, #tpu.memory_space<vmem>> -> memref<128xi32, #tpu.memory_space<vmem>>
        %dma_wait3A_93 = arith.constant 0 : i32
        %dma_wait3A_94 = tpu.memref_slice %arg7[%scan3A_72, %dma_wait3A_93] : memref<16x128xi32, #tpu.memory_space<vmem>> -> memref<1x128xi32, #tpu.memory_space<vmem>>
        %dma_wait3A_95 = tpu.memref_squeeze %dma_wait3A_94 : memref<1x128xi32, #tpu.memory_space<vmem>> -> memref<128xi32, #tpu.memory_space<vmem>>
        %dma_wait3A_96 = arith.constant 0 : i32
        %dma_wait3A_97 = tpu.memref_slice %arg5[%dma_wait3A_96] : memref<1048576xi32, #tpu.memory_space<vmem_shared>> -> memref<1048576xi32, #tpu.memory_space<vmem_shared>>
        tpu.wait_indirect_dma semaphore(%run_scoped3A : memref<!tpu.dma_semaphore, #tpu.memory_space<semaphore_mem>>) src(%dma_wait3A_92 : memref<128xi32, #tpu.memory_space<vmem>>) dst(%dma_wait3A_97 : memref<1048576xi32, #tpu.memory_space<vmem_shared>>)
        tpu.yield
      }) : () -> ()
      %scan3A_73 = arith.constant 0 : i32
      %scan3A_74 = arith.constant 12 : i32
      "tpu.region"() ({
        %run_scoped3A = tpu.sem_alloc : memref<!tpu.dma_semaphore, #tpu.memory_space<semaphore_mem>>
        %dma_start3A = arith.constant 0 : i32
        %dma_start3A_84 = tpu.memref_slice %arg8[%scan3A_74, %dma_start3A] : memref<16x128xi32, #tpu.memory_space<vmem>> -> memref<1x128xi32, #tpu.memory_space<vmem>>
        %dma_start3A_85 = tpu.memref_squeeze %dma_start3A_84 : memref<1x128xi32, #tpu.memory_space<vmem>> -> memref<128xi32, #tpu.memory_space<vmem>>
        %dma_start3A_86 = arith.constant 0 : i32
        %dma_start3A_87 = tpu.memref_slice %arg7[%scan3A_74, %dma_start3A_86] : memref<16x128xi32, #tpu.memory_space<vmem>> -> memref<1x128xi32, #tpu.memory_space<vmem>>
        %dma_start3A_88 = tpu.memref_squeeze %dma_start3A_87 : memref<1x128xi32, #tpu.memory_space<vmem>> -> memref<128xi32, #tpu.memory_space<vmem>>
        %dma_start3A_89 = arith.constant 0 : i32
        %dma_start3A_90 = tpu.memref_slice %arg5[%dma_start3A_89] : memref<1048576xi32, #tpu.memory_space<vmem_shared>> -> memref<1048576xi32, #tpu.memory_space<vmem_shared>>
        tpu.enqueue_indirect_dma source(%dma_start3A_85 : memref<128xi32, #tpu.memory_space<vmem>>) target(%dma_start3A_90 : memref<1048576xi32, #tpu.memory_space<vmem_shared>>) offsets(%dma_start3A_88 : memref<128xi32, #tpu.memory_space<vmem>>) semaphore(%run_scoped3A : memref<!tpu.dma_semaphore, #tpu.memory_space<semaphore_mem>>) {add = true}
        %dma_wait3A = arith.constant 0 : i32
        %dma_wait3A_91 = tpu.memref_slice %arg8[%scan3A_74, %dma_wait3A] : memref<16x128xi32, #tpu.memory_space<vmem>> -> memref<1x128xi32, #tpu.memory_space<vmem>>
        %dma_wait3A_92 = tpu.memref_squeeze %dma_wait3A_91 : memref<1x128xi32, #tpu.memory_space<vmem>> -> memref<128xi32, #tpu.memory_space<vmem>>
        %dma_wait3A_93 = arith.constant 0 : i32
        %dma_wait3A_94 = tpu.memref_slice %arg7[%scan3A_74, %dma_wait3A_93] : memref<16x128xi32, #tpu.memory_space<vmem>> -> memref<1x128xi32, #tpu.memory_space<vmem>>
        %dma_wait3A_95 = tpu.memref_squeeze %dma_wait3A_94 : memref<1x128xi32, #tpu.memory_space<vmem>> -> memref<128xi32, #tpu.memory_space<vmem>>
        %dma_wait3A_96 = arith.constant 0 : i32
        %dma_wait3A_97 = tpu.memref_slice %arg5[%dma_wait3A_96] : memref<1048576xi32, #tpu.memory_space<vmem_shared>> -> memref<1048576xi32, #tpu.memory_space<vmem_shared>>
        tpu.wait_indirect_dma semaphore(%run_scoped3A : memref<!tpu.dma_semaphore, #tpu.memory_space<semaphore_mem>>) src(%dma_wait3A_92 : memref<128xi32, #tpu.memory_space<vmem>>) dst(%dma_wait3A_97 : memref<1048576xi32, #tpu.memory_space<vmem_shared>>)
        tpu.yield
      }) : () -> ()
      %scan3A_75 = arith.constant 0 : i32
      %scan3A_76 = arith.constant 13 : i32
      "tpu.region"() ({
        %run_scoped3A = tpu.sem_alloc : memref<!tpu.dma_semaphore, #tpu.memory_space<semaphore_mem>>
        %dma_start3A = arith.constant 0 : i32
        %dma_start3A_84 = tpu.memref_slice %arg8[%scan3A_76, %dma_start3A] : memref<16x128xi32, #tpu.memory_space<vmem>> -> memref<1x128xi32, #tpu.memory_space<vmem>>
        %dma_start3A_85 = tpu.memref_squeeze %dma_start3A_84 : memref<1x128xi32, #tpu.memory_space<vmem>> -> memref<128xi32, #tpu.memory_space<vmem>>
        %dma_start3A_86 = arith.constant 0 : i32
        %dma_start3A_87 = tpu.memref_slice %arg7[%scan3A_76, %dma_start3A_86] : memref<16x128xi32, #tpu.memory_space<vmem>> -> memref<1x128xi32, #tpu.memory_space<vmem>>
        %dma_start3A_88 = tpu.memref_squeeze %dma_start3A_87 : memref<1x128xi32, #tpu.memory_space<vmem>> -> memref<128xi32, #tpu.memory_space<vmem>>
        %dma_start3A_89 = arith.constant 0 : i32
        %dma_start3A_90 = tpu.memref_slice %arg5[%dma_start3A_89] : memref<1048576xi32, #tpu.memory_space<vmem_shared>> -> memref<1048576xi32, #tpu.memory_space<vmem_shared>>
        tpu.enqueue_indirect_dma source(%dma_start3A_85 : memref<128xi32, #tpu.memory_space<vmem>>) target(%dma_start3A_90 : memref<1048576xi32, #tpu.memory_space<vmem_shared>>) offsets(%dma_start3A_88 : memref<128xi32, #tpu.memory_space<vmem>>) semaphore(%run_scoped3A : memref<!tpu.dma_semaphore, #tpu.memory_space<semaphore_mem>>) {add = true}
        %dma_wait3A = arith.constant 0 : i32
        %dma_wait3A_91 = tpu.memref_slice %arg8[%scan3A_76, %dma_wait3A] : memref<16x128xi32, #tpu.memory_space<vmem>> -> memref<1x128xi32, #tpu.memory_space<vmem>>
        %dma_wait3A_92 = tpu.memref_squeeze %dma_wait3A_91 : memref<1x128xi32, #tpu.memory_space<vmem>> -> memref<128xi32, #tpu.memory_space<vmem>>
        %dma_wait3A_93 = arith.constant 0 : i32
        %dma_wait3A_94 = tpu.memref_slice %arg7[%scan3A_76, %dma_wait3A_93] : memref<16x128xi32, #tpu.memory_space<vmem>> -> memref<1x128xi32, #tpu.memory_space<vmem>>
        %dma_wait3A_95 = tpu.memref_squeeze %dma_wait3A_94 : memref<1x128xi32, #tpu.memory_space<vmem>> -> memref<128xi32, #tpu.memory_space<vmem>>
        %dma_wait3A_96 = arith.constant 0 : i32
        %dma_wait3A_97 = tpu.memref_slice %arg5[%dma_wait3A_96] : memref<1048576xi32, #tpu.memory_space<vmem_shared>> -> memref<1048576xi32, #tpu.memory_space<vmem_shared>>
        tpu.wait_indirect_dma semaphore(%run_scoped3A : memref<!tpu.dma_semaphore, #tpu.memory_space<semaphore_mem>>) src(%dma_wait3A_92 : memref<128xi32, #tpu.memory_space<vmem>>) dst(%dma_wait3A_97 : memref<1048576xi32, #tpu.memory_space<vmem_shared>>)
        tpu.yield
      }) : () -> ()
      %scan3A_77 = arith.constant 0 : i32
      %scan3A_78 = arith.constant 14 : i32
      "tpu.region"() ({
        %run_scoped3A = tpu.sem_alloc : memref<!tpu.dma_semaphore, #tpu.memory_space<semaphore_mem>>
        %dma_start3A = arith.constant 0 : i32
        %dma_start3A_84 = tpu.memref_slice %arg8[%scan3A_78, %dma_start3A] : memref<16x128xi32, #tpu.memory_space<vmem>> -> memref<1x128xi32, #tpu.memory_space<vmem>>
        %dma_start3A_85 = tpu.memref_squeeze %dma_start3A_84 : memref<1x128xi32, #tpu.memory_space<vmem>> -> memref<128xi32, #tpu.memory_space<vmem>>
        %dma_start3A_86 = arith.constant 0 : i32
        %dma_start3A_87 = tpu.memref_slice %arg7[%scan3A_78, %dma_start3A_86] : memref<16x128xi32, #tpu.memory_space<vmem>> -> memref<1x128xi32, #tpu.memory_space<vmem>>
        %dma_start3A_88 = tpu.memref_squeeze %dma_start3A_87 : memref<1x128xi32, #tpu.memory_space<vmem>> -> memref<128xi32, #tpu.memory_space<vmem>>
        %dma_start3A_89 = arith.constant 0 : i32
        %dma_start3A_90 = tpu.memref_slice %arg5[%dma_start3A_89] : memref<1048576xi32, #tpu.memory_space<vmem_shared>> -> memref<1048576xi32, #tpu.memory_space<vmem_shared>>
        tpu.enqueue_indirect_dma source(%dma_start3A_85 : memref<128xi32, #tpu.memory_space<vmem>>) target(%dma_start3A_90 : memref<1048576xi32, #tpu.memory_space<vmem_shared>>) offsets(%dma_start3A_88 : memref<128xi32, #tpu.memory_space<vmem>>) semaphore(%run_scoped3A : memref<!tpu.dma_semaphore, #tpu.memory_space<semaphore_mem>>) {add = true}
        %dma_wait3A = arith.constant 0 : i32
        %dma_wait3A_91 = tpu.memref_slice %arg8[%scan3A_78, %dma_wait3A] : memref<16x128xi32, #tpu.memory_space<vmem>> -> memref<1x128xi32, #tpu.memory_space<vmem>>
        %dma_wait3A_92 = tpu.memref_squeeze %dma_wait3A_91 : memref<1x128xi32, #tpu.memory_space<vmem>> -> memref<128xi32, #tpu.memory_space<vmem>>
        %dma_wait3A_93 = arith.constant 0 : i32
        %dma_wait3A_94 = tpu.memref_slice %arg7[%scan3A_78, %dma_wait3A_93] : memref<16x128xi32, #tpu.memory_space<vmem>> -> memref<1x128xi32, #tpu.memory_space<vmem>>
        %dma_wait3A_95 = tpu.memref_squeeze %dma_wait3A_94 : memref<1x128xi32, #tpu.memory_space<vmem>> -> memref<128xi32, #tpu.memory_space<vmem>>
        %dma_wait3A_96 = arith.constant 0 : i32
        %dma_wait3A_97 = tpu.memref_slice %arg5[%dma_wait3A_96] : memref<1048576xi32, #tpu.memory_space<vmem_shared>> -> memref<1048576xi32, #tpu.memory_space<vmem_shared>>
        tpu.wait_indirect_dma semaphore(%run_scoped3A : memref<!tpu.dma_semaphore, #tpu.memory_space<semaphore_mem>>) src(%dma_wait3A_92 : memref<128xi32, #tpu.memory_space<vmem>>) dst(%dma_wait3A_97 : memref<1048576xi32, #tpu.memory_space<vmem_shared>>)
        tpu.yield
      }) : () -> ()
      %scan3A_79 = arith.constant 0 : i32
      %scan3A_80 = arith.constant 15 : i32
      "tpu.region"() ({
        %run_scoped3A = tpu.sem_alloc : memref<!tpu.dma_semaphore, #tpu.memory_space<semaphore_mem>>
        %dma_start3A = arith.constant 0 : i32
        %dma_start3A_84 = tpu.memref_slice %arg8[%scan3A_80, %dma_start3A] : memref<16x128xi32, #tpu.memory_space<vmem>> -> memref<1x128xi32, #tpu.memory_space<vmem>>
        %dma_start3A_85 = tpu.memref_squeeze %dma_start3A_84 : memref<1x128xi32, #tpu.memory_space<vmem>> -> memref<128xi32, #tpu.memory_space<vmem>>
        %dma_start3A_86 = arith.constant 0 : i32
        %dma_start3A_87 = tpu.memref_slice %arg7[%scan3A_80, %dma_start3A_86] : memref<16x128xi32, #tpu.memory_space<vmem>> -> memref<1x128xi32, #tpu.memory_space<vmem>>
        %dma_start3A_88 = tpu.memref_squeeze %dma_start3A_87 : memref<1x128xi32, #tpu.memory_space<vmem>> -> memref<128xi32, #tpu.memory_space<vmem>>
        %dma_start3A_89 = arith.constant 0 : i32
        %dma_start3A_90 = tpu.memref_slice %arg5[%dma_start3A_89] : memref<1048576xi32, #tpu.memory_space<vmem_shared>> -> memref<1048576xi32, #tpu.memory_space<vmem_shared>>
        tpu.enqueue_indirect_dma source(%dma_start3A_85 : memref<128xi32, #tpu.memory_space<vmem>>) target(%dma_start3A_90 : memref<1048576xi32, #tpu.memory_space<vmem_shared>>) offsets(%dma_start3A_88 : memref<128xi32, #tpu.memory_space<vmem>>) semaphore(%run_scoped3A : memref<!tpu.dma_semaphore, #tpu.memory_space<semaphore_mem>>) {add = true}
        %dma_wait3A = arith.constant 0 : i32
        %dma_wait3A_91 = tpu.memref_slice %arg8[%scan3A_80, %dma_wait3A] : memref<16x128xi32, #tpu.memory_space<vmem>> -> memref<1x128xi32, #tpu.memory_space<vmem>>
        %dma_wait3A_92 = tpu.memref_squeeze %dma_wait3A_91 : memref<1x128xi32, #tpu.memory_space<vmem>> -> memref<128xi32, #tpu.memory_space<vmem>>
        %dma_wait3A_93 = arith.constant 0 : i32
        %dma_wait3A_94 = tpu.memref_slice %arg7[%scan3A_80, %dma_wait3A_93] : memref<16x128xi32, #tpu.memory_space<vmem>> -> memref<1x128xi32, #tpu.memory_space<vmem>>
        %dma_wait3A_95 = tpu.memref_squeeze %dma_wait3A_94 : memref<1x128xi32, #tpu.memory_space<vmem>> -> memref<128xi32, #tpu.memory_space<vmem>>
        %dma_wait3A_96 = arith.constant 0 : i32
        %dma_wait3A_97 = tpu.memref_slice %arg5[%dma_wait3A_96] : memref<1048576xi32, #tpu.memory_space<vmem_shared>> -> memref<1048576xi32, #tpu.memory_space<vmem_shared>>
        tpu.wait_indirect_dma semaphore(%run_scoped3A : memref<!tpu.dma_semaphore, #tpu.memory_space<semaphore_mem>>) src(%dma_wait3A_92 : memref<128xi32, #tpu.memory_space<vmem>>) dst(%dma_wait3A_97 : memref<1048576xi32, #tpu.memory_space<vmem_shared>>)
        tpu.yield
      }) : () -> ()
      %scan3A_81 = arith.constant 0 : i32
      %scan3A_82 = arith.constant 16 : i32
      %scan3A_83 = arith.constant 0 : i32
      scf.yield %scan3A_83 : i32
    }
    %scan3A_20 = arith.constant 32 : i32
    %barrier3A_21 = arith.constant 0 : index
    tpu.barrier barrier_id(%barrier3A_21)
    %mul3A_22 = arith.constant 1048576 : i32
    %mul3A_23 = arith.muli %arg0, %mul3A_22 : i32
    %mul3A_24 = arith.constant 65536 : i32
    %mul3A_25 = arith.muli %arg1, %mul3A_24 : i32
    %add3A_26 = arith.addi %mul3A_23, %mul3A_25 : i32
    %broadcast_in_dim3A = arith.constant 0 : i32
    %broadcast_in_dim3A_27 = vector.broadcast %broadcast_in_dim3A : i32 to vector<16xi32>
    %scan3A_28 = arith.constant 0 : i32
    %scan3A_29 = arith.constant 8 : i32
    %scan3A_30 = arith.addi %scan3A_28, %scan3A_29 : i32
    %scan3A_31 = arith.constant 1 : i32
    %scan3A_32 = scf.for %scan3A_35 = %scan3A_28 to %scan3A_30 step %scan3A_31 iter_args(%scan3A_36 = %broadcast_in_dim3A_27) -> (vector<16xi32>)  : i32 {
      %mul3A_37 = arith.constant 65536 : i32
      %mul3A_38 = arith.muli %arg1, %mul3A_37 : i32
      %mul3A_39 = arith.constant 8192 : i32
      %mul3A_40 = arith.muli %scan3A_35, %mul3A_39 : i32
      %add3A_41 = arith.addi %mul3A_38, %mul3A_40 : i32
      "tpu.region"() ({
        %run_scoped3A = tpu.sem_alloc : memref<!tpu.dma_semaphore, #tpu.memory_space<semaphore_mem>>
        %dma_start3A = tpu.memref_slice %arg5[%add3A_41] : memref<1048576xi32, #tpu.memory_space<vmem_shared>> -> memref<8192xi32, #tpu.memory_space<vmem_shared>>
        %dma_start3A_51 = tpu.memref_slice %arg5[%add3A_41] : memref<1048576xi32, #tpu.memory_space<vmem_shared>> -> memref<8192xi32, #tpu.memory_space<vmem_shared>>
        tpu.enqueue_dma source(%dma_start3A_51 : memref<8192xi32, #tpu.memory_space<vmem_shared>>) target(%arg9 : memref<8192xi32, #tpu.memory_space<vmem>>) target_semaphore(%run_scoped3A : memref<!tpu.dma_semaphore, #tpu.memory_space<semaphore_mem>>)
        %dma_wait3A = tpu.memref_slice %arg5[%add3A_41] : memref<1048576xi32, #tpu.memory_space<vmem_shared>> -> memref<8192xi32, #tpu.memory_space<vmem_shared>>
        %dma_wait3A_52 = tpu.memref_slice %arg5[%add3A_41] : memref<1048576xi32, #tpu.memory_space<vmem_shared>> -> memref<8192xi32, #tpu.memory_space<vmem_shared>>
        tpu.wait_dma2 semaphore(%run_scoped3A : memref<!tpu.dma_semaphore, #tpu.memory_space<semaphore_mem>>) src(%dma_wait3A_52 : memref<8192xi32, #tpu.memory_space<vmem_shared>>) dst(%arg9 : memref<8192xi32, #tpu.memory_space<vmem>>)
        tpu.yield
      }) : () -> ()
      %scan3A_42 = arith.constant 0 : i32
      %scan3A_43 = arith.constant 512 : i32
      %scan3A_44 = arith.addi %scan3A_42, %scan3A_43 : i32
      %scan3A_45 = arith.constant 1 : i32
      %scan3A_46 = scf.for %scan3A_51 = %scan3A_42 to %scan3A_44 step %scan3A_45 iter_args(%scan3A_52 = %scan3A_36) -> (vector<16xi32>)  : i32 {
        %mul3A_53 = arith.constant 16 : i32
        %mul3A_54 = arith.muli %scan3A_51, %mul3A_53 : i32
        %get3A = arith.index_cast %mul3A_54 : i32 to index
        %get3A_55 = tpu.vector_load %arg9[%get3A] {strides = array<i32>} : memref<8192xi32, #tpu.memory_space<vmem>>, vector<16xi32>,
        %add3A_56 = arith.addi %scan3A_52, %get3A_55 : vector<16xi32>
        scf.yield %add3A_56 : vector<16xi32>
      }
      %scan3A_47 = arith.constant 512 : i32
      %mul3A_48 = arith.constant 8192 : i32
      %mul3A_49 = arith.muli %scan3A_35, %mul3A_48 : i32
      %add3A_50 = arith.addi %add3A_26, %mul3A_49 : i32
      "tpu.region"() ({
        %run_scoped3A = tpu.sem_alloc : memref<!tpu.dma_semaphore, #tpu.memory_space<semaphore_mem>>
        %dma_start3A = tpu.memref_slice %arg3[%add3A_50] : memref<2097152xi32, #tpu.memory_space<hbm>> -> memref<8192xi32, #tpu.memory_space<hbm>>
        %dma_start3A_51 = tpu.memref_slice %arg3[%add3A_50] : memref<2097152xi32, #tpu.memory_space<hbm>> -> memref<8192xi32, #tpu.memory_space<hbm>>
        tpu.enqueue_dma source(%arg9 : memref<8192xi32, #tpu.memory_space<vmem>>) target(%dma_start3A_51 : memref<8192xi32, #tpu.memory_space<hbm>>) target_semaphore(%run_scoped3A : memref<!tpu.dma_semaphore, #tpu.memory_space<semaphore_mem>>)
        %dma_wait3A = tpu.memref_slice %arg3[%add3A_50] : memref<2097152xi32, #tpu.memory_space<hbm>> -> memref<8192xi32, #tpu.memory_space<hbm>>
        %dma_wait3A_52 = tpu.memref_slice %arg3[%add3A_50] : memref<2097152xi32, #tpu.memory_space<hbm>> -> memref<8192xi32, #tpu.memory_space<hbm>>
        tpu.wait_dma2 semaphore(%run_scoped3A : memref<!tpu.dma_semaphore, #tpu.memory_space<semaphore_mem>>) src(%arg9 : memref<8192xi32, #tpu.memory_space<vmem>>) dst(%dma_wait3A_52 : memref<8192xi32, #tpu.memory_space<hbm>>)
        tpu.yield
      }) : () -> ()
      scf.yield %scan3A_46 : vector<16xi32>
    }
    %scan3A_33 = arith.constant 8 : i32
    %swap3A = arith.constant 0 : index
    %swap3A_34 = tpu.vector_load %arg10[%swap3A] {strides = array<i32>} : memref<16xi32, #tpu.memory_space<vmem>>, vector<16xi32>,
    tpu.vector_store %arg10[%swap3A], %scan3A_32 {strides = array<i32>} : memref<16xi32, #tpu.memory_space<vmem>>, vector<16xi32>,
    "tpu.region"() ({
      %run_scoped3A = tpu.sem_alloc : memref<!tpu.dma_semaphore, #tpu.memory_space<semaphore_mem>>
      %dma_start3A = arith.constant 0 : i32
      %dma_start3A_35 = tpu.memref_slice %arg4[%add3A, %dma_start3A] : memref<32x16xi32, #tpu.memory_space<hbm>> -> memref<1x16xi32, #tpu.memory_space<hbm>>
      %dma_start3A_36 = tpu.memref_squeeze %dma_start3A_35 : memref<1x16xi32, #tpu.memory_space<hbm>> -> memref<16xi32, #tpu.memory_space<hbm>>
      %dma_start3A_37 = arith.constant 0 : i32
      %dma_start3A_38 = tpu.memref_slice %arg4[%add3A, %dma_start3A_37] : memref<32x16xi32, #tpu.memory_space<hbm>> -> memref<1x16xi32, #tpu.memory_space<hbm>>
      %dma_start3A_39 = tpu.memref_squeeze %dma_start3A_38 : memref<1x16xi32, #tpu.memory_space<hbm>> -> memref<16xi32, #tpu.memory_space<hbm>>
      tpu.enqueue_dma source(%arg10 : memref<16xi32, #tpu.memory_space<vmem>>) target(%dma_start3A_39 : memref<16xi32, #tpu.memory_space<hbm>>) target_semaphore(%run_scoped3A : memref<!tpu.dma_semaphore, #tpu.memory_space<semaphore_mem>>)
      %dma_wait3A = arith.constant 0 : i32
      %dma_wait3A_40 = tpu.memref_slice %arg4[%add3A, %dma_wait3A] : memref<32x16xi32, #tpu.memory_space<hbm>> -> memref<1x16xi32, #tpu.memory_space<hbm>>
      %dma_wait3A_41 = tpu.memref_squeeze %dma_wait3A_40 : memref<1x16xi32, #tpu.memory_space<hbm>> -> memref<16xi32, #tpu.memory_space<hbm>>
      %dma_wait3A_42 = arith.constant 0 : i32
      %dma_wait3A_43 = tpu.memref_slice %arg4[%add3A, %dma_wait3A_42] : memref<32x16xi32, #tpu.memory_space<hbm>> -> memref<1x16xi32, #tpu.memory_space<hbm>>
      %dma_wait3A_44 = tpu.memref_squeeze %dma_wait3A_43 : memref<1x16xi32, #tpu.memory_space<hbm>> -> memref<16xi32, #tpu.memory_space<hbm>>
      tpu.wait_dma2 semaphore(%run_scoped3A : memref<!tpu.dma_semaphore, #tpu.memory_space<semaphore_mem>>) src(%arg10 : memref<16xi32, #tpu.memory_space<vmem>>) dst(%dma_wait3A_44 : memref<16xi32, #tpu.memory_space<hbm>>)
      tpu.yield
    }) : () -> ()
    return
  }
}

#map = affine_map<(d0, d1) -> (0)>
module attributes {stable_mosaic.version = 14 : i64} {
  func.func @k6(%arg0: i32, %arg1: i32, %arg2: memref<1048576xi32, #tpu.memory_space<hbm>>, %arg3: memref<2097152xi32, #tpu.memory_space<hbm>>, %arg4: memref<1048576xi32, #tpu.memory_space<hbm>>, %arg5: memref<65536xi32, #tpu.memory_space<vmem>>, %arg6: memref<36864xi32, #tpu.memory_space<vmem>>, %arg7: memref<8192xi32, #tpu.memory_space<vmem>>, %arg8: memref<8192xi32, #tpu.memory_space<vmem>>, %arg9: memref<16xi32, #tpu.memory_space<vmem>>, %arg10: memref<16xi32, #tpu.memory_space<vmem>>, %arg11: memref<16xi32, #tpu.memory_space<vmem>>, %arg12: memref<!tpu.dma_semaphore, #tpu.memory_space<semaphore_mem>>, %arg13: memref<!tpu.dma_semaphore, #tpu.memory_space<semaphore_mem>>) attributes {dimension_semantics = [#tpu.dimension_semantics<core_parallel>, #tpu.dimension_semantics<subcore_parallel>], iteration_bounds = array<i64: 2, 16>, scalar_prefetch = 0 : i64, scratch_operands = 9 : i64, tpu.core_type = #tpu.core_type<sc_vector_subcore>, window_params = [{transform_indices = #map}, {transform_indices = #map}, {transform_indices = #map}]} {
    %mul3A = arith.constant 16 : i32
    %mul3A_0 = arith.muli %arg0, %mul3A : i32
    %add3A = arith.addi %mul3A_0, %arg1 : i32
    %mul3A_1 = arith.constant 65536 : i32
    %mul3A_2 = arith.muli %add3A, %mul3A_1 : i32
    "tpu.region"() ({
      %run_scoped3A = tpu.sem_alloc : memref<!tpu.dma_semaphore, #tpu.memory_space<semaphore_mem>>
      %dma_start3A_33 = tpu.memref_slice %arg3[%mul3A_2] : memref<2097152xi32, #tpu.memory_space<hbm>> -> memref<65536xi32, #tpu.memory_space<hbm>>
      %dma_start3A_34 = tpu.memref_slice %arg3[%mul3A_2] : memref<2097152xi32, #tpu.memory_space<hbm>> -> memref<65536xi32, #tpu.memory_space<hbm>>
      tpu.enqueue_dma source(%dma_start3A_34 : memref<65536xi32, #tpu.memory_space<hbm>>) target(%arg5 : memref<65536xi32, #tpu.memory_space<vmem>>) target_semaphore(%run_scoped3A : memref<!tpu.dma_semaphore, #tpu.memory_space<semaphore_mem>>)
      %dma_wait3A = tpu.memref_slice %arg3[%mul3A_2] : memref<2097152xi32, #tpu.memory_space<hbm>> -> memref<65536xi32, #tpu.memory_space<hbm>>
      %dma_wait3A_35 = tpu.memref_slice %arg3[%mul3A_2] : memref<2097152xi32, #tpu.memory_space<hbm>> -> memref<65536xi32, #tpu.memory_space<hbm>>
      tpu.wait_dma2 semaphore(%run_scoped3A : memref<!tpu.dma_semaphore, #tpu.memory_space<semaphore_mem>>) src(%dma_wait3A_35 : memref<65536xi32, #tpu.memory_space<hbm>>) dst(%arg5 : memref<65536xi32, #tpu.memory_space<vmem>>)
      tpu.yield
    }) : () -> ()
    %get3A = arith.constant 0 : index
    %get3A_3 = tpu.vector_load %arg5[%get3A] {strides = array<i32>} : memref<65536xi32, #tpu.memory_space<vmem>>, vector<16xi32>,
    %slice3A = vector.extract_strided_slice %get3A_3 {offsets = [0], sizes = [1], strides = [1]} : vector<16xi32> to vector<1xi32>
    %squeeze3A = vector.extract %slice3A[0] : i32 from vector<1xi32>
    %add3A_4 = arith.constant 1 : i32
    %add3A_5 = arith.addi %add3A, %add3A_4 : i32
    %mul3A_6 = arith.constant 65536 : i32
    %mul3A_7 = arith.muli %add3A_5, %mul3A_6 : i32
    %min3A = arith.constant 2097136 : i32
    %min3A_8 = arith.minsi %mul3A_7, %min3A : i32
    %multiple_of3A = tpu.assume_multiple %min3A_8, 8 : i32
    "tpu.region"() ({
      %run_scoped3A = tpu.sem_alloc : memref<!tpu.dma_semaphore, #tpu.memory_space<semaphore_mem>>
      %dma_start3A_33 = tpu.memref_slice %arg3[%multiple_of3A] : memref<2097152xi32, #tpu.memory_space<hbm>> -> memref<16xi32, #tpu.memory_space<hbm>>
      %dma_start3A_34 = tpu.memref_slice %arg3[%multiple_of3A] : memref<2097152xi32, #tpu.memory_space<hbm>> -> memref<16xi32, #tpu.memory_space<hbm>>
      tpu.enqueue_dma source(%dma_start3A_34 : memref<16xi32, #tpu.memory_space<hbm>>) target(%arg9 : memref<16xi32, #tpu.memory_space<vmem>>) target_semaphore(%run_scoped3A : memref<!tpu.dma_semaphore, #tpu.memory_space<semaphore_mem>>)
      %dma_wait3A = tpu.memref_slice %arg3[%multiple_of3A] : memref<2097152xi32, #tpu.memory_space<hbm>> -> memref<16xi32, #tpu.memory_space<hbm>>
      %dma_wait3A_35 = tpu.memref_slice %arg3[%multiple_of3A] : memref<2097152xi32, #tpu.memory_space<hbm>> -> memref<16xi32, #tpu.memory_space<hbm>>
      tpu.wait_dma2 semaphore(%run_scoped3A : memref<!tpu.dma_semaphore, #tpu.memory_space<semaphore_mem>>) src(%dma_wait3A_35 : memref<16xi32, #tpu.memory_space<hbm>>) dst(%arg9 : memref<16xi32, #tpu.memory_space<vmem>>)
      tpu.yield
    }) : () -> ()
    %eq3A = arith.constant 31 : i32
    %eq3A_9 = arith.cmpi eq, %add3A, %eq3A : i32
    %get3A_10 = arith.constant 0 : index
    %get3A_11 = tpu.vector_load %arg9[%get3A_10] {strides = array<i32>} : memref<16xi32, #tpu.memory_space<vmem>>, vector<16xi32>,
    %slice3A_12 = vector.extract_strided_slice %get3A_11 {offsets = [0], sizes = [1], strides = [1]} : vector<16xi32> to vector<1xi32>
    %squeeze3A_13 = vector.extract %slice3A_12[0] : i32 from vector<1xi32>
    %jit3A = arith.constant 1048576 : i32
    %select_n3A = arith.select %eq3A_9, %jit3A, %squeeze3A_13 : i32
    %add3A_14 = arith.constant 7 : i32
    %add3A_15 = arith.addi %squeeze3A, %add3A_14 : i32
    %and3A = arith.constant -8 : i32
    %and3A_16 = arith.andi %add3A_15, %and3A : i32
    %and3A_17 = arith.constant -8 : i32
    %and3A_18 = arith.andi %select_n3A, %and3A_17 : i32
    %sub3A = arith.subi %and3A_18, %and3A_16 : i32
    %le3A = arith.constant 36864 : i32
    %le3A_19 = arith.cmpi sle, %sub3A, %le3A : i32
    %broadcast_in_dim3A = vector.broadcast %add3A : i32 to vector<16xi32>
    %broadcast_in_dim3A_20 = vector.broadcast %le3A_19 : i1 to vector<16xi1>
    %dma_start3A = arith.constant 0 : i32
    %dma_start3A_21 = tpu.memref_slice %arg2[%dma_start3A] : memref<1048576xi32, #tpu.memory_space<hbm>> -> memref<8192xi32, #tpu.memory_space<hbm>>
    %dma_start3A_22 = arith.constant 0 : i32
    %dma_start3A_23 = tpu.memref_slice %arg2[%dma_start3A_22] : memref<1048576xi32, #tpu.memory_space<hbm>> -> memref<8192xi32, #tpu.memory_space<hbm>>
    tpu.enqueue_dma source(%dma_start3A_23 : memref<8192xi32, #tpu.memory_space<hbm>>) target(%arg7 : memref<8192xi32, #tpu.memory_space<vmem>>) target_semaphore(%arg12 : memref<!tpu.dma_semaphore, #tpu.memory_space<semaphore_mem>>)
    %scan3A = arith.constant 0 : i32
    %scan3A_24 = arith.constant 0 : i32
    %scan3A_25 = arith.constant 128 : i32
    %scan3A_26 = arith.addi %scan3A_24, %scan3A_25 : i32
    %scan3A_27 = arith.constant 1 : i32
    %scan3A_28 = scf.for %scan3A_33 = %scan3A_24 to %scan3A_26 step %scan3A_27 iter_args(%scan3A_34 = %scan3A) -> (i32)  : i32 {
      %and3A_35 = arith.constant 1 : i32
      %and3A_36 = arith.andi %scan3A_33, %and3A_35 : i32
      %eq3A_37 = arith.constant 0 : i32
      %eq3A_38 = arith.cmpi eq, %and3A_36, %eq3A_37 : i32
      %convert_element_type3A_39 = arith.extui %eq3A_38 : i1 to i32
      %cond3A_40 = arith.constant 0 : i32
      %cond3A_41 = arith.cmpi ne, %convert_element_type3A_39, %cond3A_40 : i32
      scf.if %cond3A_41 {
        %mul3A_50 = arith.constant 8192 : i32
        %mul3A_51 = arith.muli %scan3A_33, %mul3A_50 : i32
        %multiple_of3A_52 = tpu.assume_multiple %mul3A_51, 8 : i32
        %dma_wait3A = tpu.memref_slice %arg2[%multiple_of3A_52] : memref<1048576xi32, #tpu.memory_space<hbm>> -> memref<8192xi32, #tpu.memory_space<hbm>>
        %dma_wait3A_53 = tpu.memref_slice %arg2[%multiple_of3A_52] : memref<1048576xi32, #tpu.memory_space<hbm>> -> memref<8192xi32, #tpu.memory_space<hbm>>
        tpu.wait_dma2 semaphore(%arg12 : memref<!tpu.dma_semaphore, #tpu.memory_space<semaphore_mem>>) src(%dma_wait3A_53 : memref<8192xi32, #tpu.memory_space<hbm>>) dst(%arg7 : memref<8192xi32, #tpu.memory_space<vmem>>)
        %add3A_54 = arith.constant 1 : i32
        %add3A_55 = arith.addi %scan3A_33, %add3A_54 : i32
        %lt3A = arith.constant 128 : i32
        %lt3A_56 = arith.cmpi slt, %add3A_55, %lt3A : i32
        %convert_element_type3A_57 = arith.extui %lt3A_56 : i1 to i32
        %cond3A_58 = arith.constant 0 : i32
        %cond3A_59 = arith.cmpi ne, %convert_element_type3A_57, %cond3A_58 : i32
        scf.if %cond3A_59 {
          %add3A_67 = arith.constant 1 : i32
          %add3A_68 = arith.addi %scan3A_33, %add3A_67 : i32
          %mul3A_69 = arith.constant 8192 : i32
          %mul3A_70 = arith.muli %add3A_68, %mul3A_69 : i32
          %multiple_of3A_71 = tpu.assume_multiple %mul3A_70, 8 : i32
          %dma_start3A_72 = tpu.memref_slice %arg2[%multiple_of3A_71] : memref<1048576xi32, #tpu.memory_space<hbm>> -> memref<8192xi32, #tpu.memory_space<hbm>>
          %dma_start3A_73 = tpu.memref_slice %arg2[%multiple_of3A_71] : memref<1048576xi32, #tpu.memory_space<hbm>> -> memref<8192xi32, #tpu.memory_space<hbm>>
          tpu.enqueue_dma source(%dma_start3A_73 : memref<8192xi32, #tpu.memory_space<hbm>>) target(%arg8 : memref<8192xi32, #tpu.memory_space<vmem>>) target_semaphore(%arg13 : memref<!tpu.dma_semaphore, #tpu.memory_space<semaphore_mem>>)
        } else {
        }
        %scan3A_60 = arith.constant 0 : i32
        %scan3A_61 = arith.constant 0 : i32
        %scan3A_62 = arith.constant 512 : i32
        %scan3A_63 = arith.addi %scan3A_61, %scan3A_62 : i32
        %scan3A_64 = arith.constant 2 : i32
        %scan3A_65 = scf.for %scan3A_67 = %scan3A_61 to %scan3A_63 step %scan3A_64 iter_args(%scan3A_68 = %scan3A_60) -> (i32)  : i32 {
          %mul3A_69 = arith.constant 16 : i32
          %mul3A_70 = arith.muli %scan3A_67, %mul3A_69 : i32
          %get3A_71 = arith.index_cast %mul3A_70 : i32 to index
          %get3A_72 = tpu.vector_load %arg7[%get3A_71] {strides = array<i32>} : memref<8192xi32, #tpu.memory_space<vmem>>, vector<16xi32>,
          %shift_right_logical3A = arith.constant 16 : i32
          %shift_right_logical3A_73 = vector.broadcast %shift_right_logical3A : i32 to vector<16xi32>
          %shift_right_logical3A_74 = arith.shrui %get3A_72, %shift_right_logical3A_73 : vector<16xi32>
          %eq3A_75 = arith.cmpi eq, %shift_right_logical3A_74, %broadcast_in_dim3A : vector<16xi32>
          %all_reduce_population_count3A = tpu.all_reduce %eq3A_75 {dim = 0 : i64, kind = #tpu.reduction_kind<sum>} : vector<16xi1> -> vector<16xi32>
          %slice3A_76 = vector.extract_strided_slice %all_reduce_population_count3A {offsets = [0], sizes = [1], strides = [1]} : vector<16xi32> to vector<1xi32>
          %squeeze3A_77 = vector.extract %slice3A_76[0] : i32 from vector<1xi32>
          %gt3A_78 = arith.constant 0 : i32
          %gt3A_79 = arith.cmpi sgt, %squeeze3A_77, %gt3A_78 : i32
          %convert_element_type3A_80 = arith.extui %gt3A_79 : i1 to i32
          %cond3A_81 = arith.constant 0 : i32
          %cond3A_82 = arith.cmpi ne, %convert_element_type3A_80, %cond3A_81 : i32
          scf.if %cond3A_82 {
            %and3A_103 = arith.constant 65535 : i32
            %and3A_104 = vector.broadcast %and3A_103 : i32 to vector<16xi32>
            %and3A_105 = arith.andi %get3A_72, %and3A_104 : vector<16xi32>
            %unique3A, %unique3A_106 = tpu.scan_count mask(%eq3A_75 : vector<16xi1>) value(%and3A_105 : vector<16xi32>) : vector<16xi1>, vector<16xi32>
            %gather3A = tpu.vector_load_idx %arg5[%and3A_105] : memref<65536xi32, #tpu.memory_space<vmem>>[vector<16xi32>], vector<16xi32>,
            %add3A_107 = arith.addi %gather3A, %unique3A_106 : vector<16xi32>
            tpu.vector_store_idx %arg5[%and3A_105], %add3A_107 masked %unique3A : memref<65536xi32, #tpu.memory_space<vmem>>[vector<16xi32>], vector<16xi32>, vector<16xi1>
            %add3A_108 = arith.addi %gather3A, %unique3A_106 : vector<16xi32>
            %sub3A_109 = arith.constant 1 : i32
            %sub3A_110 = vector.broadcast %sub3A_109 : i32 to vector<16xi32>
            %sub3A_111 = arith.subi %add3A_108, %sub3A_110 : vector<16xi32>
            %mul3A_112 = arith.constant 8192 : i32
            %mul3A_113 = arith.muli %scan3A_33, %mul3A_112 : i32
            %mul3A_114 = arith.constant 16 : i32
            %mul3A_115 = arith.muli %scan3A_67, %mul3A_114 : i32
            %add3A_116 = arith.addi %mul3A_113, %mul3A_115 : i32
            %broadcast_in_dim3A_117 = vector.broadcast %add3A_116 : i32 to vector<16xi32>
            %iota3A = tpu.iota {dimensions = array<i32: 0>} : vector<16xi32>
            %add3A_118 = arith.addi %broadcast_in_dim3A_117, %iota3A : vector<16xi32>
            %ge3A = vector.broadcast %and3A_16 : i32 to vector<16xi32>
            %ge3A_119 = arith.cmpi sge, %sub3A_111, %ge3A : vector<16xi32>
            %lt3A_120 = vector.broadcast %and3A_18 : i32 to vector<16xi32>
            %lt3A_121 = arith.cmpi slt, %sub3A_111, %lt3A_120 : vector<16xi32>
            %and3A_122 = arith.andi %ge3A_119, %lt3A_121 : vector<16xi1>
            %and3A_123 = arith.andi %broadcast_in_dim3A_20, %and3A_122 : vector<16xi1>
            %and3A_124 = arith.andi %eq3A_75, %and3A_123 : vector<16xi1>
            %sub3A_125 = vector.broadcast %and3A_16 : i32 to vector<16xi32>
            %sub3A_126 = arith.subi %sub3A_111, %sub3A_125 : vector<16xi32>
            tpu.vector_store_idx %arg6[%sub3A_126], %add3A_118 masked %and3A_124 : memref<36864xi32, #tpu.memory_space<vmem>>[vector<16xi32>], vector<16xi32>, vector<16xi1>
            %not3A = arith.constant dense<true> : vector<16xi1>
            %not3A_127 = arith.xori %and3A_124, %not3A : vector<16xi1>
            %and3A_128 = arith.andi %eq3A_75, %not3A_127 : vector<16xi1>
            %all_reduce_population_count3A_129 = tpu.all_reduce %and3A_128 {dim = 0 : i64, kind = #tpu.reduction_kind<sum>} : vector<16xi1> -> vector<16xi32>
            %slice3A_130 = vector.extract_strided_slice %all_reduce_population_count3A_129 {offsets = [0], sizes = [1], strides = [1]} : vector<16xi32> to vector<1xi32>
            %squeeze3A_131 = vector.extract %slice3A_130[0] : i32 from vector<1xi32>
            %gt3A_132 = arith.constant 0 : i32
            %gt3A_133 = arith.cmpi sgt, %squeeze3A_131, %gt3A_132 : i32
            %convert_element_type3A_134 = arith.extui %gt3A_133 : i1 to i32
            %cond3A_135 = arith.constant 0 : i32
            %cond3A_136 = arith.cmpi ne, %convert_element_type3A_134, %cond3A_135 : i32
            scf.if %cond3A_136 {
              %all_reduce_ffs3A = tpu.all_reduce %and3A_128 {dim = 0 : i64, kind = #tpu.reduction_kind<find_first_set>} : vector<16xi1> -> vector<16xi32>
              %swap3A = arith.constant 0 : index
              %swap3A_137 = tpu.vector_load %arg10[%swap3A] {strides = array<i32>} : memref<16xi32, #tpu.memory_space<vmem>>, vector<16xi32>,
              tpu.vector_store %arg10[%swap3A], %sub3A_111 {strides = array<i32>} : memref<16xi32, #tpu.memory_space<vmem>>, vector<16xi32>,
              %swap3A_138 = arith.constant 0 : index
              %swap3A_139 = tpu.vector_load %arg11[%swap3A_138] {strides = array<i32>} : memref<16xi32, #tpu.memory_space<vmem>>, vector<16xi32>,
              tpu.vector_store %arg11[%swap3A_138], %add3A_118 {strides = array<i32>} : memref<16xi32, #tpu.memory_space<vmem>>, vector<16xi32>,
              %gather3A_140 = tpu.vector_load_idx %arg10[%all_reduce_ffs3A] : memref<16xi32, #tpu.memory_space<vmem>>[vector<16xi32>], vector<16xi32>,
              %gather3A_141 = tpu.vector_load_idx %arg11[%all_reduce_ffs3A] : memref<16xi32, #tpu.memory_space<vmem>>[vector<16xi32>], vector<16xi32>,
              %select_n3A_142 = arith.select %and3A_128, %sub3A_111, %gather3A_140 : vector<16xi1>, vector<16xi32>
              %swap3A_143 = arith.constant 0 : index
              %swap3A_144 = tpu.vector_load %arg10[%swap3A_143] {strides = array<i32>} : memref<16xi32, #tpu.memory_space<vmem>>, vector<16xi32>,
              tpu.vector_store %arg10[%swap3A_143], %select_n3A_142 {strides = array<i32>} : memref<16xi32, #tpu.memory_space<vmem>>, vector<16xi32>,
              %select_n3A_145 = arith.select %and3A_128, %add3A_118, %gather3A_141 : vector<16xi1>, vector<16xi32>
              %swap3A_146 = arith.constant 0 : index
              %swap3A_147 = tpu.vector_load %arg11[%swap3A_146] {strides = array<i32>} : memref<16xi32, #tpu.memory_space<vmem>>, vector<16xi32>,
              tpu.vector_store %arg11[%swap3A_146], %select_n3A_145 {strides = array<i32>} : memref<16xi32, #tpu.memory_space<vmem>>, vector<16xi32>,
              "tpu.region"() ({
                %run_scoped3A = tpu.sem_alloc : memref<!tpu.dma_semaphore, #tpu.memory_space<semaphore_mem>>
                %dma_start3A_148 = arith.constant 0 : i32
                %dma_start3A_149 = tpu.memref_slice %arg4[%dma_start3A_148] : memref<1048576xi32, #tpu.memory_space<hbm>> -> memref<1048576xi32, #tpu.memory_space<hbm>>
                tpu.enqueue_indirect_dma source(%arg11 : memref<16xi32, #tpu.memory_space<vmem>>) target(%dma_start3A_149 : memref<1048576xi32, #tpu.memory_space<hbm>>) offsets(%arg10 : memref<16xi32, #tpu.memory_space<vmem>>) semaphore(%run_scoped3A : memref<!tpu.dma_semaphore, #tpu.memory_space<semaphore_mem>>)
                %dma_wait3A_150 = arith.constant 0 : i32
                %dma_wait3A_151 = tpu.memref_slice %arg4[%dma_wait3A_150] : memref<1048576xi32, #tpu.memory_space<hbm>> -> memref<1048576xi32, #tpu.memory_space<hbm>>
                tpu.wait_indirect_dma semaphore(%run_scoped3A : memref<!tpu.dma_semaphore, #tpu.memory_space<semaphore_mem>>) src(%arg11 : memref<16xi32, #tpu.memory_space<vmem>>) dst(%dma_wait3A_151 : memref<1048576xi32, #tpu.memory_space<hbm>>)
                tpu.yield
              }) : () -> ()
            } else {
            }
          } else {
          }
          %scan3A_83 = arith.constant 0 : i32
          %scan3A_84 = arith.constant 1 : i32
          %scan3A_85 = arith.addi %scan3A_67, %scan3A_84 : i32
          %mul3A_86 = arith.constant 16 : i32
          %mul3A_87 = arith.muli %scan3A_85, %mul3A_86 : i32
          %get3A_88 = arith.index_cast %mul3A_87 : i32 to index
          %get3A_89 = tpu.vector_load %arg7[%get3A_88] {strides = array<i32>} : memref<8192xi32, #tpu.memory_space<vmem>>, vector<16xi32>,
          %shift_right_logical3A_90 = arith.constant 16 : i32
          %shift_right_logical3A_91 = vector.broadcast %shift_right_logical3A_90 : i32 to vector<16xi32>
          %shift_right_logical3A_92 = arith.shrui %get3A_89, %shift_right_logical3A_91 : vector<16xi32>
          %eq3A_93 = arith.cmpi eq, %shift_right_logical3A_92, %broadcast_in_dim3A : vector<16xi32>
          %all_reduce_population_count3A_94 = tpu.all_reduce %eq3A_93 {dim = 0 : i64, kind = #tpu.reduction_kind<sum>} : vector<16xi1> -> vector<16xi32>
          %slice3A_95 = vector.extract_strided_slice %all_reduce_population_count3A_94 {offsets = [0], sizes = [1], strides = [1]} : vector<16xi32> to vector<1xi32>
          %squeeze3A_96 = vector.extract %slice3A_95[0] : i32 from vector<1xi32>
          %gt3A_97 = arith.constant 0 : i32
          %gt3A_98 = arith.cmpi sgt, %squeeze3A_96, %gt3A_97 : i32
          %convert_element_type3A_99 = arith.extui %gt3A_98 : i1 to i32
          %cond3A_100 = arith.constant 0 : i32
          %cond3A_101 = arith.cmpi ne, %convert_element_type3A_99, %cond3A_100 : i32
          scf.if %cond3A_101 {
            %and3A_103 = arith.constant 65535 : i32
            %and3A_104 = vector.broadcast %and3A_103 : i32 to vector<16xi32>
            %and3A_105 = arith.andi %get3A_89, %and3A_104 : vector<16xi32>
            %unique3A, %unique3A_106 = tpu.scan_count mask(%eq3A_93 : vector<16xi1>) value(%and3A_105 : vector<16xi32>) : vector<16xi1>, vector<16xi32>
            %gather3A = tpu.vector_load_idx %arg5[%and3A_105] : memref<65536xi32, #tpu.memory_space<vmem>>[vector<16xi32>], vector<16xi32>,
            %add3A_107 = arith.addi %gather3A, %unique3A_106 : vector<16xi32>
            tpu.vector_store_idx %arg5[%and3A_105], %add3A_107 masked %unique3A : memref<65536xi32, #tpu.memory_space<vmem>>[vector<16xi32>], vector<16xi32>, vector<16xi1>
            %add3A_108 = arith.addi %gather3A, %unique3A_106 : vector<16xi32>
            %sub3A_109 = arith.constant 1 : i32
            %sub3A_110 = vector.broadcast %sub3A_109 : i32 to vector<16xi32>
            %sub3A_111 = arith.subi %add3A_108, %sub3A_110 : vector<16xi32>
            %mul3A_112 = arith.constant 8192 : i32
            %mul3A_113 = arith.muli %scan3A_33, %mul3A_112 : i32
            %mul3A_114 = arith.constant 16 : i32
            %mul3A_115 = arith.muli %scan3A_85, %mul3A_114 : i32
            %add3A_116 = arith.addi %mul3A_113, %mul3A_115 : i32
            %broadcast_in_dim3A_117 = vector.broadcast %add3A_116 : i32 to vector<16xi32>
            %iota3A = tpu.iota {dimensions = array<i32: 0>} : vector<16xi32>
            %add3A_118 = arith.addi %broadcast_in_dim3A_117, %iota3A : vector<16xi32>
            %ge3A = vector.broadcast %and3A_16 : i32 to vector<16xi32>
            %ge3A_119 = arith.cmpi sge, %sub3A_111, %ge3A : vector<16xi32>
            %lt3A_120 = vector.broadcast %and3A_18 : i32 to vector<16xi32>
            %lt3A_121 = arith.cmpi slt, %sub3A_111, %lt3A_120 : vector<16xi32>
            %and3A_122 = arith.andi %ge3A_119, %lt3A_121 : vector<16xi1>
            %and3A_123 = arith.andi %broadcast_in_dim3A_20, %and3A_122 : vector<16xi1>
            %and3A_124 = arith.andi %eq3A_93, %and3A_123 : vector<16xi1>
            %sub3A_125 = vector.broadcast %and3A_16 : i32 to vector<16xi32>
            %sub3A_126 = arith.subi %sub3A_111, %sub3A_125 : vector<16xi32>
            tpu.vector_store_idx %arg6[%sub3A_126], %add3A_118 masked %and3A_124 : memref<36864xi32, #tpu.memory_space<vmem>>[vector<16xi32>], vector<16xi32>, vector<16xi1>
            %not3A = arith.constant dense<true> : vector<16xi1>
            %not3A_127 = arith.xori %and3A_124, %not3A : vector<16xi1>
            %and3A_128 = arith.andi %eq3A_93, %not3A_127 : vector<16xi1>
            %all_reduce_population_count3A_129 = tpu.all_reduce %and3A_128 {dim = 0 : i64, kind = #tpu.reduction_kind<sum>} : vector<16xi1> -> vector<16xi32>
            %slice3A_130 = vector.extract_strided_slice %all_reduce_population_count3A_129 {offsets = [0], sizes = [1], strides = [1]} : vector<16xi32> to vector<1xi32>
            %squeeze3A_131 = vector.extract %slice3A_130[0] : i32 from vector<1xi32>
            %gt3A_132 = arith.constant 0 : i32
            %gt3A_133 = arith.cmpi sgt, %squeeze3A_131, %gt3A_132 : i32
            %convert_element_type3A_134 = arith.extui %gt3A_133 : i1 to i32
            %cond3A_135 = arith.constant 0 : i32
            %cond3A_136 = arith.cmpi ne, %convert_element_type3A_134, %cond3A_135 : i32
            scf.if %cond3A_136 {
              %all_reduce_ffs3A = tpu.all_reduce %and3A_128 {dim = 0 : i64, kind = #tpu.reduction_kind<find_first_set>} : vector<16xi1> -> vector<16xi32>
              %swap3A = arith.constant 0 : index
              %swap3A_137 = tpu.vector_load %arg10[%swap3A] {strides = array<i32>} : memref<16xi32, #tpu.memory_space<vmem>>, vector<16xi32>,
              tpu.vector_store %arg10[%swap3A], %sub3A_111 {strides = array<i32>} : memref<16xi32, #tpu.memory_space<vmem>>, vector<16xi32>,
              %swap3A_138 = arith.constant 0 : index
              %swap3A_139 = tpu.vector_load %arg11[%swap3A_138] {strides = array<i32>} : memref<16xi32, #tpu.memory_space<vmem>>, vector<16xi32>,
              tpu.vector_store %arg11[%swap3A_138], %add3A_118 {strides = array<i32>} : memref<16xi32, #tpu.memory_space<vmem>>, vector<16xi32>,
              %gather3A_140 = tpu.vector_load_idx %arg10[%all_reduce_ffs3A] : memref<16xi32, #tpu.memory_space<vmem>>[vector<16xi32>], vector<16xi32>,
              %gather3A_141 = tpu.vector_load_idx %arg11[%all_reduce_ffs3A] : memref<16xi32, #tpu.memory_space<vmem>>[vector<16xi32>], vector<16xi32>,
              %select_n3A_142 = arith.select %and3A_128, %sub3A_111, %gather3A_140 : vector<16xi1>, vector<16xi32>
              %swap3A_143 = arith.constant 0 : index
              %swap3A_144 = tpu.vector_load %arg10[%swap3A_143] {strides = array<i32>} : memref<16xi32, #tpu.memory_space<vmem>>, vector<16xi32>,
              tpu.vector_store %arg10[%swap3A_143], %select_n3A_142 {strides = array<i32>} : memref<16xi32, #tpu.memory_space<vmem>>, vector<16xi32>,
              %select_n3A_145 = arith.select %and3A_128, %add3A_118, %gather3A_141 : vector<16xi1>, vector<16xi32>
              %swap3A_146 = arith.constant 0 : index
              %swap3A_147 = tpu.vector_load %arg11[%swap3A_146] {strides = array<i32>} : memref<16xi32, #tpu.memory_space<vmem>>, vector<16xi32>,
              tpu.vector_store %arg11[%swap3A_146], %select_n3A_145 {strides = array<i32>} : memref<16xi32, #tpu.memory_space<vmem>>, vector<16xi32>,
              "tpu.region"() ({
                %run_scoped3A = tpu.sem_alloc : memref<!tpu.dma_semaphore, #tpu.memory_space<semaphore_mem>>
                %dma_start3A_148 = arith.constant 0 : i32
                %dma_start3A_149 = tpu.memref_slice %arg4[%dma_start3A_148] : memref<1048576xi32, #tpu.memory_space<hbm>> -> memref<1048576xi32, #tpu.memory_space<hbm>>
                tpu.enqueue_indirect_dma source(%arg11 : memref<16xi32, #tpu.memory_space<vmem>>) target(%dma_start3A_149 : memref<1048576xi32, #tpu.memory_space<hbm>>) offsets(%arg10 : memref<16xi32, #tpu.memory_space<vmem>>) semaphore(%run_scoped3A : memref<!tpu.dma_semaphore, #tpu.memory_space<semaphore_mem>>)
                %dma_wait3A_150 = arith.constant 0 : i32
                %dma_wait3A_151 = tpu.memref_slice %arg4[%dma_wait3A_150] : memref<1048576xi32, #tpu.memory_space<hbm>> -> memref<1048576xi32, #tpu.memory_space<hbm>>
                tpu.wait_indirect_dma semaphore(%run_scoped3A : memref<!tpu.dma_semaphore, #tpu.memory_space<semaphore_mem>>) src(%arg11 : memref<16xi32, #tpu.memory_space<vmem>>) dst(%dma_wait3A_151 : memref<1048576xi32, #tpu.memory_space<hbm>>)
                tpu.yield
              }) : () -> ()
            } else {
            }
          } else {
          }
          %scan3A_102 = arith.constant 0 : i32
          scf.yield %scan3A_102 : i32
        }
        %scan3A_66 = arith.constant 512 : i32
      } else {
      }
      %and3A_42 = arith.constant 1 : i32
      %and3A_43 = arith.andi %scan3A_33, %and3A_42 : i32
      %eq3A_44 = arith.constant 1 : i32
      %eq3A_45 = arith.cmpi eq, %and3A_43, %eq3A_44 : i32
      %convert_element_type3A_46 = arith.extui %eq3A_45 : i1 to i32
      %cond3A_47 = arith.constant 0 : i32
      %cond3A_48 = arith.cmpi ne, %convert_element_type3A_46, %cond3A_47 : i32
      scf.if %cond3A_48 {
        %mul3A_50 = arith.constant 8192 : i32
        %mul3A_51 = arith.muli %scan3A_33, %mul3A_50 : i32
        %multiple_of3A_52 = tpu.assume_multiple %mul3A_51, 8 : i32
        %dma_wait3A = tpu.memref_slice %arg2[%multiple_of3A_52] : memref<1048576xi32, #tpu.memory_space<hbm>> -> memref<8192xi32, #tpu.memory_space<hbm>>
        %dma_wait3A_53 = tpu.memref_slice %arg2[%multiple_of3A_52] : memref<1048576xi32, #tpu.memory_space<hbm>> -> memref<8192xi32, #tpu.memory_space<hbm>>
        tpu.wait_dma2 semaphore(%arg13 : memref<!tpu.dma_semaphore, #tpu.memory_space<semaphore_mem>>) src(%dma_wait3A_53 : memref<8192xi32, #tpu.memory_space<hbm>>) dst(%arg8 : memref<8192xi32, #tpu.memory_space<vmem>>)
        %add3A_54 = arith.constant 1 : i32
        %add3A_55 = arith.addi %scan3A_33, %add3A_54 : i32
        %lt3A = arith.constant 128 : i32
        %lt3A_56 = arith.cmpi slt, %add3A_55, %lt3A : i32
        %convert_element_type3A_57 = arith.extui %lt3A_56 : i1 to i32
        %cond3A_58 = arith.constant 0 : i32
        %cond3A_59 = arith.cmpi ne, %convert_element_type3A_57, %cond3A_58 : i32
        scf.if %cond3A_59 {
          %add3A_67 = arith.constant 1 : i32
          %add3A_68 = arith.addi %scan3A_33, %add3A_67 : i32
          %mul3A_69 = arith.constant 8192 : i32
          %mul3A_70 = arith.muli %add3A_68, %mul3A_69 : i32
          %multiple_of3A_71 = tpu.assume_multiple %mul3A_70, 8 : i32
          %dma_start3A_72 = tpu.memref_slice %arg2[%multiple_of3A_71] : memref<1048576xi32, #tpu.memory_space<hbm>> -> memref<8192xi32, #tpu.memory_space<hbm>>
          %dma_start3A_73 = tpu.memref_slice %arg2[%multiple_of3A_71] : memref<1048576xi32, #tpu.memory_space<hbm>> -> memref<8192xi32, #tpu.memory_space<hbm>>
          tpu.enqueue_dma source(%dma_start3A_73 : memref<8192xi32, #tpu.memory_space<hbm>>) target(%arg7 : memref<8192xi32, #tpu.memory_space<vmem>>) target_semaphore(%arg12 : memref<!tpu.dma_semaphore, #tpu.memory_space<semaphore_mem>>)
        } else {
        }
        %scan3A_60 = arith.constant 0 : i32
        %scan3A_61 = arith.constant 0 : i32
        %scan3A_62 = arith.constant 512 : i32
        %scan3A_63 = arith.addi %scan3A_61, %scan3A_62 : i32
        %scan3A_64 = arith.constant 2 : i32
        %scan3A_65 = scf.for %scan3A_67 = %scan3A_61 to %scan3A_63 step %scan3A_64 iter_args(%scan3A_68 = %scan3A_60) -> (i32)  : i32 {
          %mul3A_69 = arith.constant 16 : i32
          %mul3A_70 = arith.muli %scan3A_67, %mul3A_69 : i32
          %get3A_71 = arith.index_cast %mul3A_70 : i32 to index
          %get3A_72 = tpu.vector_load %arg8[%get3A_71] {strides = array<i32>} : memref<8192xi32, #tpu.memory_space<vmem>>, vector<16xi32>,
          %shift_right_logical3A = arith.constant 16 : i32
          %shift_right_logical3A_73 = vector.broadcast %shift_right_logical3A : i32 to vector<16xi32>
          %shift_right_logical3A_74 = arith.shrui %get3A_72, %shift_right_logical3A_73 : vector<16xi32>
          %eq3A_75 = arith.cmpi eq, %shift_right_logical3A_74, %broadcast_in_dim3A : vector<16xi32>
          %all_reduce_population_count3A = tpu.all_reduce %eq3A_75 {dim = 0 : i64, kind = #tpu.reduction_kind<sum>} : vector<16xi1> -> vector<16xi32>
          %slice3A_76 = vector.extract_strided_slice %all_reduce_population_count3A {offsets = [0], sizes = [1], strides = [1]} : vector<16xi32> to vector<1xi32>
          %squeeze3A_77 = vector.extract %slice3A_76[0] : i32 from vector<1xi32>
          %gt3A_78 = arith.constant 0 : i32
          %gt3A_79 = arith.cmpi sgt, %squeeze3A_77, %gt3A_78 : i32
          %convert_element_type3A_80 = arith.extui %gt3A_79 : i1 to i32
          %cond3A_81 = arith.constant 0 : i32
          %cond3A_82 = arith.cmpi ne, %convert_element_type3A_80, %cond3A_81 : i32
          scf.if %cond3A_82 {
            %and3A_103 = arith.constant 65535 : i32
            %and3A_104 = vector.broadcast %and3A_103 : i32 to vector<16xi32>
            %and3A_105 = arith.andi %get3A_72, %and3A_104 : vector<16xi32>
            %unique3A, %unique3A_106 = tpu.scan_count mask(%eq3A_75 : vector<16xi1>) value(%and3A_105 : vector<16xi32>) : vector<16xi1>, vector<16xi32>
            %gather3A = tpu.vector_load_idx %arg5[%and3A_105] : memref<65536xi32, #tpu.memory_space<vmem>>[vector<16xi32>], vector<16xi32>,
            %add3A_107 = arith.addi %gather3A, %unique3A_106 : vector<16xi32>
            tpu.vector_store_idx %arg5[%and3A_105], %add3A_107 masked %unique3A : memref<65536xi32, #tpu.memory_space<vmem>>[vector<16xi32>], vector<16xi32>, vector<16xi1>
            %add3A_108 = arith.addi %gather3A, %unique3A_106 : vector<16xi32>
            %sub3A_109 = arith.constant 1 : i32
            %sub3A_110 = vector.broadcast %sub3A_109 : i32 to vector<16xi32>
            %sub3A_111 = arith.subi %add3A_108, %sub3A_110 : vector<16xi32>
            %mul3A_112 = arith.constant 8192 : i32
            %mul3A_113 = arith.muli %scan3A_33, %mul3A_112 : i32
            %mul3A_114 = arith.constant 16 : i32
            %mul3A_115 = arith.muli %scan3A_67, %mul3A_114 : i32
            %add3A_116 = arith.addi %mul3A_113, %mul3A_115 : i32
            %broadcast_in_dim3A_117 = vector.broadcast %add3A_116 : i32 to vector<16xi32>
            %iota3A = tpu.iota {dimensions = array<i32: 0>} : vector<16xi32>
            %add3A_118 = arith.addi %broadcast_in_dim3A_117, %iota3A : vector<16xi32>
            %ge3A = vector.broadcast %and3A_16 : i32 to vector<16xi32>
            %ge3A_119 = arith.cmpi sge, %sub3A_111, %ge3A : vector<16xi32>
            %lt3A_120 = vector.broadcast %and3A_18 : i32 to vector<16xi32>
            %lt3A_121 = arith.cmpi slt, %sub3A_111, %lt3A_120 : vector<16xi32>
            %and3A_122 = arith.andi %ge3A_119, %lt3A_121 : vector<16xi1>
            %and3A_123 = arith.andi %broadcast_in_dim3A_20, %and3A_122 : vector<16xi1>
            %and3A_124 = arith.andi %eq3A_75, %and3A_123 : vector<16xi1>
            %sub3A_125 = vector.broadcast %and3A_16 : i32 to vector<16xi32>
            %sub3A_126 = arith.subi %sub3A_111, %sub3A_125 : vector<16xi32>
            tpu.vector_store_idx %arg6[%sub3A_126], %add3A_118 masked %and3A_124 : memref<36864xi32, #tpu.memory_space<vmem>>[vector<16xi32>], vector<16xi32>, vector<16xi1>
            %not3A = arith.constant dense<true> : vector<16xi1>
            %not3A_127 = arith.xori %and3A_124, %not3A : vector<16xi1>
            %and3A_128 = arith.andi %eq3A_75, %not3A_127 : vector<16xi1>
            %all_reduce_population_count3A_129 = tpu.all_reduce %and3A_128 {dim = 0 : i64, kind = #tpu.reduction_kind<sum>} : vector<16xi1> -> vector<16xi32>
            %slice3A_130 = vector.extract_strided_slice %all_reduce_population_count3A_129 {offsets = [0], sizes = [1], strides = [1]} : vector<16xi32> to vector<1xi32>
            %squeeze3A_131 = vector.extract %slice3A_130[0] : i32 from vector<1xi32>
            %gt3A_132 = arith.constant 0 : i32
            %gt3A_133 = arith.cmpi sgt, %squeeze3A_131, %gt3A_132 : i32
            %convert_element_type3A_134 = arith.extui %gt3A_133 : i1 to i32
            %cond3A_135 = arith.constant 0 : i32
            %cond3A_136 = arith.cmpi ne, %convert_element_type3A_134, %cond3A_135 : i32
            scf.if %cond3A_136 {
              %all_reduce_ffs3A = tpu.all_reduce %and3A_128 {dim = 0 : i64, kind = #tpu.reduction_kind<find_first_set>} : vector<16xi1> -> vector<16xi32>
              %swap3A = arith.constant 0 : index
              %swap3A_137 = tpu.vector_load %arg10[%swap3A] {strides = array<i32>} : memref<16xi32, #tpu.memory_space<vmem>>, vector<16xi32>,
              tpu.vector_store %arg10[%swap3A], %sub3A_111 {strides = array<i32>} : memref<16xi32, #tpu.memory_space<vmem>>, vector<16xi32>,
              %swap3A_138 = arith.constant 0 : index
              %swap3A_139 = tpu.vector_load %arg11[%swap3A_138] {strides = array<i32>} : memref<16xi32, #tpu.memory_space<vmem>>, vector<16xi32>,
              tpu.vector_store %arg11[%swap3A_138], %add3A_118 {strides = array<i32>} : memref<16xi32, #tpu.memory_space<vmem>>, vector<16xi32>,
              %gather3A_140 = tpu.vector_load_idx %arg10[%all_reduce_ffs3A] : memref<16xi32, #tpu.memory_space<vmem>>[vector<16xi32>], vector<16xi32>,
              %gather3A_141 = tpu.vector_load_idx %arg11[%all_reduce_ffs3A] : memref<16xi32, #tpu.memory_space<vmem>>[vector<16xi32>], vector<16xi32>,
              %select_n3A_142 = arith.select %and3A_128, %sub3A_111, %gather3A_140 : vector<16xi1>, vector<16xi32>
              %swap3A_143 = arith.constant 0 : index
              %swap3A_144 = tpu.vector_load %arg10[%swap3A_143] {strides = array<i32>} : memref<16xi32, #tpu.memory_space<vmem>>, vector<16xi32>,
              tpu.vector_store %arg10[%swap3A_143], %select_n3A_142 {strides = array<i32>} : memref<16xi32, #tpu.memory_space<vmem>>, vector<16xi32>,
              %select_n3A_145 = arith.select %and3A_128, %add3A_118, %gather3A_141 : vector<16xi1>, vector<16xi32>
              %swap3A_146 = arith.constant 0 : index
              %swap3A_147 = tpu.vector_load %arg11[%swap3A_146] {strides = array<i32>} : memref<16xi32, #tpu.memory_space<vmem>>, vector<16xi32>,
              tpu.vector_store %arg11[%swap3A_146], %select_n3A_145 {strides = array<i32>} : memref<16xi32, #tpu.memory_space<vmem>>, vector<16xi32>,
              "tpu.region"() ({
                %run_scoped3A = tpu.sem_alloc : memref<!tpu.dma_semaphore, #tpu.memory_space<semaphore_mem>>
                %dma_start3A_148 = arith.constant 0 : i32
                %dma_start3A_149 = tpu.memref_slice %arg4[%dma_start3A_148] : memref<1048576xi32, #tpu.memory_space<hbm>> -> memref<1048576xi32, #tpu.memory_space<hbm>>
                tpu.enqueue_indirect_dma source(%arg11 : memref<16xi32, #tpu.memory_space<vmem>>) target(%dma_start3A_149 : memref<1048576xi32, #tpu.memory_space<hbm>>) offsets(%arg10 : memref<16xi32, #tpu.memory_space<vmem>>) semaphore(%run_scoped3A : memref<!tpu.dma_semaphore, #tpu.memory_space<semaphore_mem>>)
                %dma_wait3A_150 = arith.constant 0 : i32
                %dma_wait3A_151 = tpu.memref_slice %arg4[%dma_wait3A_150] : memref<1048576xi32, #tpu.memory_space<hbm>> -> memref<1048576xi32, #tpu.memory_space<hbm>>
                tpu.wait_indirect_dma semaphore(%run_scoped3A : memref<!tpu.dma_semaphore, #tpu.memory_space<semaphore_mem>>) src(%arg11 : memref<16xi32, #tpu.memory_space<vmem>>) dst(%dma_wait3A_151 : memref<1048576xi32, #tpu.memory_space<hbm>>)
                tpu.yield
              }) : () -> ()
            } else {
            }
          } else {
          }
          %scan3A_83 = arith.constant 0 : i32
          %scan3A_84 = arith.constant 1 : i32
          %scan3A_85 = arith.addi %scan3A_67, %scan3A_84 : i32
          %mul3A_86 = arith.constant 16 : i32
          %mul3A_87 = arith.muli %scan3A_85, %mul3A_86 : i32
          %get3A_88 = arith.index_cast %mul3A_87 : i32 to index
          %get3A_89 = tpu.vector_load %arg8[%get3A_88] {strides = array<i32>} : memref<8192xi32, #tpu.memory_space<vmem>>, vector<16xi32>,
          %shift_right_logical3A_90 = arith.constant 16 : i32
          %shift_right_logical3A_91 = vector.broadcast %shift_right_logical3A_90 : i32 to vector<16xi32>
          %shift_right_logical3A_92 = arith.shrui %get3A_89, %shift_right_logical3A_91 : vector<16xi32>
          %eq3A_93 = arith.cmpi eq, %shift_right_logical3A_92, %broadcast_in_dim3A : vector<16xi32>
          %all_reduce_population_count3A_94 = tpu.all_reduce %eq3A_93 {dim = 0 : i64, kind = #tpu.reduction_kind<sum>} : vector<16xi1> -> vector<16xi32>
          %slice3A_95 = vector.extract_strided_slice %all_reduce_population_count3A_94 {offsets = [0], sizes = [1], strides = [1]} : vector<16xi32> to vector<1xi32>
          %squeeze3A_96 = vector.extract %slice3A_95[0] : i32 from vector<1xi32>
          %gt3A_97 = arith.constant 0 : i32
          %gt3A_98 = arith.cmpi sgt, %squeeze3A_96, %gt3A_97 : i32
          %convert_element_type3A_99 = arith.extui %gt3A_98 : i1 to i32
          %cond3A_100 = arith.constant 0 : i32
          %cond3A_101 = arith.cmpi ne, %convert_element_type3A_99, %cond3A_100 : i32
          scf.if %cond3A_101 {
            %and3A_103 = arith.constant 65535 : i32
            %and3A_104 = vector.broadcast %and3A_103 : i32 to vector<16xi32>
            %and3A_105 = arith.andi %get3A_89, %and3A_104 : vector<16xi32>
            %unique3A, %unique3A_106 = tpu.scan_count mask(%eq3A_93 : vector<16xi1>) value(%and3A_105 : vector<16xi32>) : vector<16xi1>, vector<16xi32>
            %gather3A = tpu.vector_load_idx %arg5[%and3A_105] : memref<65536xi32, #tpu.memory_space<vmem>>[vector<16xi32>], vector<16xi32>,
            %add3A_107 = arith.addi %gather3A, %unique3A_106 : vector<16xi32>
            tpu.vector_store_idx %arg5[%and3A_105], %add3A_107 masked %unique3A : memref<65536xi32, #tpu.memory_space<vmem>>[vector<16xi32>], vector<16xi32>, vector<16xi1>
            %add3A_108 = arith.addi %gather3A, %unique3A_106 : vector<16xi32>
            %sub3A_109 = arith.constant 1 : i32
            %sub3A_110 = vector.broadcast %sub3A_109 : i32 to vector<16xi32>
            %sub3A_111 = arith.subi %add3A_108, %sub3A_110 : vector<16xi32>
            %mul3A_112 = arith.constant 8192 : i32
            %mul3A_113 = arith.muli %scan3A_33, %mul3A_112 : i32
            %mul3A_114 = arith.constant 16 : i32
            %mul3A_115 = arith.muli %scan3A_85, %mul3A_114 : i32
            %add3A_116 = arith.addi %mul3A_113, %mul3A_115 : i32
            %broadcast_in_dim3A_117 = vector.broadcast %add3A_116 : i32 to vector<16xi32>
            %iota3A = tpu.iota {dimensions = array<i32: 0>} : vector<16xi32>
            %add3A_118 = arith.addi %broadcast_in_dim3A_117, %iota3A : vector<16xi32>
            %ge3A = vector.broadcast %and3A_16 : i32 to vector<16xi32>
            %ge3A_119 = arith.cmpi sge, %sub3A_111, %ge3A : vector<16xi32>
            %lt3A_120 = vector.broadcast %and3A_18 : i32 to vector<16xi32>
            %lt3A_121 = arith.cmpi slt, %sub3A_111, %lt3A_120 : vector<16xi32>
            %and3A_122 = arith.andi %ge3A_119, %lt3A_121 : vector<16xi1>
            %and3A_123 = arith.andi %broadcast_in_dim3A_20, %and3A_122 : vector<16xi1>
            %and3A_124 = arith.andi %eq3A_93, %and3A_123 : vector<16xi1>
            %sub3A_125 = vector.broadcast %and3A_16 : i32 to vector<16xi32>
            %sub3A_126 = arith.subi %sub3A_111, %sub3A_125 : vector<16xi32>
            tpu.vector_store_idx %arg6[%sub3A_126], %add3A_118 masked %and3A_124 : memref<36864xi32, #tpu.memory_space<vmem>>[vector<16xi32>], vector<16xi32>, vector<16xi1>
            %not3A = arith.constant dense<true> : vector<16xi1>
            %not3A_127 = arith.xori %and3A_124, %not3A : vector<16xi1>
            %and3A_128 = arith.andi %eq3A_93, %not3A_127 : vector<16xi1>
            %all_reduce_population_count3A_129 = tpu.all_reduce %and3A_128 {dim = 0 : i64, kind = #tpu.reduction_kind<sum>} : vector<16xi1> -> vector<16xi32>
            %slice3A_130 = vector.extract_strided_slice %all_reduce_population_count3A_129 {offsets = [0], sizes = [1], strides = [1]} : vector<16xi32> to vector<1xi32>
            %squeeze3A_131 = vector.extract %slice3A_130[0] : i32 from vector<1xi32>
            %gt3A_132 = arith.constant 0 : i32
            %gt3A_133 = arith.cmpi sgt, %squeeze3A_131, %gt3A_132 : i32
            %convert_element_type3A_134 = arith.extui %gt3A_133 : i1 to i32
            %cond3A_135 = arith.constant 0 : i32
            %cond3A_136 = arith.cmpi ne, %convert_element_type3A_134, %cond3A_135 : i32
            scf.if %cond3A_136 {
              %all_reduce_ffs3A = tpu.all_reduce %and3A_128 {dim = 0 : i64, kind = #tpu.reduction_kind<find_first_set>} : vector<16xi1> -> vector<16xi32>
              %swap3A = arith.constant 0 : index
              %swap3A_137 = tpu.vector_load %arg10[%swap3A] {strides = array<i32>} : memref<16xi32, #tpu.memory_space<vmem>>, vector<16xi32>,
              tpu.vector_store %arg10[%swap3A], %sub3A_111 {strides = array<i32>} : memref<16xi32, #tpu.memory_space<vmem>>, vector<16xi32>,
              %swap3A_138 = arith.constant 0 : index
              %swap3A_139 = tpu.vector_load %arg11[%swap3A_138] {strides = array<i32>} : memref<16xi32, #tpu.memory_space<vmem>>, vector<16xi32>,
              tpu.vector_store %arg11[%swap3A_138], %add3A_118 {strides = array<i32>} : memref<16xi32, #tpu.memory_space<vmem>>, vector<16xi32>,
              %gather3A_140 = tpu.vector_load_idx %arg10[%all_reduce_ffs3A] : memref<16xi32, #tpu.memory_space<vmem>>[vector<16xi32>], vector<16xi32>,
              %gather3A_141 = tpu.vector_load_idx %arg11[%all_reduce_ffs3A] : memref<16xi32, #tpu.memory_space<vmem>>[vector<16xi32>], vector<16xi32>,
              %select_n3A_142 = arith.select %and3A_128, %sub3A_111, %gather3A_140 : vector<16xi1>, vector<16xi32>
              %swap3A_143 = arith.constant 0 : index
              %swap3A_144 = tpu.vector_load %arg10[%swap3A_143] {strides = array<i32>} : memref<16xi32, #tpu.memory_space<vmem>>, vector<16xi32>,
              tpu.vector_store %arg10[%swap3A_143], %select_n3A_142 {strides = array<i32>} : memref<16xi32, #tpu.memory_space<vmem>>, vector<16xi32>,
              %select_n3A_145 = arith.select %and3A_128, %add3A_118, %gather3A_141 : vector<16xi1>, vector<16xi32>
              %swap3A_146 = arith.constant 0 : index
              %swap3A_147 = tpu.vector_load %arg11[%swap3A_146] {strides = array<i32>} : memref<16xi32, #tpu.memory_space<vmem>>, vector<16xi32>,
              tpu.vector_store %arg11[%swap3A_146], %select_n3A_145 {strides = array<i32>} : memref<16xi32, #tpu.memory_space<vmem>>, vector<16xi32>,
              "tpu.region"() ({
                %run_scoped3A = tpu.sem_alloc : memref<!tpu.dma_semaphore, #tpu.memory_space<semaphore_mem>>
                %dma_start3A_148 = arith.constant 0 : i32
                %dma_start3A_149 = tpu.memref_slice %arg4[%dma_start3A_148] : memref<1048576xi32, #tpu.memory_space<hbm>> -> memref<1048576xi32, #tpu.memory_space<hbm>>
                tpu.enqueue_indirect_dma source(%arg11 : memref<16xi32, #tpu.memory_space<vmem>>) target(%dma_start3A_149 : memref<1048576xi32, #tpu.memory_space<hbm>>) offsets(%arg10 : memref<16xi32, #tpu.memory_space<vmem>>) semaphore(%run_scoped3A : memref<!tpu.dma_semaphore, #tpu.memory_space<semaphore_mem>>)
                %dma_wait3A_150 = arith.constant 0 : i32
                %dma_wait3A_151 = tpu.memref_slice %arg4[%dma_wait3A_150] : memref<1048576xi32, #tpu.memory_space<hbm>> -> memref<1048576xi32, #tpu.memory_space<hbm>>
                tpu.wait_indirect_dma semaphore(%run_scoped3A : memref<!tpu.dma_semaphore, #tpu.memory_space<semaphore_mem>>) src(%arg11 : memref<16xi32, #tpu.memory_space<vmem>>) dst(%dma_wait3A_151 : memref<1048576xi32, #tpu.memory_space<hbm>>)
                tpu.yield
              }) : () -> ()
            } else {
            }
          } else {
          }
          %scan3A_102 = arith.constant 0 : i32
          scf.yield %scan3A_102 : i32
        }
        %scan3A_66 = arith.constant 512 : i32
      } else {
      }
      %scan3A_49 = arith.constant 0 : i32
      scf.yield %scan3A_49 : i32
    }
    %scan3A_29 = arith.constant 128 : i32
    %gt3A = arith.constant 0 : i32
    %gt3A_30 = arith.cmpi sgt, %sub3A, %gt3A : i32
    %and3A_31 = arith.andi %le3A_19, %gt3A_30 : i1
    %convert_element_type3A = arith.extui %and3A_31 : i1 to i32
    %cond3A = arith.constant 0 : i32
    %cond3A_32 = arith.cmpi ne, %convert_element_type3A, %cond3A : i32
    scf.if %cond3A_32 {
      %max3A = arith.constant 0 : i32
      %max3A_33 = arith.maxsi %sub3A, %max3A : i32
      %jit3A_34 = arith.constant 8192 : i32
      %div3A = arith.divsi %max3A_33, %jit3A_34 : i32
      %sign3A = arith.constant 0 : i32
      %sign3A_35 = arith.cmpi sgt, %max3A_33, %sign3A : i32
      %sign3A_36 = arith.extui %sign3A_35 : i1 to i32
      %sign3A_37 = arith.constant 0 : i32
      %sign3A_38 = arith.cmpi slt, %max3A_33, %sign3A_37 : i32
      %sign3A_39 = arith.extui %sign3A_38 : i1 to i32
      %sign3A_40 = arith.subi %sign3A_36, %sign3A_39 : i32
      %sign3A_41 = arith.constant 0 : i32
      %sign3A_42 = arith.cmpi sgt, %jit3A_34, %sign3A_41 : i32
      %sign3A_43 = arith.extui %sign3A_42 : i1 to i32
      %sign3A_44 = arith.constant 0 : i32
      %sign3A_45 = arith.cmpi slt, %jit3A_34, %sign3A_44 : i32
      %sign3A_46 = arith.extui %sign3A_45 : i1 to i32
      %sign3A_47 = arith.subi %sign3A_43, %sign3A_46 : i32
      %ne3A = arith.cmpi ne, %sign3A_40, %sign3A_47 : i32
      %rem3A = arith.remsi %max3A_33, %jit3A_34 : i32
      %ne3A_48 = arith.constant 0 : i32
      %ne3A_49 = arith.cmpi ne, %rem3A, %ne3A_48 : i32
      %and3A_50 = arith.andi %ne3A, %ne3A_49 : i1
      %sub3A_51 = arith.constant 1 : i32
      %sub3A_52 = arith.subi %div3A, %sub3A_51 : i32
      %select_n3A_53 = arith.select %and3A_50, %sub3A_52, %div3A : i32
      %while3A = arith.constant 0 : i32
      %while3A_54 = arith.constant 0 : i32
      %while3A_55 = arith.subi %select_n3A_53, %while3A : i32
      %while3A_56 = arith.addi %while3A, %while3A_55 : i32
      %while3A_57 = arith.constant 1 : i32
      %while3A_58 = arith.divsi %while3A_55, %while3A_57 : i32
      %while3A_59 = arith.muli %while3A_58, %while3A_57 : i32
      %while3A_60 = arith.addi %while3A, %while3A_59 : i32
      %while3A_61 = arith.constant 1 : i32
      %while3A_62 = scf.for %while3A_192 = %while3A to %while3A_60 step %while3A_61 iter_args(%while3A_193 = %while3A_54) -> (i32)  : i32 {
        %mul3A_194 = arith.constant 8192 : i32
        %mul3A_195 = arith.muli %while3A_192, %mul3A_194 : i32
        %multiple_of3A_196 = tpu.assume_multiple %mul3A_195, 8 : i32
        %add3A_197 = arith.addi %and3A_16, %multiple_of3A_196 : i32
        %multiple_of3A_198 = tpu.assume_multiple %add3A_197, 8 : i32
        "tpu.region"() ({
          %run_scoped3A = tpu.sem_alloc : memref<!tpu.dma_semaphore, #tpu.memory_space<semaphore_mem>>
          %dma_start3A_200 = tpu.memref_slice %arg6[%multiple_of3A_196] : memref<36864xi32, #tpu.memory_space<vmem>> -> memref<8192xi32, #tpu.memory_space<vmem>>
          %dma_start3A_201 = tpu.memref_slice %arg4[%multiple_of3A_198] : memref<1048576xi32, #tpu.memory_space<hbm>> -> memref<8192xi32, #tpu.memory_space<hbm>>
          %dma_start3A_202 = tpu.memref_slice %arg4[%multiple_of3A_198] : memref<1048576xi32, #tpu.memory_space<hbm>> -> memref<8192xi32, #tpu.memory_space<hbm>>
          %dma_start3A_203 = tpu.memref_slice %arg6[%multiple_of3A_196] : memref<36864xi32, #tpu.memory_space<vmem>> -> memref<8192xi32, #tpu.memory_space<vmem>>
          tpu.enqueue_dma source(%dma_start3A_203 : memref<8192xi32, #tpu.memory_space<vmem>>) target(%dma_start3A_202 : memref<8192xi32, #tpu.memory_space<hbm>>) target_semaphore(%run_scoped3A : memref<!tpu.dma_semaphore, #tpu.memory_space<semaphore_mem>>)
          %dma_wait3A = tpu.memref_slice %arg6[%multiple_of3A_196] : memref<36864xi32, #tpu.memory_space<vmem>> -> memref<8192xi32, #tpu.memory_space<vmem>>
          %dma_wait3A_204 = tpu.memref_slice %arg4[%multiple_of3A_198] : memref<1048576xi32, #tpu.memory_space<hbm>> -> memref<8192xi32, #tpu.memory_space<hbm>>
          %dma_wait3A_205 = tpu.memref_slice %arg4[%multiple_of3A_198] : memref<1048576xi32, #tpu.memory_space<hbm>> -> memref<8192xi32, #tpu.memory_space<hbm>>
          %dma_wait3A_206 = tpu.memref_slice %arg6[%multiple_of3A_196] : memref<36864xi32, #tpu.memory_space<vmem>> -> memref<8192xi32, #tpu.memory_space<vmem>>
          tpu.wait_dma2 semaphore(%run_scoped3A : memref<!tpu.dma_semaphore, #tpu.memory_space<semaphore_mem>>) src(%dma_wait3A_206 : memref<8192xi32, #tpu.memory_space<vmem>>) dst(%dma_wait3A_205 : memref<8192xi32, #tpu.memory_space<hbm>>)
          tpu.yield
        }) : () -> ()
        %while3A_199 = arith.constant 0 : i32
        scf.yield %while3A_199 : i32
      }
      %while3A_63 = arith.constant 1 : i32
      %while3A_64 = scf.for %while3A_192 = %while3A_60 to %while3A_56 step %while3A_63 iter_args(%while3A_193 = %while3A_62) -> (i32)  : i32 {
        %mul3A_194 = arith.constant 8192 : i32
        %mul3A_195 = arith.muli %while3A_192, %mul3A_194 : i32
        %multiple_of3A_196 = tpu.assume_multiple %mul3A_195, 8 : i32
        %add3A_197 = arith.addi %and3A_16, %multiple_of3A_196 : i32
        %multiple_of3A_198 = tpu.assume_multiple %add3A_197, 8 : i32
        "tpu.region"() ({
          %run_scoped3A = tpu.sem_alloc : memref<!tpu.dma_semaphore, #tpu.memory_space<semaphore_mem>>
          %dma_start3A_200 = tpu.memref_slice %arg6[%multiple_of3A_196] : memref<36864xi32, #tpu.memory_space<vmem>> -> memref<8192xi32, #tpu.memory_space<vmem>>
          %dma_start3A_201 = tpu.memref_slice %arg4[%multiple_of3A_198] : memref<1048576xi32, #tpu.memory_space<hbm>> -> memref<8192xi32, #tpu.memory_space<hbm>>
          %dma_start3A_202 = tpu.memref_slice %arg4[%multiple_of3A_198] : memref<1048576xi32, #tpu.memory_space<hbm>> -> memref<8192xi32, #tpu.memory_space<hbm>>
          %dma_start3A_203 = tpu.memref_slice %arg6[%multiple_of3A_196] : memref<36864xi32, #tpu.memory_space<vmem>> -> memref<8192xi32, #tpu.memory_space<vmem>>
          tpu.enqueue_dma source(%dma_start3A_203 : memref<8192xi32, #tpu.memory_space<vmem>>) target(%dma_start3A_202 : memref<8192xi32, #tpu.memory_space<hbm>>) target_semaphore(%run_scoped3A : memref<!tpu.dma_semaphore, #tpu.memory_space<semaphore_mem>>)
          %dma_wait3A = tpu.memref_slice %arg6[%multiple_of3A_196] : memref<36864xi32, #tpu.memory_space<vmem>> -> memref<8192xi32, #tpu.memory_space<vmem>>
          %dma_wait3A_204 = tpu.memref_slice %arg4[%multiple_of3A_198] : memref<1048576xi32, #tpu.memory_space<hbm>> -> memref<8192xi32, #tpu.memory_space<hbm>>
          %dma_wait3A_205 = tpu.memref_slice %arg4[%multiple_of3A_198] : memref<1048576xi32, #tpu.memory_space<hbm>> -> memref<8192xi32, #tpu.memory_space<hbm>>
          %dma_wait3A_206 = tpu.memref_slice %arg6[%multiple_of3A_196] : memref<36864xi32, #tpu.memory_space<vmem>> -> memref<8192xi32, #tpu.memory_space<vmem>>
          tpu.wait_dma2 semaphore(%run_scoped3A : memref<!tpu.dma_semaphore, #tpu.memory_space<semaphore_mem>>) src(%dma_wait3A_206 : memref<8192xi32, #tpu.memory_space<vmem>>) dst(%dma_wait3A_205 : memref<8192xi32, #tpu.memory_space<hbm>>)
          tpu.yield
        }) : () -> ()
        %while3A_199 = arith.constant 0 : i32
        scf.yield %while3A_199 : i32
      }
      %max3A_65 = arith.constant 0 : i32
      %max3A_66 = arith.maxsi %sub3A, %max3A_65 : i32
      %mul3A_67 = arith.constant 8192 : i32
      %mul3A_68 = arith.muli %select_n3A_53, %mul3A_67 : i32
      %sub3A_69 = arith.subi %max3A_66, %mul3A_68 : i32
      %mul3A_70 = arith.constant 8192 : i32
      %mul3A_71 = arith.muli %select_n3A_53, %mul3A_70 : i32
      %and3A_72 = arith.constant 4096 : i32
      %and3A_73 = arith.andi %sub3A_69, %and3A_72 : i32
      %ne3A_74 = arith.constant 0 : i32
      %ne3A_75 = arith.cmpi ne, %and3A_73, %ne3A_74 : i32
      %multiple_of3A_76 = tpu.assume_multiple %mul3A_71, 8 : i32
      %convert_element_type3A_77 = arith.extui %ne3A_75 : i1 to i32
      %cond3A_78 = arith.constant 0 : i32
      %cond3A_79 = arith.cmpi ne, %convert_element_type3A_77, %cond3A_78 : i32
      scf.if %cond3A_79 {
        %add3A_192 = arith.addi %and3A_16, %multiple_of3A_76 : i32
        %multiple_of3A_193 = tpu.assume_multiple %add3A_192, 8 : i32
        "tpu.region"() ({
          %run_scoped3A = tpu.sem_alloc : memref<!tpu.dma_semaphore, #tpu.memory_space<semaphore_mem>>
          %dma_start3A_194 = tpu.memref_slice %arg6[%multiple_of3A_76] : memref<36864xi32, #tpu.memory_space<vmem>> -> memref<4096xi32, #tpu.memory_space<vmem>>
          %dma_start3A_195 = tpu.memref_slice %arg4[%multiple_of3A_193] : memref<1048576xi32, #tpu.memory_space<hbm>> -> memref<4096xi32, #tpu.memory_space<hbm>>
          %dma_start3A_196 = tpu.memref_slice %arg4[%multiple_of3A_193] : memref<1048576xi32, #tpu.memory_space<hbm>> -> memref<4096xi32, #tpu.memory_space<hbm>>
          %dma_start3A_197 = tpu.memref_slice %arg6[%multiple_of3A_76] : memref<36864xi32, #tpu.memory_space<vmem>> -> memref<4096xi32, #tpu.memory_space<vmem>>
          tpu.enqueue_dma source(%dma_start3A_197 : memref<4096xi32, #tpu.memory_space<vmem>>) target(%dma_start3A_196 : memref<4096xi32, #tpu.memory_space<hbm>>) target_semaphore(%run_scoped3A : memref<!tpu.dma_semaphore, #tpu.memory_space<semaphore_mem>>)
          %dma_wait3A = tpu.memref_slice %arg6[%multiple_of3A_76] : memref<36864xi32, #tpu.memory_space<vmem>> -> memref<4096xi32, #tpu.memory_space<vmem>>
          %dma_wait3A_198 = tpu.memref_slice %arg4[%multiple_of3A_193] : memref<1048576xi32, #tpu.memory_space<hbm>> -> memref<4096xi32, #tpu.memory_space<hbm>>
          %dma_wait3A_199 = tpu.memref_slice %arg4[%multiple_of3A_193] : memref<1048576xi32, #tpu.memory_space<hbm>> -> memref<4096xi32, #tpu.memory_space<hbm>>
          %dma_wait3A_200 = tpu.memref_slice %arg6[%multiple_of3A_76] : memref<36864xi32, #tpu.memory_space<vmem>> -> memref<4096xi32, #tpu.memory_space<vmem>>
          tpu.wait_dma2 semaphore(%run_scoped3A : memref<!tpu.dma_semaphore, #tpu.memory_space<semaphore_mem>>) src(%dma_wait3A_200 : memref<4096xi32, #tpu.memory_space<vmem>>) dst(%dma_wait3A_199 : memref<4096xi32, #tpu.memory_space<hbm>>)
          tpu.yield
        }) : () -> ()
      } else {
      }
      %jit3A_80 = arith.constant 4096 : i32
      %jit3A_81 = arith.constant 0 : i32
      %select_n3A_82 = arith.select %ne3A_75, %jit3A_80, %jit3A_81 : i32
      %add3A_83 = arith.addi %mul3A_71, %select_n3A_82 : i32
      %and3A_84 = arith.constant 2048 : i32
      %and3A_85 = arith.andi %sub3A_69, %and3A_84 : i32
      %ne3A_86 = arith.constant 0 : i32
      %ne3A_87 = arith.cmpi ne, %and3A_85, %ne3A_86 : i32
      %multiple_of3A_88 = tpu.assume_multiple %add3A_83, 8 : i32
      %convert_element_type3A_89 = arith.extui %ne3A_87 : i1 to i32
      %cond3A_90 = arith.constant 0 : i32
      %cond3A_91 = arith.cmpi ne, %convert_element_type3A_89, %cond3A_90 : i32
      scf.if %cond3A_91 {
        %add3A_192 = arith.addi %and3A_16, %multiple_of3A_88 : i32
        %multiple_of3A_193 = tpu.assume_multiple %add3A_192, 8 : i32
        "tpu.region"() ({
          %run_scoped3A = tpu.sem_alloc : memref<!tpu.dma_semaphore, #tpu.memory_space<semaphore_mem>>
          %dma_start3A_194 = tpu.memref_slice %arg6[%multiple_of3A_88] : memref<36864xi32, #tpu.memory_space<vmem>> -> memref<2048xi32, #tpu.memory_space<vmem>>
          %dma_start3A_195 = tpu.memref_slice %arg4[%multiple_of3A_193] : memref<1048576xi32, #tpu.memory_space<hbm>> -> memref<2048xi32, #tpu.memory_space<hbm>>
          %dma_start3A_196 = tpu.memref_slice %arg4[%multiple_of3A_193] : memref<1048576xi32, #tpu.memory_space<hbm>> -> memref<2048xi32, #tpu.memory_space<hbm>>
          %dma_start3A_197 = tpu.memref_slice %arg6[%multiple_of3A_88] : memref<36864xi32, #tpu.memory_space<vmem>> -> memref<2048xi32, #tpu.memory_space<vmem>>
          tpu.enqueue_dma source(%dma_start3A_197 : memref<2048xi32, #tpu.memory_space<vmem>>) target(%dma_start3A_196 : memref<2048xi32, #tpu.memory_space<hbm>>) target_semaphore(%run_scoped3A : memref<!tpu.dma_semaphore, #tpu.memory_space<semaphore_mem>>)
          %dma_wait3A = tpu.memref_slice %arg6[%multiple_of3A_88] : memref<36864xi32, #tpu.memory_space<vmem>> -> memref<2048xi32, #tpu.memory_space<vmem>>
          %dma_wait3A_198 = tpu.memref_slice %arg4[%multiple_of3A_193] : memref<1048576xi32, #tpu.memory_space<hbm>> -> memref<2048xi32, #tpu.memory_space<hbm>>
          %dma_wait3A_199 = tpu.memref_slice %arg4[%multiple_of3A_193] : memref<1048576xi32, #tpu.memory_space<hbm>> -> memref<2048xi32, #tpu.memory_space<hbm>>
          %dma_wait3A_200 = tpu.memref_slice %arg6[%multiple_of3A_88] : memref<36864xi32, #tpu.memory_space<vmem>> -> memref<2048xi32, #tpu.memory_space<vmem>>
          tpu.wait_dma2 semaphore(%run_scoped3A : memref<!tpu.dma_semaphore, #tpu.memory_space<semaphore_mem>>) src(%dma_wait3A_200 : memref<2048xi32, #tpu.memory_space<vmem>>) dst(%dma_wait3A_199 : memref<2048xi32, #tpu.memory_space<hbm>>)
          tpu.yield
        }) : () -> ()
      } else {
      }
      %jit3A_92 = arith.constant 2048 : i32
      %jit3A_93 = arith.constant 0 : i32
      %select_n3A_94 = arith.select %ne3A_87, %jit3A_92, %jit3A_93 : i32
      %add3A_95 = arith.addi %add3A_83, %select_n3A_94 : i32
      %and3A_96 = arith.constant 1024 : i32
      %and3A_97 = arith.andi %sub3A_69, %and3A_96 : i32
      %ne3A_98 = arith.constant 0 : i32
      %ne3A_99 = arith.cmpi ne, %and3A_97, %ne3A_98 : i32
      %multiple_of3A_100 = tpu.assume_multiple %add3A_95, 8 : i32
      %convert_element_type3A_101 = arith.extui %ne3A_99 : i1 to i32
      %cond3A_102 = arith.constant 0 : i32
      %cond3A_103 = arith.cmpi ne, %convert_element_type3A_101, %cond3A_102 : i32
      scf.if %cond3A_103 {
        %add3A_192 = arith.addi %and3A_16, %multiple_of3A_100 : i32
        %multiple_of3A_193 = tpu.assume_multiple %add3A_192, 8 : i32
        "tpu.region"() ({
          %run_scoped3A = tpu.sem_alloc : memref<!tpu.dma_semaphore, #tpu.memory_space<semaphore_mem>>
          %dma_start3A_194 = tpu.memref_slice %arg6[%multiple_of3A_100] : memref<36864xi32, #tpu.memory_space<vmem>> -> memref<1024xi32, #tpu.memory_space<vmem>>
          %dma_start3A_195 = tpu.memref_slice %arg4[%multiple_of3A_193] : memref<1048576xi32, #tpu.memory_space<hbm>> -> memref<1024xi32, #tpu.memory_space<hbm>>
          %dma_start3A_196 = tpu.memref_slice %arg4[%multiple_of3A_193] : memref<1048576xi32, #tpu.memory_space<hbm>> -> memref<1024xi32, #tpu.memory_space<hbm>>
          %dma_start3A_197 = tpu.memref_slice %arg6[%multiple_of3A_100] : memref<36864xi32, #tpu.memory_space<vmem>> -> memref<1024xi32, #tpu.memory_space<vmem>>
          tpu.enqueue_dma source(%dma_start3A_197 : memref<1024xi32, #tpu.memory_space<vmem>>) target(%dma_start3A_196 : memref<1024xi32, #tpu.memory_space<hbm>>) target_semaphore(%run_scoped3A : memref<!tpu.dma_semaphore, #tpu.memory_space<semaphore_mem>>)
          %dma_wait3A = tpu.memref_slice %arg6[%multiple_of3A_100] : memref<36864xi32, #tpu.memory_space<vmem>> -> memref<1024xi32, #tpu.memory_space<vmem>>
          %dma_wait3A_198 = tpu.memref_slice %arg4[%multiple_of3A_193] : memref<1048576xi32, #tpu.memory_space<hbm>> -> memref<1024xi32, #tpu.memory_space<hbm>>
          %dma_wait3A_199 = tpu.memref_slice %arg4[%multiple_of3A_193] : memref<1048576xi32, #tpu.memory_space<hbm>> -> memref<1024xi32, #tpu.memory_space<hbm>>
          %dma_wait3A_200 = tpu.memref_slice %arg6[%multiple_of3A_100] : memref<36864xi32, #tpu.memory_space<vmem>> -> memref<1024xi32, #tpu.memory_space<vmem>>
          tpu.wait_dma2 semaphore(%run_scoped3A : memref<!tpu.dma_semaphore, #tpu.memory_space<semaphore_mem>>) src(%dma_wait3A_200 : memref<1024xi32, #tpu.memory_space<vmem>>) dst(%dma_wait3A_199 : memref<1024xi32, #tpu.memory_space<hbm>>)
          tpu.yield
        }) : () -> ()
      } else {
      }
      %jit3A_104 = arith.constant 1024 : i32
      %jit3A_105 = arith.constant 0 : i32
      %select_n3A_106 = arith.select %ne3A_99, %jit3A_104, %jit3A_105 : i32
      %add3A_107 = arith.addi %add3A_95, %select_n3A_106 : i32
      %and3A_108 = arith.constant 512 : i32
      %and3A_109 = arith.andi %sub3A_69, %and3A_108 : i32
      %ne3A_110 = arith.constant 0 : i32
      %ne3A_111 = arith.cmpi ne, %and3A_109, %ne3A_110 : i32
      %multiple_of3A_112 = tpu.assume_multiple %add3A_107, 8 : i32
      %convert_element_type3A_113 = arith.extui %ne3A_111 : i1 to i32
      %cond3A_114 = arith.constant 0 : i32
      %cond3A_115 = arith.cmpi ne, %convert_element_type3A_113, %cond3A_114 : i32
      scf.if %cond3A_115 {
        %add3A_192 = arith.addi %and3A_16, %multiple_of3A_112 : i32
        %multiple_of3A_193 = tpu.assume_multiple %add3A_192, 8 : i32
        "tpu.region"() ({
          %run_scoped3A = tpu.sem_alloc : memref<!tpu.dma_semaphore, #tpu.memory_space<semaphore_mem>>
          %dma_start3A_194 = tpu.memref_slice %arg6[%multiple_of3A_112] : memref<36864xi32, #tpu.memory_space<vmem>> -> memref<512xi32, #tpu.memory_space<vmem>>
          %dma_start3A_195 = tpu.memref_slice %arg4[%multiple_of3A_193] : memref<1048576xi32, #tpu.memory_space<hbm>> -> memref<512xi32, #tpu.memory_space<hbm>>
          %dma_start3A_196 = tpu.memref_slice %arg4[%multiple_of3A_193] : memref<1048576xi32, #tpu.memory_space<hbm>> -> memref<512xi32, #tpu.memory_space<hbm>>
          %dma_start3A_197 = tpu.memref_slice %arg6[%multiple_of3A_112] : memref<36864xi32, #tpu.memory_space<vmem>> -> memref<512xi32, #tpu.memory_space<vmem>>
          tpu.enqueue_dma source(%dma_start3A_197 : memref<512xi32, #tpu.memory_space<vmem>>) target(%dma_start3A_196 : memref<512xi32, #tpu.memory_space<hbm>>) target_semaphore(%run_scoped3A : memref<!tpu.dma_semaphore, #tpu.memory_space<semaphore_mem>>)
          %dma_wait3A = tpu.memref_slice %arg6[%multiple_of3A_112] : memref<36864xi32, #tpu.memory_space<vmem>> -> memref<512xi32, #tpu.memory_space<vmem>>
          %dma_wait3A_198 = tpu.memref_slice %arg4[%multiple_of3A_193] : memref<1048576xi32, #tpu.memory_space<hbm>> -> memref<512xi32, #tpu.memory_space<hbm>>
          %dma_wait3A_199 = tpu.memref_slice %arg4[%multiple_of3A_193] : memref<1048576xi32, #tpu.memory_space<hbm>> -> memref<512xi32, #tpu.memory_space<hbm>>
          %dma_wait3A_200 = tpu.memref_slice %arg6[%multiple_of3A_112] : memref<36864xi32, #tpu.memory_space<vmem>> -> memref<512xi32, #tpu.memory_space<vmem>>
          tpu.wait_dma2 semaphore(%run_scoped3A : memref<!tpu.dma_semaphore, #tpu.memory_space<semaphore_mem>>) src(%dma_wait3A_200 : memref<512xi32, #tpu.memory_space<vmem>>) dst(%dma_wait3A_199 : memref<512xi32, #tpu.memory_space<hbm>>)
          tpu.yield
        }) : () -> ()
      } else {
      }
      %jit3A_116 = arith.constant 512 : i32
      %jit3A_117 = arith.constant 0 : i32
      %select_n3A_118 = arith.select %ne3A_111, %jit3A_116, %jit3A_117 : i32
      %add3A_119 = arith.addi %add3A_107, %select_n3A_118 : i32
      %and3A_120 = arith.constant 256 : i32
      %and3A_121 = arith.andi %sub3A_69, %and3A_120 : i32
      %ne3A_122 = arith.constant 0 : i32
      %ne3A_123 = arith.cmpi ne, %and3A_121, %ne3A_122 : i32
      %multiple_of3A_124 = tpu.assume_multiple %add3A_119, 8 : i32
      %convert_element_type3A_125 = arith.extui %ne3A_123 : i1 to i32
      %cond3A_126 = arith.constant 0 : i32
      %cond3A_127 = arith.cmpi ne, %convert_element_type3A_125, %cond3A_126 : i32
      scf.if %cond3A_127 {
        %add3A_192 = arith.addi %and3A_16, %multiple_of3A_124 : i32
        %multiple_of3A_193 = tpu.assume_multiple %add3A_192, 8 : i32
        "tpu.region"() ({
          %run_scoped3A = tpu.sem_alloc : memref<!tpu.dma_semaphore, #tpu.memory_space<semaphore_mem>>
          %dma_start3A_194 = tpu.memref_slice %arg6[%multiple_of3A_124] : memref<36864xi32, #tpu.memory_space<vmem>> -> memref<256xi32, #tpu.memory_space<vmem>>
          %dma_start3A_195 = tpu.memref_slice %arg4[%multiple_of3A_193] : memref<1048576xi32, #tpu.memory_space<hbm>> -> memref<256xi32, #tpu.memory_space<hbm>>
          %dma_start3A_196 = tpu.memref_slice %arg4[%multiple_of3A_193] : memref<1048576xi32, #tpu.memory_space<hbm>> -> memref<256xi32, #tpu.memory_space<hbm>>
          %dma_start3A_197 = tpu.memref_slice %arg6[%multiple_of3A_124] : memref<36864xi32, #tpu.memory_space<vmem>> -> memref<256xi32, #tpu.memory_space<vmem>>
          tpu.enqueue_dma source(%dma_start3A_197 : memref<256xi32, #tpu.memory_space<vmem>>) target(%dma_start3A_196 : memref<256xi32, #tpu.memory_space<hbm>>) target_semaphore(%run_scoped3A : memref<!tpu.dma_semaphore, #tpu.memory_space<semaphore_mem>>)
          %dma_wait3A = tpu.memref_slice %arg6[%multiple_of3A_124] : memref<36864xi32, #tpu.memory_space<vmem>> -> memref<256xi32, #tpu.memory_space<vmem>>
          %dma_wait3A_198 = tpu.memref_slice %arg4[%multiple_of3A_193] : memref<1048576xi32, #tpu.memory_space<hbm>> -> memref<256xi32, #tpu.memory_space<hbm>>
          %dma_wait3A_199 = tpu.memref_slice %arg4[%multiple_of3A_193] : memref<1048576xi32, #tpu.memory_space<hbm>> -> memref<256xi32, #tpu.memory_space<hbm>>
          %dma_wait3A_200 = tpu.memref_slice %arg6[%multiple_of3A_124] : memref<36864xi32, #tpu.memory_space<vmem>> -> memref<256xi32, #tpu.memory_space<vmem>>
          tpu.wait_dma2 semaphore(%run_scoped3A : memref<!tpu.dma_semaphore, #tpu.memory_space<semaphore_mem>>) src(%dma_wait3A_200 : memref<256xi32, #tpu.memory_space<vmem>>) dst(%dma_wait3A_199 : memref<256xi32, #tpu.memory_space<hbm>>)
          tpu.yield
        }) : () -> ()
      } else {
      }
      %jit3A_128 = arith.constant 256 : i32
      %jit3A_129 = arith.constant 0 : i32
      %select_n3A_130 = arith.select %ne3A_123, %jit3A_128, %jit3A_129 : i32
      %add3A_131 = arith.addi %add3A_119, %select_n3A_130 : i32
      %and3A_132 = arith.constant 128 : i32
      %and3A_133 = arith.andi %sub3A_69, %and3A_132 : i32
      %ne3A_134 = arith.constant 0 : i32
      %ne3A_135 = arith.cmpi ne, %and3A_133, %ne3A_134 : i32
      %multiple_of3A_136 = tpu.assume_multiple %add3A_131, 8 : i32
      %convert_element_type3A_137 = arith.extui %ne3A_135 : i1 to i32
      %cond3A_138 = arith.constant 0 : i32
      %cond3A_139 = arith.cmpi ne, %convert_element_type3A_137, %cond3A_138 : i32
      scf.if %cond3A_139 {
        %add3A_192 = arith.addi %and3A_16, %multiple_of3A_136 : i32
        %multiple_of3A_193 = tpu.assume_multiple %add3A_192, 8 : i32
        "tpu.region"() ({
          %run_scoped3A = tpu.sem_alloc : memref<!tpu.dma_semaphore, #tpu.memory_space<semaphore_mem>>
          %dma_start3A_194 = tpu.memref_slice %arg6[%multiple_of3A_136] : memref<36864xi32, #tpu.memory_space<vmem>> -> memref<128xi32, #tpu.memory_space<vmem>>
          %dma_start3A_195 = tpu.memref_slice %arg4[%multiple_of3A_193] : memref<1048576xi32, #tpu.memory_space<hbm>> -> memref<128xi32, #tpu.memory_space<hbm>>
          %dma_start3A_196 = tpu.memref_slice %arg4[%multiple_of3A_193] : memref<1048576xi32, #tpu.memory_space<hbm>> -> memref<128xi32, #tpu.memory_space<hbm>>
          %dma_start3A_197 = tpu.memref_slice %arg6[%multiple_of3A_136] : memref<36864xi32, #tpu.memory_space<vmem>> -> memref<128xi32, #tpu.memory_space<vmem>>
          tpu.enqueue_dma source(%dma_start3A_197 : memref<128xi32, #tpu.memory_space<vmem>>) target(%dma_start3A_196 : memref<128xi32, #tpu.memory_space<hbm>>) target_semaphore(%run_scoped3A : memref<!tpu.dma_semaphore, #tpu.memory_space<semaphore_mem>>)
          %dma_wait3A = tpu.memref_slice %arg6[%multiple_of3A_136] : memref<36864xi32, #tpu.memory_space<vmem>> -> memref<128xi32, #tpu.memory_space<vmem>>
          %dma_wait3A_198 = tpu.memref_slice %arg4[%multiple_of3A_193] : memref<1048576xi32, #tpu.memory_space<hbm>> -> memref<128xi32, #tpu.memory_space<hbm>>
          %dma_wait3A_199 = tpu.memref_slice %arg4[%multiple_of3A_193] : memref<1048576xi32, #tpu.memory_space<hbm>> -> memref<128xi32, #tpu.memory_space<hbm>>
          %dma_wait3A_200 = tpu.memref_slice %arg6[%multiple_of3A_136] : memref<36864xi32, #tpu.memory_space<vmem>> -> memref<128xi32, #tpu.memory_space<vmem>>
          tpu.wait_dma2 semaphore(%run_scoped3A : memref<!tpu.dma_semaphore, #tpu.memory_space<semaphore_mem>>) src(%dma_wait3A_200 : memref<128xi32, #tpu.memory_space<vmem>>) dst(%dma_wait3A_199 : memref<128xi32, #tpu.memory_space<hbm>>)
          tpu.yield
        }) : () -> ()
      } else {
      }
      %jit3A_140 = arith.constant 128 : i32
      %jit3A_141 = arith.constant 0 : i32
      %select_n3A_142 = arith.select %ne3A_135, %jit3A_140, %jit3A_141 : i32
      %add3A_143 = arith.addi %add3A_131, %select_n3A_142 : i32
      %and3A_144 = arith.constant 64 : i32
      %and3A_145 = arith.andi %sub3A_69, %and3A_144 : i32
      %ne3A_146 = arith.constant 0 : i32
      %ne3A_147 = arith.cmpi ne, %and3A_145, %ne3A_146 : i32
      %multiple_of3A_148 = tpu.assume_multiple %add3A_143, 8 : i32
      %convert_element_type3A_149 = arith.extui %ne3A_147 : i1 to i32
      %cond3A_150 = arith.constant 0 : i32
      %cond3A_151 = arith.cmpi ne, %convert_element_type3A_149, %cond3A_150 : i32
      scf.if %cond3A_151 {
        %add3A_192 = arith.addi %and3A_16, %multiple_of3A_148 : i32
        %multiple_of3A_193 = tpu.assume_multiple %add3A_192, 8 : i32
        "tpu.region"() ({
          %run_scoped3A = tpu.sem_alloc : memref<!tpu.dma_semaphore, #tpu.memory_space<semaphore_mem>>
          %dma_start3A_194 = tpu.memref_slice %arg6[%multiple_of3A_148] : memref<36864xi32, #tpu.memory_space<vmem>> -> memref<64xi32, #tpu.memory_space<vmem>>
          %dma_start3A_195 = tpu.memref_slice %arg4[%multiple_of3A_193] : memref<1048576xi32, #tpu.memory_space<hbm>> -> memref<64xi32, #tpu.memory_space<hbm>>
          %dma_start3A_196 = tpu.memref_slice %arg4[%multiple_of3A_193] : memref<1048576xi32, #tpu.memory_space<hbm>> -> memref<64xi32, #tpu.memory_space<hbm>>
          %dma_start3A_197 = tpu.memref_slice %arg6[%multiple_of3A_148] : memref<36864xi32, #tpu.memory_space<vmem>> -> memref<64xi32, #tpu.memory_space<vmem>>
          tpu.enqueue_dma source(%dma_start3A_197 : memref<64xi32, #tpu.memory_space<vmem>>) target(%dma_start3A_196 : memref<64xi32, #tpu.memory_space<hbm>>) target_semaphore(%run_scoped3A : memref<!tpu.dma_semaphore, #tpu.memory_space<semaphore_mem>>)
          %dma_wait3A = tpu.memref_slice %arg6[%multiple_of3A_148] : memref<36864xi32, #tpu.memory_space<vmem>> -> memref<64xi32, #tpu.memory_space<vmem>>
          %dma_wait3A_198 = tpu.memref_slice %arg4[%multiple_of3A_193] : memref<1048576xi32, #tpu.memory_space<hbm>> -> memref<64xi32, #tpu.memory_space<hbm>>
          %dma_wait3A_199 = tpu.memref_slice %arg4[%multiple_of3A_193] : memref<1048576xi32, #tpu.memory_space<hbm>> -> memref<64xi32, #tpu.memory_space<hbm>>
          %dma_wait3A_200 = tpu.memref_slice %arg6[%multiple_of3A_148] : memref<36864xi32, #tpu.memory_space<vmem>> -> memref<64xi32, #tpu.memory_space<vmem>>
          tpu.wait_dma2 semaphore(%run_scoped3A : memref<!tpu.dma_semaphore, #tpu.memory_space<semaphore_mem>>) src(%dma_wait3A_200 : memref<64xi32, #tpu.memory_space<vmem>>) dst(%dma_wait3A_199 : memref<64xi32, #tpu.memory_space<hbm>>)
          tpu.yield
        }) : () -> ()
      } else {
      }
      %jit3A_152 = arith.constant 64 : i32
      %jit3A_153 = arith.constant 0 : i32
      %select_n3A_154 = arith.select %ne3A_147, %jit3A_152, %jit3A_153 : i32
      %add3A_155 = arith.addi %add3A_143, %select_n3A_154 : i32
      %and3A_156 = arith.constant 32 : i32
      %and3A_157 = arith.andi %sub3A_69, %and3A_156 : i32
      %ne3A_158 = arith.constant 0 : i32
      %ne3A_159 = arith.cmpi ne, %and3A_157, %ne3A_158 : i32
      %multiple_of3A_160 = tpu.assume_multiple %add3A_155, 8 : i32
      %convert_element_type3A_161 = arith.extui %ne3A_159 : i1 to i32
      %cond3A_162 = arith.constant 0 : i32
      %cond3A_163 = arith.cmpi ne, %convert_element_type3A_161, %cond3A_162 : i32
      scf.if %cond3A_163 {
        %add3A_192 = arith.addi %and3A_16, %multiple_of3A_160 : i32
        %multiple_of3A_193 = tpu.assume_multiple %add3A_192, 8 : i32
        "tpu.region"() ({
          %run_scoped3A = tpu.sem_alloc : memref<!tpu.dma_semaphore, #tpu.memory_space<semaphore_mem>>
          %dma_start3A_194 = tpu.memref_slice %arg6[%multiple_of3A_160] : memref<36864xi32, #tpu.memory_space<vmem>> -> memref<32xi32, #tpu.memory_space<vmem>>
          %dma_start3A_195 = tpu.memref_slice %arg4[%multiple_of3A_193] : memref<1048576xi32, #tpu.memory_space<hbm>> -> memref<32xi32, #tpu.memory_space<hbm>>
          %dma_start3A_196 = tpu.memref_slice %arg4[%multiple_of3A_193] : memref<1048576xi32, #tpu.memory_space<hbm>> -> memref<32xi32, #tpu.memory_space<hbm>>
          %dma_start3A_197 = tpu.memref_slice %arg6[%multiple_of3A_160] : memref<36864xi32, #tpu.memory_space<vmem>> -> memref<32xi32, #tpu.memory_space<vmem>>
          tpu.enqueue_dma source(%dma_start3A_197 : memref<32xi32, #tpu.memory_space<vmem>>) target(%dma_start3A_196 : memref<32xi32, #tpu.memory_space<hbm>>) target_semaphore(%run_scoped3A : memref<!tpu.dma_semaphore, #tpu.memory_space<semaphore_mem>>)
          %dma_wait3A = tpu.memref_slice %arg6[%multiple_of3A_160] : memref<36864xi32, #tpu.memory_space<vmem>> -> memref<32xi32, #tpu.memory_space<vmem>>
          %dma_wait3A_198 = tpu.memref_slice %arg4[%multiple_of3A_193] : memref<1048576xi32, #tpu.memory_space<hbm>> -> memref<32xi32, #tpu.memory_space<hbm>>
          %dma_wait3A_199 = tpu.memref_slice %arg4[%multiple_of3A_193] : memref<1048576xi32, #tpu.memory_space<hbm>> -> memref<32xi32, #tpu.memory_space<hbm>>
          %dma_wait3A_200 = tpu.memref_slice %arg6[%multiple_of3A_160] : memref<36864xi32, #tpu.memory_space<vmem>> -> memref<32xi32, #tpu.memory_space<vmem>>
          tpu.wait_dma2 semaphore(%run_scoped3A : memref<!tpu.dma_semaphore, #tpu.memory_space<semaphore_mem>>) src(%dma_wait3A_200 : memref<32xi32, #tpu.memory_space<vmem>>) dst(%dma_wait3A_199 : memref<32xi32, #tpu.memory_space<hbm>>)
          tpu.yield
        }) : () -> ()
      } else {
      }
      %jit3A_164 = arith.constant 32 : i32
      %jit3A_165 = arith.constant 0 : i32
      %select_n3A_166 = arith.select %ne3A_159, %jit3A_164, %jit3A_165 : i32
      %add3A_167 = arith.addi %add3A_155, %select_n3A_166 : i32
      %and3A_168 = arith.constant 16 : i32
      %and3A_169 = arith.andi %sub3A_69, %and3A_168 : i32
      %ne3A_170 = arith.constant 0 : i32
      %ne3A_171 = arith.cmpi ne, %and3A_169, %ne3A_170 : i32
      %multiple_of3A_172 = tpu.assume_multiple %add3A_167, 8 : i32
      %convert_element_type3A_173 = arith.extui %ne3A_171 : i1 to i32
      %cond3A_174 = arith.constant 0 : i32
      %cond3A_175 = arith.cmpi ne, %convert_element_type3A_173, %cond3A_174 : i32
      scf.if %cond3A_175 {
        %add3A_192 = arith.addi %and3A_16, %multiple_of3A_172 : i32
        %multiple_of3A_193 = tpu.assume_multiple %add3A_192, 8 : i32
        "tpu.region"() ({
          %run_scoped3A = tpu.sem_alloc : memref<!tpu.dma_semaphore, #tpu.memory_space<semaphore_mem>>
          %dma_start3A_194 = tpu.memref_slice %arg6[%multiple_of3A_172] : memref<36864xi32, #tpu.memory_space<vmem>> -> memref<16xi32, #tpu.memory_space<vmem>>
          %dma_start3A_195 = tpu.memref_slice %arg4[%multiple_of3A_193] : memref<1048576xi32, #tpu.memory_space<hbm>> -> memref<16xi32, #tpu.memory_space<hbm>>
          %dma_start3A_196 = tpu.memref_slice %arg4[%multiple_of3A_193] : memref<1048576xi32, #tpu.memory_space<hbm>> -> memref<16xi32, #tpu.memory_space<hbm>>
          %dma_start3A_197 = tpu.memref_slice %arg6[%multiple_of3A_172] : memref<36864xi32, #tpu.memory_space<vmem>> -> memref<16xi32, #tpu.memory_space<vmem>>
          tpu.enqueue_dma source(%dma_start3A_197 : memref<16xi32, #tpu.memory_space<vmem>>) target(%dma_start3A_196 : memref<16xi32, #tpu.memory_space<hbm>>) target_semaphore(%run_scoped3A : memref<!tpu.dma_semaphore, #tpu.memory_space<semaphore_mem>>)
          %dma_wait3A = tpu.memref_slice %arg6[%multiple_of3A_172] : memref<36864xi32, #tpu.memory_space<vmem>> -> memref<16xi32, #tpu.memory_space<vmem>>
          %dma_wait3A_198 = tpu.memref_slice %arg4[%multiple_of3A_193] : memref<1048576xi32, #tpu.memory_space<hbm>> -> memref<16xi32, #tpu.memory_space<hbm>>
          %dma_wait3A_199 = tpu.memref_slice %arg4[%multiple_of3A_193] : memref<1048576xi32, #tpu.memory_space<hbm>> -> memref<16xi32, #tpu.memory_space<hbm>>
          %dma_wait3A_200 = tpu.memref_slice %arg6[%multiple_of3A_172] : memref<36864xi32, #tpu.memory_space<vmem>> -> memref<16xi32, #tpu.memory_space<vmem>>
          tpu.wait_dma2 semaphore(%run_scoped3A : memref<!tpu.dma_semaphore, #tpu.memory_space<semaphore_mem>>) src(%dma_wait3A_200 : memref<16xi32, #tpu.memory_space<vmem>>) dst(%dma_wait3A_199 : memref<16xi32, #tpu.memory_space<hbm>>)
          tpu.yield
        }) : () -> ()
      } else {
      }
      %jit3A_176 = arith.constant 16 : i32
      %jit3A_177 = arith.constant 0 : i32
      %select_n3A_178 = arith.select %ne3A_171, %jit3A_176, %jit3A_177 : i32
      %add3A_179 = arith.addi %add3A_167, %select_n3A_178 : i32
      %and3A_180 = arith.constant 8 : i32
      %and3A_181 = arith.andi %sub3A_69, %and3A_180 : i32
      %ne3A_182 = arith.constant 0 : i32
      %ne3A_183 = arith.cmpi ne, %and3A_181, %ne3A_182 : i32
      %multiple_of3A_184 = tpu.assume_multiple %add3A_179, 8 : i32
      %convert_element_type3A_185 = arith.extui %ne3A_183 : i1 to i32
      %cond3A_186 = arith.constant 0 : i32
      %cond3A_187 = arith.cmpi ne, %convert_element_type3A_185, %cond3A_186 : i32
      scf.if %cond3A_187 {
        %add3A_192 = arith.addi %and3A_16, %multiple_of3A_184 : i32
        %multiple_of3A_193 = tpu.assume_multiple %add3A_192, 8 : i32
        "tpu.region"() ({
          %run_scoped3A = tpu.sem_alloc : memref<!tpu.dma_semaphore, #tpu.memory_space<semaphore_mem>>
          %dma_start3A_194 = tpu.memref_slice %arg6[%multiple_of3A_184] : memref<36864xi32, #tpu.memory_space<vmem>> -> memref<8xi32, #tpu.memory_space<vmem>>
          %dma_start3A_195 = tpu.memref_slice %arg4[%multiple_of3A_193] : memref<1048576xi32, #tpu.memory_space<hbm>> -> memref<8xi32, #tpu.memory_space<hbm>>
          %dma_start3A_196 = tpu.memref_slice %arg4[%multiple_of3A_193] : memref<1048576xi32, #tpu.memory_space<hbm>> -> memref<8xi32, #tpu.memory_space<hbm>>
          %dma_start3A_197 = tpu.memref_slice %arg6[%multiple_of3A_184] : memref<36864xi32, #tpu.memory_space<vmem>> -> memref<8xi32, #tpu.memory_space<vmem>>
          tpu.enqueue_dma source(%dma_start3A_197 : memref<8xi32, #tpu.memory_space<vmem>>) target(%dma_start3A_196 : memref<8xi32, #tpu.memory_space<hbm>>) target_semaphore(%run_scoped3A : memref<!tpu.dma_semaphore, #tpu.memory_space<semaphore_mem>>)
          %dma_wait3A = tpu.memref_slice %arg6[%multiple_of3A_184] : memref<36864xi32, #tpu.memory_space<vmem>> -> memref<8xi32, #tpu.memory_space<vmem>>
          %dma_wait3A_198 = tpu.memref_slice %arg4[%multiple_of3A_193] : memref<1048576xi32, #tpu.memory_space<hbm>> -> memref<8xi32, #tpu.memory_space<hbm>>
          %dma_wait3A_199 = tpu.memref_slice %arg4[%multiple_of3A_193] : memref<1048576xi32, #tpu.memory_space<hbm>> -> memref<8xi32, #tpu.memory_space<hbm>>
          %dma_wait3A_200 = tpu.memref_slice %arg6[%multiple_of3A_184] : memref<36864xi32, #tpu.memory_space<vmem>> -> memref<8xi32, #tpu.memory_space<vmem>>
          tpu.wait_dma2 semaphore(%run_scoped3A : memref<!tpu.dma_semaphore, #tpu.memory_space<semaphore_mem>>) src(%dma_wait3A_200 : memref<8xi32, #tpu.memory_space<vmem>>) dst(%dma_wait3A_199 : memref<8xi32, #tpu.memory_space<hbm>>)
          tpu.yield
        }) : () -> ()
      } else {
      }
      %jit3A_188 = arith.constant 8 : i32
      %jit3A_189 = arith.constant 0 : i32
      %select_n3A_190 = arith.select %ne3A_183, %jit3A_188, %jit3A_189 : i32
      %add3A_191 = arith.addi %add3A_179, %select_n3A_190 : i32
    } else {
    }
    return
  }
}

#map = affine_map<(d0, d1) -> (0)>
#map1 = affine_map<(d0, d1) -> (0, 0)>
module attributes {stable_mosaic.version = 14 : i64} {
  func.func @k3(%arg0: i32, %arg1: i32, %arg2: memref<2097152xi32, #tpu.memory_space<hbm>>, %arg3: memref<32x16xi32, #tpu.memory_space<hbm>>, %arg4: memref<2097152xi32, #tpu.memory_space<hbm>>, %arg5: memref<8192xi32, #tpu.memory_space<vmem>>, %arg6: memref<32x16xi32, #tpu.memory_space<vmem>>) attributes {dimension_semantics = [#tpu.dimension_semantics<core_parallel>, #tpu.dimension_semantics<subcore_parallel>], iteration_bounds = array<i64: 2, 16>, scalar_prefetch = 0 : i64, scratch_operands = 2 : i64, tpu.core_type = #tpu.core_type<sc_vector_subcore>, window_params = [{transform_indices = #map}, {transform_indices = #map1}, {transform_indices = #map}]} {
    %mul3A = arith.constant 16 : i32
    %mul3A_0 = arith.muli %arg0, %mul3A : i32
    %add3A = arith.addi %mul3A_0, %arg1 : i32
    "tpu.region"() ({
      %run_scoped3A = tpu.sem_alloc : memref<!tpu.dma_semaphore, #tpu.memory_space<semaphore_mem>>
      tpu.enqueue_dma source(%arg3 : memref<32x16xi32, #tpu.memory_space<hbm>>) target(%arg6 : memref<32x16xi32, #tpu.memory_space<vmem>>) target_semaphore(%run_scoped3A : memref<!tpu.dma_semaphore, #tpu.memory_space<semaphore_mem>>)
      tpu.wait_dma2 semaphore(%run_scoped3A : memref<!tpu.dma_semaphore, #tpu.memory_space<semaphore_mem>>) src(%arg3 : memref<32x16xi32, #tpu.memory_space<hbm>>) dst(%arg6 : memref<32x16xi32, #tpu.memory_space<vmem>>)
      tpu.yield
    }) : () -> ()
    %broadcast_in_dim3A = arith.constant 0 : i32
    %broadcast_in_dim3A_1 = vector.broadcast %broadcast_in_dim3A : i32 to vector<16xi32>
    %scan3A = arith.constant 0 : i32
    %scan3A_2 = arith.constant 32 : i32
    %scan3A_3 = arith.addi %scan3A, %scan3A_2 : i32
    %scan3A_4 = arith.constant 1 : i32
    %scan3A_5 = scf.for %scan3A_18 = %scan3A to %scan3A_3 step %scan3A_4 iter_args(%scan3A_19 = %broadcast_in_dim3A_1) -> (vector<16xi32>)  : i32 {
      %get3A = arith.index_cast %scan3A_18 : i32 to index
      %get3A_20 = arith.constant 0 : index
      %get3A_21 = tpu.vector_load %arg6[%get3A, %get3A_20] {strides = array<i32>} : memref<32x16xi32, #tpu.memory_space<vmem>>, vector<16xi32>,
      %broadcast_in_dim3A_22 = vector.broadcast %scan3A_18 : i32 to vector<16xi32>
      %broadcast_in_dim3A_23 = vector.broadcast %add3A : i32 to vector<16xi32>
      %lt3A = arith.cmpi slt, %broadcast_in_dim3A_22, %broadcast_in_dim3A_23 : vector<16xi32>
      %jit3A = arith.constant 0 : i32
      %broadcast_in_dim3A_24 = vector.broadcast %jit3A : i32 to vector<16xi32>
      %select_n3A = arith.select %lt3A, %get3A_21, %broadcast_in_dim3A_24 : vector<16xi1>, vector<16xi32>
      %add3A_25 = arith.addi %scan3A_19, %select_n3A : vector<16xi32>
      scf.yield %add3A_25 : vector<16xi32>
    }
    %scan3A_6 = arith.constant 32 : i32
    %reduce_sum3A = arith.constant true
    %reduce_sum3A_7 = vector.broadcast %reduce_sum3A : i1 to vector<16xi1>
    %reduce_sum3A_8 = tpu.scan <sum>, %scan3A_5 masked %reduce_sum3A_7 : vector<16xi32>, vector<16xi1> -> vector<16xi32>
    %reduce_sum3A_9 = vector.extract %reduce_sum3A_8[15] : i32 from vector<16xi32>
    %mul3A_10 = arith.constant 65536 : i32
    %mul3A_11 = arith.muli %add3A, %mul3A_10 : i32
    %scan3A_12 = arith.constant 0 : i32
    %scan3A_13 = arith.constant 8 : i32
    %scan3A_14 = arith.addi %scan3A_12, %scan3A_13 : i32
    %scan3A_15 = arith.constant 1 : i32
    %scan3A_16 = scf.for %scan3A_18 = %scan3A_12 to %scan3A_14 step %scan3A_15 iter_args(%scan3A_19 = %reduce_sum3A_9) -> (i32)  : i32 {
      %mul3A_20 = arith.constant 8192 : i32
      %mul3A_21 = arith.muli %scan3A_18, %mul3A_20 : i32
      %add3A_22 = arith.addi %mul3A_11, %mul3A_21 : i32
      "tpu.region"() ({
        %run_scoped3A = tpu.sem_alloc : memref<!tpu.dma_semaphore, #tpu.memory_space<semaphore_mem>>
        %dma_start3A = tpu.memref_slice %arg2[%add3A_22] : memref<2097152xi32, #tpu.memory_space<hbm>> -> memref<8192xi32, #tpu.memory_space<hbm>>
        %dma_start3A_32 = tpu.memref_slice %arg2[%add3A_22] : memref<2097152xi32, #tpu.memory_space<hbm>> -> memref<8192xi32, #tpu.memory_space<hbm>>
        tpu.enqueue_dma source(%dma_start3A_32 : memref<8192xi32, #tpu.memory_space<hbm>>) target(%arg5 : memref<8192xi32, #tpu.memory_space<vmem>>) target_semaphore(%run_scoped3A : memref<!tpu.dma_semaphore, #tpu.memory_space<semaphore_mem>>)
        %dma_wait3A = tpu.memref_slice %arg2[%add3A_22] : memref<2097152xi32, #tpu.memory_space<hbm>> -> memref<8192xi32, #tpu.memory_space<hbm>>
        %dma_wait3A_33 = tpu.memref_slice %arg2[%add3A_22] : memref<2097152xi32, #tpu.memory_space<hbm>> -> memref<8192xi32, #tpu.memory_space<hbm>>
        tpu.wait_dma2 semaphore(%run_scoped3A : memref<!tpu.dma_semaphore, #tpu.memory_space<semaphore_mem>>) src(%dma_wait3A_33 : memref<8192xi32, #tpu.memory_space<hbm>>) dst(%arg5 : memref<8192xi32, #tpu.memory_space<vmem>>)
        tpu.yield
      }) : () -> ()
      %scan3A_23 = arith.constant 0 : i32
      %scan3A_24 = arith.constant 512 : i32
      %scan3A_25 = arith.addi %scan3A_23, %scan3A_24 : i32
      %scan3A_26 = arith.constant 1 : i32
      %scan3A_27 = scf.for %scan3A_32 = %scan3A_23 to %scan3A_25 step %scan3A_26 iter_args(%scan3A_33 = %scan3A_19) -> (i32)  : i32 {
        %mul3A_34 = arith.constant 16 : i32
        %mul3A_35 = arith.muli %scan3A_32, %mul3A_34 : i32
        %get3A = arith.index_cast %mul3A_35 : i32 to index
        %get3A_36 = tpu.vector_load %arg5[%get3A] {strides = array<i32>} : memref<8192xi32, #tpu.memory_space<vmem>>, vector<16xi32>,
        %broadcast_in_dim3A_37 = arith.constant true
        %broadcast_in_dim3A_38 = vector.broadcast %broadcast_in_dim3A_37 : i1 to vector<16xi1>
        %masked_cumsum3A = tpu.scan <sum>, %get3A_36 masked %broadcast_in_dim3A_38 : vector<16xi32>, vector<16xi1> -> vector<16xi32>
        %sub3A = arith.subi %masked_cumsum3A, %get3A_36 : vector<16xi32>
        %add3A_39 = vector.broadcast %scan3A_33 : i32 to vector<16xi32>
        %add3A_40 = arith.addi %sub3A, %add3A_39 : vector<16xi32>
        %mul3A_41 = arith.constant 16 : i32
        %mul3A_42 = arith.muli %scan3A_32, %mul3A_41 : i32
        %swap3A = arith.index_cast %mul3A_42 : i32 to index
        %swap3A_43 = tpu.vector_load %arg5[%swap3A] {strides = array<i32>} : memref<8192xi32, #tpu.memory_space<vmem>>, vector<16xi32>,
        tpu.vector_store %arg5[%swap3A], %add3A_40 {strides = array<i32>} : memref<8192xi32, #tpu.memory_space<vmem>>, vector<16xi32>,
        %reduce_sum3A_44 = arith.constant true
        %reduce_sum3A_45 = vector.broadcast %reduce_sum3A_44 : i1 to vector<16xi1>
        %reduce_sum3A_46 = tpu.scan <sum>, %get3A_36 masked %reduce_sum3A_45 : vector<16xi32>, vector<16xi1> -> vector<16xi32>
        %reduce_sum3A_47 = vector.extract %reduce_sum3A_46[15] : i32 from vector<16xi32>
        %add3A_48 = arith.addi %scan3A_33, %reduce_sum3A_47 : i32
        scf.yield %add3A_48 : i32
      }
      %scan3A_28 = arith.constant 512 : i32
      %mul3A_29 = arith.constant 8192 : i32
      %mul3A_30 = arith.muli %scan3A_18, %mul3A_29 : i32
      %add3A_31 = arith.addi %mul3A_11, %mul3A_30 : i32
      "tpu.region"() ({
        %run_scoped3A = tpu.sem_alloc : memref<!tpu.dma_semaphore, #tpu.memory_space<semaphore_mem>>
        %dma_start3A = tpu.memref_slice %arg4[%add3A_31] : memref<2097152xi32, #tpu.memory_space<hbm>> -> memref<8192xi32, #tpu.memory_space<hbm>>
        %dma_start3A_32 = tpu.memref_slice %arg4[%add3A_31] : memref<2097152xi32, #tpu.memory_space<hbm>> -> memref<8192xi32, #tpu.memory_space<hbm>>
        tpu.enqueue_dma source(%arg5 : memref<8192xi32, #tpu.memory_space<vmem>>) target(%dma_start3A_32 : memref<8192xi32, #tpu.memory_space<hbm>>) target_semaphore(%run_scoped3A : memref<!tpu.dma_semaphore, #tpu.memory_space<semaphore_mem>>)
        %dma_wait3A = tpu.memref_slice %arg4[%add3A_31] : memref<2097152xi32, #tpu.memory_space<hbm>> -> memref<8192xi32, #tpu.memory_space<hbm>>
        %dma_wait3A_33 = tpu.memref_slice %arg4[%add3A_31] : memref<2097152xi32, #tpu.memory_space<hbm>> -> memref<8192xi32, #tpu.memory_space<hbm>>
        tpu.wait_dma2 semaphore(%run_scoped3A : memref<!tpu.dma_semaphore, #tpu.memory_space<semaphore_mem>>) src(%arg5 : memref<8192xi32, #tpu.memory_space<vmem>>) dst(%dma_wait3A_33 : memref<8192xi32, #tpu.memory_space<hbm>>)
        tpu.yield
      }) : () -> ()
      scf.yield %scan3A_27 : i32
    }
    %scan3A_17 = arith.constant 8 : i32
    return
  }
}

#map = affine_map<(d0, d1) -> (0)>
module attributes {stable_mosaic.version = 14 : i64} {
  func.func @k1a(%arg0: i32, %arg1: i32, %arg2: memref<3145728xf32, #tpu.memory_space<hbm>>, %arg3: memref<1048576xi32, #tpu.memory_space<hbm>>, %arg4: memref<6144xf32, #tpu.memory_space<vmem>>, %arg5: memref<2048xi32, #tpu.memory_space<vmem>>) attributes {dimension_semantics = [#tpu.dimension_semantics<core_parallel>, #tpu.dimension_semantics<subcore_parallel>], iteration_bounds = array<i64: 2, 16>, scalar_prefetch = 0 : i64, scratch_operands = 2 : i64, tpu.core_type = #tpu.core_type<sc_vector_subcore>, window_params = [{transform_indices = #map}, {transform_indices = #map}]} {
    %mul3A = arith.constant 16 : i32
    %mul3A_0 = arith.muli %arg0, %mul3A : i32
    %add3A = arith.addi %mul3A_0, %arg1 : i32
    %mul3A_1 = arith.constant 32768 : i32
    %mul3A_2 = arith.muli %add3A, %mul3A_1 : i32
    %scan3A = arith.constant 0 : i32
    %scan3A_3 = arith.constant 0 : i32
    %scan3A_4 = arith.constant 16 : i32
    %scan3A_5 = arith.addi %scan3A_3, %scan3A_4 : i32
    %scan3A_6 = arith.constant 1 : i32
    %scan3A_7 = scf.for %scan3A_9 = %scan3A_3 to %scan3A_5 step %scan3A_6 iter_args(%scan3A_10 = %scan3A) -> (i32)  : i32 {
      %mul3A_11 = arith.constant 2048 : i32
      %mul3A_12 = arith.muli %scan3A_9, %mul3A_11 : i32
      %add3A_13 = arith.addi %mul3A_2, %mul3A_12 : i32
      %mul3A_14 = arith.constant 3 : i32
      %mul3A_15 = arith.muli %add3A_13, %mul3A_14 : i32
      "tpu.region"() ({
        %run_scoped3A = tpu.sem_alloc : memref<!tpu.dma_semaphore, #tpu.memory_space<semaphore_mem>>
        %dma_start3A = tpu.memref_slice %arg2[%mul3A_15] : memref<3145728xf32, #tpu.memory_space<hbm>> -> memref<6144xf32, #tpu.memory_space<hbm>>
        %dma_start3A_24 = tpu.memref_slice %arg2[%mul3A_15] : memref<3145728xf32, #tpu.memory_space<hbm>> -> memref<6144xf32, #tpu.memory_space<hbm>>
        tpu.enqueue_dma source(%dma_start3A_24 : memref<6144xf32, #tpu.memory_space<hbm>>) target(%arg4 : memref<6144xf32, #tpu.memory_space<vmem>>) target_semaphore(%run_scoped3A : memref<!tpu.dma_semaphore, #tpu.memory_space<semaphore_mem>>)
        %dma_wait3A = tpu.memref_slice %arg2[%mul3A_15] : memref<3145728xf32, #tpu.memory_space<hbm>> -> memref<6144xf32, #tpu.memory_space<hbm>>
        %dma_wait3A_25 = tpu.memref_slice %arg2[%mul3A_15] : memref<3145728xf32, #tpu.memory_space<hbm>> -> memref<6144xf32, #tpu.memory_space<hbm>>
        tpu.wait_dma2 semaphore(%run_scoped3A : memref<!tpu.dma_semaphore, #tpu.memory_space<semaphore_mem>>) src(%dma_wait3A_25 : memref<6144xf32, #tpu.memory_space<hbm>>) dst(%arg4 : memref<6144xf32, #tpu.memory_space<vmem>>)
        tpu.yield
      }) : () -> ()
      %scan3A_16 = arith.constant 0 : i32
      %scan3A_17 = arith.constant 0 : i32
      %scan3A_18 = arith.constant 128 : i32
      %scan3A_19 = arith.addi %scan3A_17, %scan3A_18 : i32
      %scan3A_20 = arith.constant 1 : i32
      %scan3A_21 = scf.for %scan3A_24 = %scan3A_17 to %scan3A_19 step %scan3A_20 iter_args(%scan3A_25 = %scan3A_16) -> (i32)  : i32 {
        %mul3A_26 = arith.constant 3 : i32
        %mul3A_27 = arith.muli %mul3A_26, %scan3A_24 : i32
        %mul3A_28 = arith.constant 16 : i32
        %mul3A_29 = arith.muli %mul3A_27, %mul3A_28 : i32
        %broadcast_in_dim3A = vector.broadcast %mul3A_29 : i32 to vector<16xi32>
        %iota3A = tpu.iota {dimensions = array<i32: 0>} : vector<16xi32>
        %mul3A_30 = arith.constant 3 : i32
        %mul3A_31 = vector.broadcast %mul3A_30 : i32 to vector<16xi32>
        %mul3A_32 = arith.muli %iota3A, %mul3A_31 : vector<16xi32>
        %add3A_33 = arith.addi %broadcast_in_dim3A, %mul3A_32 : vector<16xi32>
        %gather3A = tpu.vector_load_idx %arg4[%add3A_33] : memref<6144xf32, #tpu.memory_space<vmem>>[vector<16xi32>], vector<16xf32>,
        %add3A_34 = arith.constant 1 : i32
        %add3A_35 = vector.broadcast %add3A_34 : i32 to vector<16xi32>
        %add3A_36 = arith.addi %add3A_33, %add3A_35 : vector<16xi32>
        %gather3A_37 = tpu.vector_load_idx %arg4[%add3A_36] : memref<6144xf32, #tpu.memory_space<vmem>>[vector<16xi32>], vector<16xf32>,
        %add3A_38 = arith.constant 2 : i32
        %add3A_39 = vector.broadcast %add3A_38 : i32 to vector<16xi32>
        %add3A_40 = arith.addi %add3A_33, %add3A_39 : vector<16xi32>
        %gather3A_41 = tpu.vector_load_idx %arg4[%add3A_40] : memref<6144xf32, #tpu.memory_space<vmem>>[vector<16xi32>], vector<16xf32>,
        %mul3A_42 = arith.constant 1.280000e+02 : f32
        %mul3A_43 = vector.broadcast %mul3A_42 : f32 to vector<16xf32>
        %mul3A_44 = arith.mulf %gather3A, %mul3A_43 : vector<16xf32>
        %convert_element_type3A = arith.fptosi %mul3A_44 : vector<16xf32> to vector<16xi32>
        %min3A = arith.constant 127 : i32
        %min3A_45 = vector.broadcast %min3A : i32 to vector<16xi32>
        %min3A_46 = arith.minsi %convert_element_type3A, %min3A_45 : vector<16xi32>
        %mul3A_47 = arith.constant 1.280000e+02 : f32
        %mul3A_48 = vector.broadcast %mul3A_47 : f32 to vector<16xf32>
        %mul3A_49 = arith.mulf %gather3A_37, %mul3A_48 : vector<16xf32>
        %convert_element_type3A_50 = arith.fptosi %mul3A_49 : vector<16xf32> to vector<16xi32>
        %min3A_51 = arith.constant 127 : i32
        %min3A_52 = vector.broadcast %min3A_51 : i32 to vector<16xi32>
        %min3A_53 = arith.minsi %convert_element_type3A_50, %min3A_52 : vector<16xi32>
        %mul3A_54 = arith.constant 1.280000e+02 : f32
        %mul3A_55 = vector.broadcast %mul3A_54 : f32 to vector<16xf32>
        %mul3A_56 = arith.mulf %gather3A_41, %mul3A_55 : vector<16xf32>
        %convert_element_type3A_57 = arith.fptosi %mul3A_56 : vector<16xf32> to vector<16xi32>
        %min3A_58 = arith.constant 127 : i32
        %min3A_59 = vector.broadcast %min3A_58 : i32 to vector<16xi32>
        %min3A_60 = arith.minsi %convert_element_type3A_57, %min3A_59 : vector<16xi32>
        %shift_left3A = arith.constant 14 : i32
        %shift_left3A_61 = vector.broadcast %shift_left3A : i32 to vector<16xi32>
        %shift_left3A_62 = arith.shli %min3A_46, %shift_left3A_61 : vector<16xi32>
        %shift_left3A_63 = arith.constant 7 : i32
        %shift_left3A_64 = vector.broadcast %shift_left3A_63 : i32 to vector<16xi32>
        %shift_left3A_65 = arith.shli %min3A_53, %shift_left3A_64 : vector<16xi32>
        %or3A = arith.ori %shift_left3A_62, %shift_left3A_65 : vector<16xi32>
        %or3A_66 = arith.ori %or3A, %min3A_60 : vector<16xi32>
        %mul3A_67 = arith.constant 16 : i32
        %mul3A_68 = arith.muli %scan3A_24, %mul3A_67 : i32
        %swap3A = arith.index_cast %mul3A_68 : i32 to index
        %swap3A_69 = tpu.vector_load %arg5[%swap3A] {strides = array<i32>} : memref<2048xi32, #tpu.memory_space<vmem>>, vector<16xi32>,
        tpu.vector_store %arg5[%swap3A], %or3A_66 {strides = array<i32>} : memref<2048xi32, #tpu.memory_space<vmem>>, vector<16xi32>,
        %scan3A_70 = arith.constant 0 : i32
        scf.yield %scan3A_70 : i32
      }
      %scan3A_22 = arith.constant 128 : i32
      "tpu.region"() ({
        %run_scoped3A = tpu.sem_alloc : memref<!tpu.dma_semaphore, #tpu.memory_space<semaphore_mem>>
        %dma_start3A = tpu.memref_slice %arg3[%add3A_13] : memref<1048576xi32, #tpu.memory_space<hbm>> -> memref<2048xi32, #tpu.memory_space<hbm>>
        %dma_start3A_24 = tpu.memref_slice %arg3[%add3A_13] : memref<1048576xi32, #tpu.memory_space<hbm>> -> memref<2048xi32, #tpu.memory_space<hbm>>
        tpu.enqueue_dma source(%arg5 : memref<2048xi32, #tpu.memory_space<vmem>>) target(%dma_start3A_24 : memref<2048xi32, #tpu.memory_space<hbm>>) target_semaphore(%run_scoped3A : memref<!tpu.dma_semaphore, #tpu.memory_space<semaphore_mem>>)
        %dma_wait3A = tpu.memref_slice %arg3[%add3A_13] : memref<1048576xi32, #tpu.memory_space<hbm>> -> memref<2048xi32, #tpu.memory_space<hbm>>
        %dma_wait3A_25 = tpu.memref_slice %arg3[%add3A_13] : memref<1048576xi32, #tpu.memory_space<hbm>> -> memref<2048xi32, #tpu.memory_space<hbm>>
        tpu.wait_dma2 semaphore(%run_scoped3A : memref<!tpu.dma_semaphore, #tpu.memory_space<semaphore_mem>>) src(%arg5 : memref<2048xi32, #tpu.memory_space<vmem>>) dst(%dma_wait3A_25 : memref<2048xi32, #tpu.memory_space<hbm>>)
        tpu.yield
      }) : () -> ()
      %scan3A_23 = arith.constant 0 : i32
      scf.yield %scan3A_23 : i32
    }
    %scan3A_8 = arith.constant 16 : i32
    return
  }
}

</mosaic_0001>

<sc_bundles>
// kernel: kernel.12.cloned.1.call-start
scs
__scs_entry_jumppad:
0x0: {  	(pc) =	sbr.rel $0x88, $3  }
0x1: {  	(tag) =	ssettag $0x0;
	lr =	simm.s32 $0x1  }
0x2: {  	[smem:$0x3FA0] =	sst lr;
	_ =	strace $0xD0000000  }
0x3: {  	_ = 	snop  }
0x4: {  	_ = 	snop  }
0x5: {  	_ = 	snop  }
0x6: {  	_ = 	snop  }
0x7: {  	_ = 	snop  }
__scs_overlays_trampoline_lowered:
0x8: {  	[smem:$0x3FAF] =	sst s0  }
0x9: {  	[smem:$0x3FB0] =	sst s1  }
0xa: {  	[smem:$0x3FB1] =	sst s2  }
0xb: {  	[smem:$0x3FB2] =	sst s3  }
0xc: {  	[smem:$0x3FB3] =	sst s4  }
0xd: {  	[smem:$0x3FB4] =	sst s5  }
0xe: {  	[smem:$0x3FB5] =	sst s6  }
0xf: {  	[smem:$0x3FB6] =	sst s7  }
0x10: {  	[smem:$0x3FB7] =	sst s8  }
0x11: {  	[smem:$0x3FB8] =	sst s9;
	s0 =	simm.s32 @!p0 $0x0  }
0x12: {  	s1 =	sld [smem:$0x3F9E];
	s0 =	simm.s32 @p0 $0x1  }
0x13: {  	[smem:$0x3FB9] =	sst s0;
	s0 =	simm.s32 @!p1 $0x0  }
0x14: {  	s2 =	sld [smem:$0x3F9D];
	s0 =	simm.s32 @p1 $0x1  }
0x15: {  	[smem:$0x3FBA] =	sst s0;
	s0 =	simm.s32 @!p2 $0x0  }
0x16: {  	s3 =	sld [smem:$0x3FDB];
	s0 =	simm.s32 @p2 $0x1  }
0x17: {  	s4 =	simm.s32 $0x1BF5;
	[smem:$0x3FBC] =	sst s0  }
0x18: {  	s0 =	sld [smem:$0x3F9F];
	_ =	swait.ge [sflag:s4], $0x0  }
0x19: {  	s7 =	sld [smem:$0x3FA0]  }
0x1a: {  	s8 =	sadd.s32 $0xFFFFE003, lr  }
0x1b: {  	s9 =	sadd.s32 $0xFFFFFEF7, lr;
	s5 =	simm.s32 $0xFFFFFFFF;
	p2 =	slt.u32 s8, $0xFFFFF086  }
0x1c: {  	p1 =	slt.u32 s9, $0xF7A;
	s5 =	simm.s32 @!p2 $0x0  }
0x1d: {  	s5 =	simm.s32 @p1 $0x1;
	p0 =	seq.s32 s7, s2  }
0x1e: {  	s7 =	smul.u32 @!p0 $0xF7A, s2;
	p2 =	seq.s32 @!p0 s5, $0x0  }
0x1f: {  	s9 =	smul.u32 $0xF7A, s1;
	s8 =	simm.s32 @!p0 $0x1BF5;
	p2 =	por !p2, p0  }
0x20: {  	[sflag:s8] =	ssyncset.s32 @!p0 $0xFFFFF086;
	s6 =	sadd.s32 @!p0 s3, s7;
	s7 =	simm.s32 @!p0 $0x108  }
0x21: {  	s3 =	sadd.s32 s3, s9;
	s6 =	sadd.s32 @!p0 $0x88, s6;
	s7 =	simm.s32 @p2 $0x1082  }
0x22: {  	[simem:s7], [sflag:s8] =	dma.local @!p0 [hbm:s6], $0xF7A  }
0x23: {  	s9 =	sor.u32 $0xD0000000, s2;
	s6 =	simm.s32 $0x108;
	_ =	swait.ge @!p0 [sflag:s8], $0x0  }
0x24: {  	s3 =	sadd.s32 $0x88, s3;
	s6 =	simm.s32 @!p1 $0x1082;
	[sflag:s4] =	ssyncset.s32 $0xFFFFF086  }
0x25: {  	[simem:s6], [sflag:s4] =	dma.local [hbm:s3], $0xF7A  }
0x26: {  	[smem:$0x3FA0] =	sst s1;
	(tag) =	ssettag s2;
	_ =	strace s9  }
0x27: {  	s1 =	sld [smem:$0x3FB0]  }
0x28: {  	s2 =	sld [smem:$0x3FB1]  }
0x29: {  	s4 =	sld [smem:$0x3FB3]  }
0x2a: {  	p0 =	seq.s32 s5, $0x0;
	s5 =	sld [smem:$0x3FB4]  }
0x2b: {  	s6 =	sld [smem:$0x3FB5]  }
0x2c: {  	s7 =	sld [smem:$0x3FB6]  }
0x2d: {  	s3 =	simm.s32 $0x108;
	s8 =	sld [smem:$0x3FB7]  }
0x2e: {  	s3 =	simm.s32 @!p0 $0x1082;
	s9 =	sld [smem:$0x3FB8]  }
0x2f: {  	lr =	sadd.s32 s0, s3;
	s0 =	sld [smem:$0x3FAF]  }
0x30: {  	s3 =	sld [smem:$0x3FB2]  }
0x31: {  	[smem:$0x3FBB] =	sst s10  }
0x32: {  	s10 =	sld [smem:$0x3FB9];
	_ =	sdelay $0x3  }
0x33: {  	p0 =	seq.s32 s10, $0x1;
	s10 =	sld [smem:$0x3FBB];
	_ =	sdelay $0x3  }
0x34: {  	[smem:$0x3FBB] =	sst s10  }
0x35: {  	s10 =	sld [smem:$0x3FBA];
	_ =	sdelay $0x3  }
0x36: {  	p1 =	seq.s32 s10, $0x1;
	s10 =	sld [smem:$0x3FBB];
	_ =	sdelay $0x3  }
0x37: {  	[smem:$0x3FBB] =	sst s10  }
0x38: {  	s10 =	sld [smem:$0x3FBC]  }
0x39: {  	_ = 	snop;
	(pc) =	sbr.ind lr, $3  }
0x3a: {  	_ = 	snop  }
0x3b: {  	_ = 	snop  }
0x3c: {  	p2 =	seq.s32 s10, $0x1;
	s10 =	sld [smem:$0x3FBB]  }
0x3d: {  	_ =	shalt  }
0x3e: {  	_ =	shalt  }
0x3f: {  	_ =	shalt  }
0x40: {  	_ =	shalt  }
0x41: {  	_ =	shalt  }
0x42: {  	_ =	shalt  }
0x43: {  	_ =	shalt  }
0x44: {  	_ =	shalt  }
0x45: {  	_ =	shalt  }
0x46: {  	_ =	shalt  }
0x47: {  	_ =	shalt  }
0x48: {  	_ =	shalt  }
0x49: {  	_ =	shalt  }
0x4a: {  	_ =	shalt  }
0x4b: {  	_ =	shalt  }
0x4c: {  	_ =	shalt  }
0x4d: {  	_ =	shalt  }
0x4e: {  	_ =	shalt  }
0x4f: {  	_ =	shalt  }
0x50: {  	_ =	shalt  }
0x51: {  	_ =	shalt  }
0x52: {  	_ =	shalt  }
0x53: {  	_ =	shalt  }
0x54: {  	_ =	shalt  }
0x55: {  	_ =	shalt  }
0x56: {  	_ =	shalt  }
0x57: {  	_ =	shalt  }
0x58: {  	_ =	shalt  }
0x59: {  	_ =	shalt  }
0x5a: {  	_ =	shalt  }
0x5b: {  	_ =	shalt  }
0x5c: {  	_ =	shalt  }
0x5d: {  	_ =	shalt  }
0x5e: {  	_ =	shalt  }
0x5f: {  	_ =	shalt  }
0x60: {  	_ =	shalt  }
0x61: {  	_ =	shalt  }
0x62: {  	_ =	shalt  }
0x63: {  	_ =	shalt  }
0x64: {  	_ =	shalt  }
0x65: {  	_ =	shalt  }
0x66: {  	_ =	shalt  }
0x67: {  	_ =	shalt  }
0x68: {  	_ =	shalt  }
0x69: {  	_ =	shalt  }
0x6a: {  	_ =	shalt  }
0x6b: {  	_ =	shalt  }
0x6c: {  	_ =	shalt  }
0x6d: {  	_ =	shalt  }
0x6e: {  	_ =	shalt  }
0x6f: {  	_ =	shalt  }
0x70: {  	_ =	shalt  }
0x71: {  	_ =	shalt  }
0x72: {  	_ =	shalt  }
0x73: {  	_ =	shalt  }
0x74: {  	_ =	shalt  }
0x75: {  	_ =	shalt  }
0x76: {  	_ =	shalt  }
0x77: {  	_ =	shalt  }
0x78: {  	_ =	shalt  }
0x79: {  	_ =	shalt  }
0x7a: {  	_ =	shalt  }
0x7b: {  	_ =	shalt  }
0x7c: {  	_ =	shalt  }
0x7d: {  	_ =	shalt  }
0x7e: {  	_ =	shalt  }
0x7f: {  	_ =	shalt  }
0x80: {  	_ =	shalt  }
0x81: {  	_ =	shalt  }
0x82: {  	_ =	shalt  }
0x83: {  	_ =	shalt  }
0x84: {  	_ =	shalt  }
0x85: {  	_ =	shalt  }
0x86: {  	_ =	shalt  }
0x87: {  	_ =	shalt  }
.Lfunc_end0:
.L_simem_size_0:
called_computation.2_lowered:
.L_overlay_start_0:
0x88: {  	s2 =	sld [smem:$0x3FD9]  }
0x89: {  	s3 =	sld [smem:$0x3FFE];
	_ =	sdelay $0x1  }
0x8a: {  	s1 =	srdreg.scid  }
0x8b: {  	s0 =	sand.u32 $0x1, s1  }
0x8c: {  	s15 =	sshll.u32 s0, $0xA;
	s2 =	sadd.s32 s3, s2  }
0x8d: {  	s2 =	sadd.s32 s2, s15  }
0x8e: {  	[smem:$0x3FC7] =	sst s2  }
0x8f: {  	_ = 	snop  }
0x90: {  	s2 =	sld [smem:$0x3FD0];
	_ =	sdelay $0x2  }
0x91: {  	s16 =	simm.s32 $0xA;
	s4 =	simm.s32 $0x10  }
0x92: {  	[smem:s4], [sflag:s16] =	dma.local [hbm:s2], $0x1  }
0x93: {  	_ =	swait.eq [sflag:s16], $0x1  }
0x94: {  	s17 =	sld [smem:$0x11];
	[sflag:s16] =	ssyncset.done $0x0  }
0x95: {  	s18 =	sld [smem:$0x12];
	[sflag:s16] =	ssyncadd.s32 $0xFFFFFFFF  }
0x96: {  	s19 =	sld [smem:$0x13];
	(tm) =	ssettm $0x1  }
0x97: {  	s5 =	sld [smem:$0x3FFB];
	_ =	sdelay $0x3  }
0x98: {  	_ =	strace s5  }
0x99: {  	s5 =	sld [smem:$0x3FFC];
	_ =	sdelay $0x3  }
0x9a: {  	_ =	strace s5  }
0x9b: {  	s5 =	sld [smem:$0x3FFD];
	_ =	sdelay $0x3  }
0x9c: {  	_ =	strace s5  }
0x9d: {  	_ =	strace $0x8FFFFFFF  }
0x9e: {  	s20 =	sld [smem:$0x3FDB];
	_ =	sdelay $0x1  }
0x9f: {  	s6 =	simm.s32 $_scs_section_size  }
0xa0: {  	s7 =	simm.s32 $_size__tile_overlayer_lowered;
	s8 =	simm.s32 $_tile_overlayer_lowered  }
0xa1: {  	s23 =	simm.s32 $0x1BFF;
	s22 =	sshll.u32 s8, $0x1;
	s5 =	sadd.s32 s6, s20  }
0xa2: {  	s9 =	simm.s32 $0x0;
	s21 =	sshll.u32 s7, $0x1;
	s7 =	sadd.s32 s22, s5  }
0xa3: {  	[timem:s9], [sflag:s23] =	dma.local [hbm:s7], s21  }
0xa4: {  	_ =	swait.ge [sflag:s23], s21  }
0xa5: {  	s6 =	ssub.s32 $0x0, s21;
	[sflag:s23] =	ssyncset.done $0x0  }
0xa6: {  	[sflag:s23] =	ssyncadd.s32 s6;
	_ =	sdelay $0x1  }
0xa7: {  	s24 =	simm.s32 $0x1B8B  }
0xa8: {  	_ =	swait.ge [sflag:s24], $0x1  }
0xa9: {  	[sflag:s24] =	ssyncset.done $0x0  }
0xaa: {  	s25 =	simm.s32 $0x1B8E;
	[sflag:s24] =	ssyncadd.s32 $0xFFFFFFFF  }
0xab: {  	s26 =	simm.s32 $execute0_lowered;
	[smem:$0x3FD2] =	sst s25  }
0xac: {  	s6 =	sshll.u32 s26, $0x1;
	_ =	strace $0x8000004C;
	[dreg:$0x1] =	wrdreg $0xFFFFFFFF  }
0xad: {  	s28 =	simm.s32 $_size_execute0_lowered;
	s5 =	sadd.s32 s5, s6;
	[dreg:$0x0] =	wrdreg $0x0  }
0xae: {  	s6 =	sshll.u32 s28, $0x1;
	[dreg:$0x2] =	wrdreg s5  }
0xaf: {  	[dreg:$0x3] =	wrdreg s6  }
0xb0: {  	[dreg:$0x4] =	wrdreg $0xC0  }
0xb1: {  	_ =	task [dreg:s9], $0x5FFFF  }
0xb2: {  	[dreg:$0x1] =	wrdreg $0xFFFFFFFF  }
0xb3: {  	[dreg:$0x0] =	wrdreg $0x60  }
0xb4: {  	[dreg:$0x2] =	wrdreg s18  }
0xb5: {  	[dreg:$0x3] =	wrdreg s19  }
0xb6: {  	[dreg:$0x4] =	wrdreg s17  }
0xb7: {  	[dreg:$0x5] =	wrdreg $0x9  }
0xb8: {  	_ =	task.clear_ibuf [dreg:s9], $0x6FFFF;
	_ =	strace $0x9000004C  }
0xb9: {  	s29 =	simm.s32 $0x9;
	_ =	strace $0x8000004E  }
0xba: {  	_ =	swait.ge [sflag:s29], $0x1  }
0xbb: {  	[sflag:s29] =	ssyncadd.s32 $0xFFFFFFFF  }
0xbc: {  	_ =	strace $0x9000004E  }
0xbd: {  	_ =	sfence  }
0xbe: {  	s30 =	sld [smem:$0x0];
	_ =	sdelay $0x2  }
0xbf: {  	s31 =	sshll.u32 s1, $0xD;
	s1 =	sshrl.u32 s1, $0x2  }
0xc0: {  	s3 =	sand.u32 $0x4000, s31;
	s1 =	sadd.s32 s1, s30  }
0xc1: {  	s0 =	sor.u32 s3, s0;
	s1 =	sshll.u32 s1, $0x11  }
0xc2: {  	s0 =	sor.u32 s1, s0  }
0xc3: {  	s0 =	sadd.s32 $0x8F2B, s0  }
0xc4: {  	[sflag:s0] =	ssyncadd.remote.s32 $0x1  }
0xc5: {  	_ =	sfence.sel $0xFFFF  }
0xc6: {  	[dreg:$0x0] =	wrdreg $0xFFFFFFFF;
	(pc) =	sbr.abs _section_cstart, $3  }
0xc7: {  	[dreg:$0x1] =	wrdreg $0xFFFFFFFF  }
0xc8: {  	_ =	task.clear_ibuf [dreg:s9], $0x2FFFF;
	_ =	strace $0x9FFFFFFF  }
0xc9: {  	(tm) =	ssettm $0x7FFFFFFF  }
tec
execute0_lowered:
.L_overlay_start_1:
0x0: {  	(tag) =	ssettag $0x1  }
0x1: {  	s1 =	rddreg [dreg:$0x0]  }
0x2: {  	s2 =	rddreg [dreg:$0x1]  }
0x3: {  	s3 =	rddreg [dreg:$0x2];
	s4 =	srdreg.scid  }
0x4: {  	s0 =	rddreg [dreg:$0x3];
	s5 =	simm.s32 $0x0;
	s6 =	sand.u32 $0x1, s4  }
0x5: {  	s9 =	simm.s32 $0x1;
	s10 =	simm.s32 $0x0;
	s7 =	ssub.s32 $0x2, s6  }
0x6: {  	s4 =	stileid.u32;
	s6 =	sshll.u32 s6, $0x4;
	s8 =	sshrl.u32 s7, $0x1  }
0x7: {  	[smem:$0x7FF] =	sst s5;
	s6 =	sor.u32 s4, s6;
	s8 =	ssub.s32 s7, s8  }
0x8: {  	_ =	strace $0x8000004D;
	s7 =	sshll.u32 s6, $0xD;
	s8 =	smax.u32 s8, $0x1  }
.LBB2_1:
0x9: {  	s11 =	simm.s32 $0x2000  }
0xa: {  	[tilespmem:s11], [sflag:$0x1] =	stream.linear.gather [hbm4b:s2+s5], $0x1000, $0x38;
	[tilespmem:$0x3000] =	vst v63  }
0xb: {  	_ =	swait.ge [sflag:s9], $0x1000  }
0xc: {  	[sflag:s9] =	ssyncset.done $0x0  }
0xd: {  	[sflag:s9] =	ssyncadd.s32 $0xFFFFF000  }
0xe: {  	v1 =	vld [tilespmem:s11+$0x0];
	_ =	sdelay $0x3  }
0xf: {  	p0 =	sgt.s32 s6, $0x0  }
0x10: {  	v0 =	vimm.s32 $0x0;
	s12 =	simm.s32 $0x2080;
	s11 =	simm.s32 $0x1;
	v1 =	vpsel !p0, $0x0, v1  }
.LBB2_2:
0x11: {  	v2 =	vld [tilespmem:s12+$0x0];
	p0 =	sne.s32 s11, $0x1F;
	v0 =	vadd.s32 v0, v1;
	s13 =	smov.u32 s11;
	s11 =	sadd.s32 $0x1, s11  }
.Ltmp0:
0x12: {  	(pc) =	sbr.rel @p0 .LBB2_2-.Ltmp0, $3  }
0x13: {  	_ =	sdelay $0x1  }
0x14: {  	p1 =	slt.s32 s13, s6  }
0x15: {  	s12 =	sadd.s32 $0x80, s12;
	v1 =	vpsel !p1, $0x0, v2  }
0x16: {  	v0 =	vadd.s32 v0, v1  }
0x17: {  	(xrf0) =	vadd.scan.msk.s32 $0xffff, v0;
	_ =	sdelay $0x5  }
0x18: {  	v0, _, _ =	vpop (xrf0)  }
0x19: {  	(v2sf) =	vpush v0, $0xF;
	_ =	sdelay $0xe  }
0x1a: {  	s11 =	simm.s32 $0x0;
	s12 =	simm.s32 $0x0;
	s13 =	spop (v2sf)  }
.LBB2_4:
0x1b: {  	s14 =	sshll.u32 s12, $0xA  }
0x1c: {  	s14 =	sadd.s32 s7, s14  }
0x1d: {  	s15 =	sadd.s32 s1, s14  }
0x1e: {  	[tilespmem:s11], [sflag:$0x1] =	stream.linear.gather [hbm4b:s15+s11], $0x2000, $0x38;
	[tilespmem:$0x3000] =	vst v63  }
0x1f: {  	_ =	swait.ge [sflag:s9], $0x2000  }
0x20: {  	[sflag:s9] =	ssyncset.done $0x0  }
0x21: {  	s17 =	simm.s32 $0x0;
	[sflag:s9] =	ssyncadd.s32 $0xFFFFE000  }
0x22: {  	v0 =	vld [tilespmem:s17+$0x0];
	_ =	sdelay $0x4  }
0x23: {  	(xrf0) =	vadd.scan.msk.s32 $0xffff, v0;
	_ =	sdelay $0x5  }
0x24: {  	v1, _, _ =	vpop (xrf0)  }
0x25: {  	(v2sf) =	vpush v1, $0xF  }
0x26: {  	v0 =	vsub.s32 s13, v0  }
0x27: {  	v0 =	vadd.s32 v1, v0  }
0x28: {  	s16 =	simm.s32 $0x80;
	s15 =	simm.s32 $0x10;
	[tilespmem:s17+$0x0] =	vst v0  }
.LBB2_5:
0x29: {  	p0 =	sne.s32 s16, $0x7FC0;
	v0 =	vld [tilespmem:s15+$0x0];
	_ =	sdelay $0x4  }
0x2a: {  	(xrf0) =	vadd.scan.msk.s32 $0xffff, v0;
	_ =	sdelay $0x5  }
.Ltmp1:
0x2b: {  	v1, _, _ =	vpop (xrf0);
	s17 =	spop (v2sf);
	(pc) =	sbr.rel @p0 .LBB2_5-.Ltmp1, $4  }
0x2c: {  	(v2sf) =	vpush v1, $0xF;
	s13 =	sadd.s32 s13, s17  }
0x2d: {  	v0 =	vsub.s32 s13, v0  }
0x2e: {  	v0 =	vadd.s32 v1, v0  }
0x2f: {  	[tilespmem:s15+$0x0] =	vst v0;
	s15 =	sshra.s32 s16, $0x2;
	s16 =	sadd.s32 $0x40, s16  }
0x30: {  	v0 =	vld [tilespmem:s15+$0x0];
	_ =	sdelay $0x4  }
0x31: {  	(xrf0) =	vadd.scan.msk.s32 $0xffff, v0;
	_ =	sdelay $0x5  }
0x32: {  	v1, _, _ =	vpop (xrf0)  }
0x33: {  	(v2sf) =	vpush v1, $0xF;
	_ =	sdelay $0x7  }
0x34: {  	s16 =	spop (v2sf)  }
0x35: {  	s13 =	sadd.s32 s13, s16  }
0x36: {  	v0 =	vsub.s32 s13, v0  }
0x37: {  	s12 =	sadd.s32 $0x1, s12;
	v0 =	vadd.s32 v1, v0  }
0x38: {  	s14 =	sadd.s32 s3, s14;
	p0 =	sne.s32 s12, $0x8;
	[tilespmem:s15+$0x0] =	vst v0  }
0x39: {  	[hbm4b:s14+s5] =	stream.linear.scatter [tilespmem:s5], [sflag:$0x1], $0x2000, $0x38;
	[tilespmem:$0x3000] =	vst v63  }
.Ltmp2:
0x3a: {  	_ = 	snop;
	(pc) =	sbr.rel @p0 .LBB2_4-.Ltmp2, $4  }
0x3b: {  	s31 =	spop (v2sf)  }
0x3c: {  	_ =	swait.ge [sflag:s9], $0x2000  }
0x3d: {  	[sflag:s9] =	ssyncset.done $0x0  }
0x3e: {  	s13 =	sadd.s32 s13, s31;
	[sflag:s9] =	ssyncadd.s32 $0xFFFFE000  }
0x3f: {  	s10 =	sadd.s32 $0x1, s10  }
0x40: {  	p0 =	sne.s32 s10, s8  }
.Ltmp3:
0x41: {  	_ = 	snop;
	(pc) =	sbr.rel @p0 .LBB2_1-.Ltmp3, $1  }
0x42: {  	_ =	sdelay $0x3  }
0x43: {  	_ =	sfence.sel $0x180000  }
0x44: {  	[bflag:$0x0] =	sbarrier.arrive $0xFFFF  }
0x45: {  	p0 =	sne.s32 s4, $0x0;
	_ =	strace $0x9000004D  }
0x46: {  	s0 =	sadd.s32 @!p0 $0x100000, s0;
	[bflag:$0x2] =	sbarrier.arrive $0xFFFF  }
0x47: {  	[sflag:s0] =	ssyncadd.tile.s32 @!p0 $0x1;
	_ =	shalt  }
.Lfunc_end2:
_tile_overlayer_lowered:
.L_overlay_start_2:
0x48: {  	(tag) =	ssettag $0x2  }
0x49: {  	s0 =	rddreg [dreg:$0x0];
	s2 =	stileid.u32  }
0x4a: {  	s1 =	rddreg [dreg:$0x1];
	p0 =	sne.s32 s2, $0x0  }
0x4b: {  	s3 =	rddreg [dreg:$0x2];
	[bflag:$0x3] =	sbarrier.arrive $0xFFFF;
	s2 =	simm.s32 @!p0 $0x1C01  }
0x4c: {  	[timem:s3], [sflag:s2] =	dma.local @!p0 [hbm:s0], s1  }
0x4d: {  	s0 =	simm.s32 @!p0 $0x1  }
0x4e: {  	_ =	swait.ge @!p0 [sflag:s0], s1  }
0x4f: {  	s1 =	ssub.s32 @!p0 $0x0, s1;
	[sflag:s0] =	ssyncset.done @!p0 $0x0  }
0x50: {  	[sflag:s0] =	ssyncadd.s32 @!p0 s1  }
0x51: {  	[bflag:$0x3] =	sbarrier.arrive $0xFFFF  }
0x52: {  	_ =	shalt  }

// kernel: kernel.15.cloned.1.call-start
scs
__scs_entry_jumppad:
0x0: {  	(pc) =	sbr.rel $0x88, $3  }
0x1: {  	(tag) =	ssettag $0x0;
	lr =	simm.s32 $0x1  }
0x2: {  	[smem:$0x3FA0] =	sst lr;
	_ =	strace $0xD0000000  }
0x3: {  	_ = 	snop  }
0x4: {  	_ = 	snop  }
0x5: {  	_ = 	snop  }
0x6: {  	_ = 	snop  }
0x7: {  	_ = 	snop  }
__scs_overlays_trampoline_lowered:
0x8: {  	[smem:$0x3FAF] =	sst s0  }
0x9: {  	[smem:$0x3FB0] =	sst s1  }
0xa: {  	[smem:$0x3FB1] =	sst s2  }
0xb: {  	[smem:$0x3FB2] =	sst s3  }
0xc: {  	[smem:$0x3FB3] =	sst s4  }
0xd: {  	[smem:$0x3FB4] =	sst s5  }
0xe: {  	[smem:$0x3FB5] =	sst s6  }
0xf: {  	[smem:$0x3FB6] =	sst s7  }
0x10: {  	[smem:$0x3FB7] =	sst s8  }
0x11: {  	[smem:$0x3FB8] =	sst s9;
	s0 =	simm.s32 @!p0 $0x0  }
0x12: {  	s1 =	sld [smem:$0x3F9E];
	s0 =	simm.s32 @p0 $0x1  }
0x13: {  	[smem:$0x3FB9] =	sst s0;
	s0 =	simm.s32 @!p1 $0x0  }
0x14: {  	s2 =	sld [smem:$0x3F9D];
	s0 =	simm.s32 @p1 $0x1  }
0x15: {  	[smem:$0x3FBA] =	sst s0;
	s0 =	simm.s32 @!p2 $0x0  }
0x16: {  	s3 =	sld [smem:$0x3FDB];
	s0 =	simm.s32 @p2 $0x1  }
0x17: {  	s4 =	simm.s32 $0x1BF5;
	[smem:$0x3FBC] =	sst s0  }
0x18: {  	s0 =	sld [smem:$0x3F9F];
	_ =	swait.ge [sflag:s4], $0x0  }
0x19: {  	s7 =	sld [smem:$0x3FA0]  }
0x1a: {  	s8 =	sadd.s32 $0xFFFFE003, lr  }
0x1b: {  	s9 =	sadd.s32 $0xFFFFFEF7, lr;
	s5 =	simm.s32 $0xFFFFFFFF;
	p2 =	slt.u32 s8, $0xFFFFF086  }
0x1c: {  	p1 =	slt.u32 s9, $0xF7A;
	s5 =	simm.s32 @!p2 $0x0  }
0x1d: {  	s5 =	simm.s32 @p1 $0x1;
	p0 =	seq.s32 s7, s2  }
0x1e: {  	s7 =	smul.u32 @!p0 $0xF7A, s2;
	p2 =	seq.s32 @!p0 s5, $0x0  }
0x1f: {  	s9 =	smul.u32 $0xF7A, s1;
	s8 =	simm.s32 @!p0 $0x1BF5;
	p2 =	por !p2, p0  }
0x20: {  	[sflag:s8] =	ssyncset.s32 @!p0 $0xFFFFF086;
	s6 =	sadd.s32 @!p0 s3, s7;
	s7 =	simm.s32 @!p0 $0x108  }
0x21: {  	s3 =	sadd.s32 s3, s9;
	s6 =	sadd.s32 @!p0 $0x88, s6;
	s7 =	simm.s32 @p2 $0x1082  }
0x22: {  	[simem:s7], [sflag:s8] =	dma.local @!p0 [hbm:s6], $0xF7A  }
0x23: {  	s9 =	sor.u32 $0xD0000000, s2;
	s6 =	simm.s32 $0x108;
	_ =	swait.ge @!p0 [sflag:s8], $0x0  }
0x24: {  	s3 =	sadd.s32 $0x88, s3;
	s6 =	simm.s32 @!p1 $0x1082;
	[sflag:s4] =	ssyncset.s32 $0xFFFFF086  }
0x25: {  	[simem:s6], [sflag:s4] =	dma.local [hbm:s3], $0xF7A  }
0x26: {  	[smem:$0x3FA0] =	sst s1;
	(tag) =	ssettag s2;
	_ =	strace s9  }
0x27: {  	s1 =	sld [smem:$0x3FB0]  }
0x28: {  	s2 =	sld [smem:$0x3FB1]  }
0x29: {  	s4 =	sld [smem:$0x3FB3]  }
0x2a: {  	p0 =	seq.s32 s5, $0x0;
	s5 =	sld [smem:$0x3FB4]  }
0x2b: {  	s6 =	sld [smem:$0x3FB5]  }
0x2c: {  	s7 =	sld [smem:$0x3FB6]  }
0x2d: {  	s3 =	simm.s32 $0x108;
	s8 =	sld [smem:$0x3FB7]  }
0x2e: {  	s3 =	simm.s32 @!p0 $0x1082;
	s9 =	sld [smem:$0x3FB8]  }
0x2f: {  	lr =	sadd.s32 s0, s3;
	s0 =	sld [smem:$0x3FAF]  }
0x30: {  	s3 =	sld [smem:$0x3FB2]  }
0x31: {  	[smem:$0x3FBB] =	sst s10  }
0x32: {  	s10 =	sld [smem:$0x3FB9];
	_ =	sdelay $0x3  }
0x33: {  	p0 =	seq.s32 s10, $0x1;
	s10 =	sld [smem:$0x3FBB];
	_ =	sdelay $0x3  }
0x34: {  	[smem:$0x3FBB] =	sst s10  }
0x35: {  	s10 =	sld [smem:$0x3FBA];
	_ =	sdelay $0x3  }
0x36: {  	p1 =	seq.s32 s10, $0x1;
	s10 =	sld [smem:$0x3FBB];
	_ =	sdelay $0x3  }
0x37: {  	[smem:$0x3FBB] =	sst s10  }
0x38: {  	s10 =	sld [smem:$0x3FBC]  }
0x39: {  	_ = 	snop;
	(pc) =	sbr.ind lr, $3  }
0x3a: {  	_ = 	snop  }
0x3b: {  	_ = 	snop  }
0x3c: {  	p2 =	seq.s32 s10, $0x1;
	s10 =	sld [smem:$0x3FBB]  }
0x3d: {  	_ =	shalt  }
0x3e: {  	_ =	shalt  }
0x3f: {  	_ =	shalt  }
0x40: {  	_ =	shalt  }
0x41: {  	_ =	shalt  }
0x42: {  	_ =	shalt  }
0x43: {  	_ =	shalt  }
0x44: {  	_ =	shalt  }
0x45: {  	_ =	shalt  }
0x46: {  	_ =	shalt  }
0x47: {  	_ =	shalt  }
0x48: {  	_ =	shalt  }
0x49: {  	_ =	shalt  }
0x4a: {  	_ =	shalt  }
0x4b: {  	_ =	shalt  }
0x4c: {  	_ =	shalt  }
0x4d: {  	_ =	shalt  }
0x4e: {  	_ =	shalt  }
0x4f: {  	_ =	shalt  }
0x50: {  	_ =	shalt  }
0x51: {  	_ =	shalt  }
0x52: {  	_ =	shalt  }
0x53: {  	_ =	shalt  }
0x54: {  	_ =	shalt  }
0x55: {  	_ =	shalt  }
0x56: {  	_ =	shalt  }
0x57: {  	_ =	shalt  }
0x58: {  	_ =	shalt  }
0x59: {  	_ =	shalt  }
0x5a: {  	_ =	shalt  }
0x5b: {  	_ =	shalt  }
0x5c: {  	_ =	shalt  }
0x5d: {  	_ =	shalt  }
0x5e: {  	_ =	shalt  }
0x5f: {  	_ =	shalt  }
0x60: {  	_ =	shalt  }
0x61: {  	_ =	shalt  }
0x62: {  	_ =	shalt  }
0x63: {  	_ =	shalt  }
0x64: {  	_ =	shalt  }
0x65: {  	_ =	shalt  }
0x66: {  	_ =	shalt  }
0x67: {  	_ =	shalt  }
0x68: {  	_ =	shalt  }
0x69: {  	_ =	shalt  }
0x6a: {  	_ =	shalt  }
0x6b: {  	_ =	shalt  }
0x6c: {  	_ =	shalt  }
0x6d: {  	_ =	shalt  }
0x6e: {  	_ =	shalt  }
0x6f: {  	_ =	shalt  }
0x70: {  	_ =	shalt  }
0x71: {  	_ =	shalt  }
0x72: {  	_ =	shalt  }
0x73: {  	_ =	shalt  }
0x74: {  	_ =	shalt  }
0x75: {  	_ =	shalt  }
0x76: {  	_ =	shalt  }
0x77: {  	_ =	shalt  }
0x78: {  	_ =	shalt  }
0x79: {  	_ =	shalt  }
0x7a: {  	_ =	shalt  }
0x7b: {  	_ =	shalt  }
0x7c: {  	_ =	shalt  }
0x7d: {  	_ =	shalt  }
0x7e: {  	_ =	shalt  }
0x7f: {  	_ =	shalt  }
0x80: {  	_ =	shalt  }
0x81: {  	_ =	shalt  }
0x82: {  	_ =	shalt  }
0x83: {  	_ =	shalt  }
0x84: {  	_ =	shalt  }
0x85: {  	_ =	shalt  }
0x86: {  	_ =	shalt  }
0x87: {  	_ =	shalt  }
.Lfunc_end0:
.L_simem_size_0:
called_computation.3_lowered:
.L_overlay_start_0:
0x88: {  	s2 =	sld [smem:$0x3FD9]  }
0x89: {  	s3 =	sld [smem:$0x3FFE];
	_ =	sdelay $0x1  }
0x8a: {  	s1 =	srdreg.scid  }
0x8b: {  	s0 =	sand.u32 $0x1, s1  }
0x8c: {  	s15 =	sshll.u32 s0, $0xA;
	s2 =	sadd.s32 s3, s2  }
0x8d: {  	s2 =	sadd.s32 s2, s15  }
0x8e: {  	[smem:$0x3FC7] =	sst s2  }
0x8f: {  	_ = 	snop  }
0x90: {  	s2 =	sld [smem:$0x3FD0];
	_ =	sdelay $0x2  }
0x91: {  	s16 =	simm.s32 $0xA;
	s4 =	simm.s32 $0x10  }
0x92: {  	[smem:s4], [sflag:s16] =	dma.local [hbm:s2], $0x1  }
0x93: {  	_ =	swait.eq [sflag:s16], $0x1  }
0x94: {  	s17 =	sld [smem:$0x10];
	[sflag:s16] =	ssyncset.done $0x0  }
0x95: {  	s18 =	sld [smem:$0x11];
	[sflag:s16] =	ssyncadd.s32 $0xFFFFFFFF  }
0x96: {  	s19 =	sld [smem:$0x13];
	(tm) =	ssettm $0x1  }
0x97: {  	s5 =	sld [smem:$0x3FFB];
	_ =	sdelay $0x3  }
0x98: {  	_ =	strace s5  }
0x99: {  	s5 =	sld [smem:$0x3FFC];
	_ =	sdelay $0x3  }
0x9a: {  	_ =	strace s5  }
0x9b: {  	s5 =	sld [smem:$0x3FFD];
	_ =	sdelay $0x3  }
0x9c: {  	_ =	strace s5  }
0x9d: {  	_ =	strace $0x8FFFFFFF  }
0x9e: {  	s20 =	sld [smem:$0x3FDB];
	_ =	sdelay $0x1  }
0x9f: {  	s6 =	simm.s32 $_scs_section_size  }
0xa0: {  	s7 =	simm.s32 $_size__tile_overlayer_lowered;
	s8 =	simm.s32 $_tile_overlayer_lowered  }
0xa1: {  	s23 =	simm.s32 $0x1BFF;
	s22 =	sshll.u32 s8, $0x1;
	s5 =	sadd.s32 s6, s20  }
0xa2: {  	s9 =	simm.s32 $0x0;
	s21 =	sshll.u32 s7, $0x1;
	s7 =	sadd.s32 s22, s5  }
0xa3: {  	[timem:s9], [sflag:s23] =	dma.local [hbm:s7], s21  }
0xa4: {  	_ =	swait.ge [sflag:s23], s21  }
0xa5: {  	s6 =	ssub.s32 $0x0, s21;
	[sflag:s23] =	ssyncset.done $0x0  }
0xa6: {  	[sflag:s23] =	ssyncadd.s32 s6;
	_ =	sdelay $0x1  }
0xa7: {  	s24 =	simm.s32 $0x1B8B  }
0xa8: {  	_ =	swait.ge [sflag:s24], $0x1  }
0xa9: {  	[sflag:s24] =	ssyncset.done $0x0  }
0xaa: {  	s25 =	simm.s32 $0x1B8E;
	[sflag:s24] =	ssyncadd.s32 $0xFFFFFFFF  }
0xab: {  	s26 =	simm.s32 $execute0_lowered;
	[smem:$0x3FD2] =	sst s25  }
0xac: {  	s6 =	sshll.u32 s26, $0x1;
	_ =	strace $0x8000004F;
	[dreg:$0x1] =	wrdreg $0xFFFFFFFF  }
0xad: {  	s28 =	simm.s32 $_size_execute0_lowered;
	s5 =	sadd.s32 s5, s6;
	[dreg:$0x0] =	wrdreg $0x0  }
0xae: {  	s6 =	sshll.u32 s28, $0x1;
	[dreg:$0x2] =	wrdreg s5  }
0xaf: {  	[dreg:$0x3] =	wrdreg s6  }
0xb0: {  	[dreg:$0x4] =	wrdreg $0xC0  }
0xb1: {  	_ =	task [dreg:s9], $0x5FFFF  }
0xb2: {  	[dreg:$0x1] =	wrdreg $0xFFFFFFFF  }
0xb3: {  	[dreg:$0x0] =	wrdreg $0x60  }
0xb4: {  	[dreg:$0x2] =	wrdreg s17  }
0xb5: {  	[dreg:$0x3] =	wrdreg s18  }
0xb6: {  	[dreg:$0x4] =	wrdreg s19  }
0xb7: {  	[dreg:$0x5] =	wrdreg $0x9  }
0xb8: {  	_ =	task.clear_ibuf [dreg:s9], $0x6FFFF;
	_ =	strace $0x9000004F  }
0xb9: {  	s29 =	simm.s32 $0x9;
	_ =	strace $0x80000051  }
0xba: {  	_ =	swait.ge [sflag:s29], $0x1  }
0xbb: {  	[sflag:s29] =	ssyncadd.s32 $0xFFFFFFFF  }
0xbc: {  	_ =	strace $0x90000051  }
0xbd: {  	_ =	sfence  }
0xbe: {  	s30 =	sld [smem:$0x0];
	_ =	sdelay $0x2  }
0xbf: {  	s31 =	sshll.u32 s1, $0xD;
	s1 =	sshrl.u32 s1, $0x2  }
0xc0: {  	s3 =	sand.u32 $0x4000, s31;
	s1 =	sadd.s32 s1, s30  }
0xc1: {  	s0 =	sor.u32 s3, s0;
	s1 =	sshll.u32 s1, $0x11  }
0xc2: {  	s0 =	sor.u32 s1, s0  }
0xc3: {  	s0 =	sadd.s32 $0x8F2B, s0  }
0xc4: {  	[sflag:s0] =	ssyncadd.remote.s32 $0x1  }
0xc5: {  	_ =	sfence.sel $0xFFFF  }
0xc6: {  	[dreg:$0x0] =	wrdreg $0xFFFFFFFF;
	(pc) =	sbr.abs _section_cstart, $3  }
0xc7: {  	[dreg:$0x1] =	wrdreg $0xFFFFFFFF  }
0xc8: {  	_ =	task.clear_ibuf [dreg:s9], $0x2FFFF;
	_ =	strace $0x9FFFFFFF  }
0xc9: {  	(tm) =	ssettm $0x7FFFFFFF  }
tec
execute0_lowered:
.L_overlay_start_1:
0x0: {  	(tag) =	ssettag $0x1  }
0x1: {  	s1 =	rddreg [dreg:$0x0]  }
0x2: {  	s0 =	srdreg.scid;
	s6 =	rddreg [dreg:$0x1]  }
0x3: {  	s3 =	rddreg [dreg:$0x2];
	s4 =	simm.s32 $0x0;
	s9 =	simm.s32 $0x3  }
0x4: {  	s10 =	simm.s32 $0x1D000;
	s11 =	simm.s32 $0x19000;
	s12 =	simm.s32 $0x2  }
0x5: {  	s14 =	simm.s32 $0x1B000;
	s15 =	simm.s32 $0x0;
	s5 =	sand.u32 $0x1, s0  }
0x6: {  	s0 =	stileid.u32;
	[smem:$0x7FF] =	sst s4;
	s2 =	sshll.u32 s5, $0x4  }
0x7: {  	s5 =	ssub.s32 $0x2, s5;
	s13 =	sor.u32 s0, s2;
	s2 =	rddreg [dreg:$0x3]  }
.Ltmp0:
0x8: {  	s8 =	sshrl.u32 s5, $0x1;
	s7 =	sshll.u32 s13, $0x10;
	(pc) =	sbr.rel .LBB2_1-.Ltmp0, $4  }
0x9: {  	_ =	strace $0x80000050;
	s8 =	ssub.s32 s5, s8;
	s7 =	smin.u32 s7, $0x1EFFF0  }
0xa: {  	s31 =	sshll.u32 s13, $0xD;
	p0 =	seq.s32 s13, $0x1F;
	s7 =	sshrl.u32 s7, $0x3  }
0xb: {  	v0 =	vmov s13;
	s13 =	simm.s32 $0x1;
	s5 =	sadd.s32 s6, s31;
	s7 =	sadd.s32 s6, s7  }
0xc: {  	vm0 =	vmxor vm0, vm0;
	s8 =	smax.u32 s8, $0x1;
	s6 =	sadd.s32 $0x2000, s7;
	s7 =	sadd.s32 $0x400, s1  }
.LBB2_13:
0xd: {  	[sflag:s9] =	ssyncset.done $0x0  }
0xe: {  	[sflag:s9] =	ssyncadd.s32 $0xFFFFE000  }
.LBB2_14:
0xf: {  	s18 =	sand.u32 $0x1000, s17  }
0x10: {  	p2 =	seq.s32 s18, $0x0  }
0x11: {  	s18 =	sand.u32 @!p2 $0xE000, s17  }
0x12: {  	s19 =	sadd.s32 @!p2 s16, s18  }
0x13: {  	s22 =	sand.u32 $0x800, s17;
	s19 =	sshrl.u32 @!p2 s19, $0x3  }
0x14: {  	s20 =	simm.s32 @!p2 $0x0;
	s18 =	sor.u32 @!p2 $0x10000, s18;
	s19 =	sadd.s32 @!p2 s3, s19  }
0x15: {  	[hbm4b:s19+s20] =	stream.linear.scatter @!p2 [tilespmem:s18], [sflag:$0x3], $0x1000, $0x38;
	[tilespmem:$0x1D180] =	vst v63  }
0x16: {  	p1 =	seq.s32 s22, $0x0;
	s19 =	simm.s32 @!p2 $0x3  }
0x17: {  	s18 =	sand.u32 @!p1 $0xF000, s17;
	_ =	swait.ge @!p2 [sflag:s19], $0x1000  }
0x18: {  	s20 =	sadd.s32 @!p1 s16, s18;
	[sflag:s19] =	ssyncset.done @!p2 $0x0  }
0x19: {  	s23 =	sand.u32 $0x400, s17;
	[sflag:s19] =	ssyncadd.s32 @!p2 $0xFFFFF000;
	s19 =	sshrl.u32 @!p1 s20, $0x3  }
0x1a: {  	s18 =	sor.u32 @!p1 $0x10000, s18;
	s20 =	simm.s32 @!p1 $0x0;
	s19 =	sadd.s32 @!p1 s3, s19  }
0x1b: {  	[hbm4b:s19+s20] =	stream.linear.scatter @!p1 [tilespmem:s18], [sflag:$0x3], $0x800, $0x38;
	[tilespmem:$0x1D180] =	vst v63  }
0x1c: {  	p2 =	seq.s32 s23, $0x0;
	s19 =	simm.s32 @!p1 $0x3  }
0x1d: {  	s18 =	sand.u32 @!p2 $0xF800, s17;
	_ =	swait.ge @!p1 [sflag:s19], $0x800  }
0x1e: {  	s20 =	sadd.s32 @!p2 s16, s18;
	[sflag:s19] =	ssyncset.done @!p1 $0x0  }
0x1f: {  	s24 =	sand.u32 $0x200, s17;
	[sflag:s19] =	ssyncadd.s32 @!p1 $0xFFFFF800;
	s19 =	sshrl.u32 @!p2 s20, $0x3  }
0x20: {  	s18 =	sor.u32 @!p2 $0x10000, s18;
	s20 =	simm.s32 @!p2 $0x0;
	s19 =	sadd.s32 @!p2 s3, s19  }
0x21: {  	[hbm4b:s19+s20] =	stream.linear.scatter @!p2 [tilespmem:s18], [sflag:$0x3], $0x400, $0x38;
	[tilespmem:$0x1D180] =	vst v63  }
0x22: {  	p1 =	seq.s32 s24, $0x0;
	s19 =	simm.s32 @!p2 $0x3  }
0x23: {  	s18 =	sand.u32 @!p1 $0xFC00, s17;
	_ =	swait.ge @!p2 [sflag:s19], $0x400  }
0x24: {  	s20 =	sadd.s32 @!p1 s16, s18;
	[sflag:s19] =	ssyncset.done @!p2 $0x0  }
0x25: {  	s25 =	sand.u32 $0x100, s17;
	[sflag:s19] =	ssyncadd.s32 @!p2 $0xFFFFFC00;
	s19 =	sshrl.u32 @!p1 s20, $0x3  }
0x26: {  	s18 =	sor.u32 @!p1 $0x10000, s18;
	s20 =	simm.s32 @!p1 $0x0;
	s19 =	sadd.s32 @!p1 s3, s19  }
0x27: {  	[hbm4b:s19+s20] =	stream.linear.scatter @!p1 [tilespmem:s18], [sflag:$0x3], $0x200, $0x38;
	[tilespmem:$0x1D180] =	vst v63  }
0x28: {  	p2 =	seq.s32 s25, $0x0;
	s19 =	simm.s32 @!p1 $0x3  }
0x29: {  	s18 =	sand.u32 @!p2 $0xFE00, s17;
	_ =	swait.ge @!p1 [sflag:s19], $0x200  }
0x2a: {  	s20 =	sadd.s32 @!p2 s16, s18;
	[sflag:s19] =	ssyncset.done @!p1 $0x0  }
0x2b: {  	s26 =	sand.u32 $0x80, s17;
	[sflag:s19] =	ssyncadd.s32 @!p1 $0xFFFFFE00;
	s19 =	sshrl.u32 @!p2 s20, $0x3  }
0x2c: {  	s18 =	sor.u32 @!p2 $0x10000, s18;
	s20 =	simm.s32 @!p2 $0x0;
	s19 =	sadd.s32 @!p2 s3, s19  }
0x2d: {  	[hbm4b:s19+s20] =	stream.linear.scatter @!p2 [tilespmem:s18], [sflag:$0x3], $0x100, $0x38;
	[tilespmem:$0x1D180] =	vst v63  }
0x2e: {  	p1 =	seq.s32 s26, $0x0;
	s19 =	simm.s32 @!p2 $0x3  }
0x2f: {  	s18 =	sand.u32 @!p1 $0xFF00, s17;
	_ =	swait.ge @!p2 [sflag:s19], $0x100  }
0x30: {  	s20 =	sadd.s32 @!p1 s16, s18;
	[sflag:s19] =	ssyncset.done @!p2 $0x0  }
0x31: {  	s28 =	sand.u32 $0x40, s17;
	[sflag:s19] =	ssyncadd.s32 @!p2 $0xFFFFFF00;
	s19 =	sshrl.u32 @!p1 s20, $0x3  }
0x32: {  	s18 =	sor.u32 @!p1 $0x10000, s18;
	s20 =	simm.s32 @!p1 $0x0;
	s19 =	sadd.s32 @!p1 s3, s19  }
0x33: {  	[hbm4b:s19+s20] =	stream.linear.scatter @!p1 [tilespmem:s18], [sflag:$0x3], $0x80, $0x38;
	[tilespmem:$0x1D180] =	vst v63  }
0x34: {  	p2 =	seq.s32 s28, $0x0;
	s19 =	simm.s32 @!p1 $0x3  }
0x35: {  	s18 =	sand.u32 @!p2 $0xFF80, s17;
	_ =	swait.ge @!p1 [sflag:s19], $0x80  }
0x36: {  	s20 =	sadd.s32 @!p2 s16, s18;
	[sflag:s19] =	ssyncset.done @!p1 $0x0  }
0x37: {  	s29 =	sand.u32 $0x20, s17;
	[sflag:s19] =	ssyncadd.s32 @!p1 $0xFFFFFF80;
	s19 =	sshrl.u32 @!p2 s20, $0x3  }
0x38: {  	s18 =	sor.u32 @!p2 $0x10000, s18;
	s20 =	simm.s32 @!p2 $0x0;
	s19 =	sadd.s32 @!p2 s3, s19  }
0x39: {  	[hbm4b:s19+s20] =	stream.linear.scatter @!p2 [tilespmem:s18], [sflag:$0x3], $0x40, $0x38;
	[tilespmem:$0x1D180] =	vst v63  }
0x3a: {  	p1 =	seq.s32 s29, $0x0;
	s19 =	simm.s32 @!p2 $0x3  }
0x3b: {  	s18 =	sand.u32 @!p1 $0xFFC0, s17;
	_ =	swait.ge @!p2 [sflag:s19], $0x40  }
0x3c: {  	s20 =	sadd.s32 @!p1 s16, s18;
	[sflag:s19] =	ssyncset.done @!p2 $0x0  }
0x3d: {  	s30 =	sand.u32 $0x10, s17;
	[sflag:s19] =	ssyncadd.s32 @!p2 $0xFFFFFFC0;
	s19 =	sshrl.u32 @!p1 s20, $0x3  }
0x3e: {  	s18 =	sor.u32 @!p1 $0x10000, s18;
	s20 =	simm.s32 @!p1 $0x0;
	s19 =	sadd.s32 @!p1 s3, s19  }
0x3f: {  	[hbm4b:s19+s20] =	stream.linear.scatter @!p1 [tilespmem:s18], [sflag:$0x3], $0x20, $0x38;
	[tilespmem:$0x1D180] =	vst v63  }
0x40: {  	p2 =	seq.s32 s30, $0x0;
	s19 =	simm.s32 @!p1 $0x3  }
0x41: {  	s18 =	sand.u32 @!p2 $0xFFE0, s17;
	_ =	swait.ge @!p1 [sflag:s19], $0x20  }
0x42: {  	s31 =	sand.u32 $0x8, s17;
	s20 =	sadd.s32 @!p2 s16, s18;
	[sflag:s19] =	ssyncset.done @!p1 $0x0  }
0x43: {  	s18 =	sor.u32 @!p2 $0x10000, s18;
	[sflag:s19] =	ssyncadd.s32 @!p1 $0xFFFFFFE0;
	s19 =	sshrl.u32 @!p2 s20, $0x3  }
0x44: {  	s20 =	simm.s32 @!p2 $0x0;
	p1 =	seq.s32 s31, $0x0;
	s19 =	sadd.s32 @!p2 s3, s19  }
0x45: {  	[hbm4b:s19+s20] =	stream.linear.scatter @!p2 [tilespmem:s18], [sflag:$0x3], $0x10, $0x38;
	[tilespmem:$0x1D180] =	vst v63  }
0x46: {  	s17 =	sand.u32 @!p1 $0xFFF0, s17;
	s19 =	simm.s32 @!p2 $0x3  }
0x47: {  	s16 =	sadd.s32 @!p1 s16, s17;
	_ =	swait.ge @!p2 [sflag:s19], $0x10  }
0x48: {  	s17 =	sor.u32 @!p1 $0x10000, s17;
	s16 =	sshrl.u32 @!p1 s16, $0x3;
	[sflag:s19] =	ssyncset.done @!p2 $0x0  }
0x49: {  	s18 =	simm.s32 @!p1 $0x0;
	s16 =	sadd.s32 @!p1 s3, s16;
	[sflag:s19] =	ssyncadd.s32 @!p2 $0xFFFFFFF0  }
0x4a: {  	[hbm4b:s16+s18] =	stream.linear.scatter @!p1 [tilespmem:s17], [sflag:$0x3], $0x8, $0x38;
	[tilespmem:$0x1D180] =	vst v63  }
0x4b: {  	s16 =	simm.s32 @!p1 $0x3  }
0x4c: {  	_ =	swait.ge @!p1 [sflag:s16], $0x8  }
0x4d: {  	[sflag:s16] =	ssyncset.done @!p1 $0x0  }
0x4e: {  	[sflag:s16] =	ssyncadd.s32 @!p1 $0xFFFFFFF8  }
.LBB2_15:
0x4f: {  	s15 =	sadd.s32 $0x1, s15  }
0x50: {  	p1 =	sne.s32 s15, s8  }
.Ltmp1:
0x51: {  	_ = 	snop;
	(pc) =	sbr.rel @!p1 .LBB2_16-.Ltmp1, $1  }
0x52: {  	_ =	sdelay $0x3  }
.LBB2_1:
0x53: {  	[tilespmem:s4], [sflag:$0x3] =	stream.linear.gather [hbm4b:s5+s4], $0x10000, $0x38;
	[tilespmem:$0x1D180] =	vst v63  }
0x54: {  	_ =	swait.ge [sflag:s9], $0x10000  }
0x55: {  	[sflag:s9] =	ssyncset.done $0x0  }
0x56: {  	[sflag:s9] =	ssyncadd.s32 $0xFFFF0000  }
0x57: {  	v1 =	vld [tilespmem:$0x0];
	_ =	sdelay $0x4  }
0x58: {  	(v2sf) =	vpush v1, $0x0;
	_ =	sdelay $0xd  }
0x59: {  	[tilespmem:s10], [sflag:$0x3] =	stream.linear.gather [hbm4b:s6+s4], $0x10, $0x38;
	[tilespmem:$0x1D180] =	vst v63  }
0x5a: {  	s16 =	spop (v2sf)  }
0x5b: {  	_ =	swait.ge [sflag:s9], $0x10  }
0x5c: {  	[sflag:s9] =	ssyncset.done $0x0  }
0x5d: {  	[sflag:s9] =	ssyncadd.s32 $0xFFFFFFF0  }
0x5e: {  	v1 =	vld [tilespmem:$0x1D000];
	_ =	sdelay $0x4  }
0x5f: {  	(v2sf) =	vpush v1, $0x0;
	_ =	sdelay $0xd  }
0x60: {  	[tilespmem:s11], [sflag:$0x1] =	stream.linear.gather [hbm4b:s1+s4], $0x2000, $0x38;
	[tilespmem:$0x1D180] =	vst v63  }
0x61: {  	s17 =	spop (v2sf)  }
.Ltmp2:
0x62: {  	s16 =	sadd.s32 $0x7, s16;
	s18 =	sand.u32 $0xFFFFFFF8, s17;
	(pc) =	sbr.rel .LBB2_2-.Ltmp2, $4  }
0x63: {  	s19 =	sand.u32 $0xFFFFFFF8, s16;
	s18 =	simm.s32 @p0 $0x100000  }
0x64: {  	s17 =	ssub.s32 s18, s19  }
0x65: {  	vm1 =	vmmov vm0;
	p1 =	slt.s32 s17, $0x9001  }
0x66: {  	v1 =	vmov s19;
	v2 =	vmov s18;
	s18 =	simm.s32 $0x10;
	s19 =	simm.s32 $0x0;
	vm1 =	vmneg @p1 vm1  }
.LBB2_8:
0x67: {  	s19 =	sadd.s32 $0x1, s19  }
0x68: {  	p1 =	sne.s32 s19, $0x80  }
.Ltmp3:
0x69: {  	_ = 	snop;
	(pc) =	sbr.rel @!p1 .LBB2_9-.Ltmp3, $2  }
0x6a: {  	_ =	sdelay $0x2  }
0x6b: {  	s18 =	sadd.s32 $0x2000, s18  }
.LBB2_2:
0x6c: {  	s20 =	sand.u32 $0x1, s19  }
0x6d: {  	p1 =	seq.s32 s20, $0x1  }
.Ltmp4:
0x6e: {  	_ = 	snop;
	(pc) =	sbr.rel @p1 .LBB2_6-.Ltmp4, $1  }
0x6f: {  	_ =	sdelay $0x3  }
0x70: {  	_ =	swait.ge [sflag:s13], $0x2000  }
0x71: {  	s21 =	sshll.u32 s19, $0xA;
	[sflag:s13] =	ssyncset.done $0x0  }
0x72: {  	s21 =	sadd.s32 s21, s7;
	[sflag:s13] =	ssyncadd.s32 $0xFFFFE000  }
0x73: {  	[tilespmem:s14], [sflag:$0x2] =	stream.linear.gather [hbm4b:s21+s4], $0x2000, $0x38;
	[tilespmem:$0x1D180] =	vst v63  }
0x74: {  	s22 =	simm.s32 $0x19010;
	s23 =	smov.u32 s18;
	s21 =	simm.s32 $0xFFFFFFFE  }
.LBB2_4:
0x75: {  	v3 =	vld [tilespmem:s22+$0xFFFFFFF0];
	_ =	sdelay $0x4  }
0x76: {  	v4 =	vshrl.u32 v3, $0x10  }
0x77: {  	vm2 =	veq.s32 v4, v0  }
0x78: {  	v5 =	vmpcnt.ones.xlane vm2;
	_ =	sdelay $0x1  }
0x79: {  	(v2sf) =	vpush v5, $0x0;
	_ =	sdelay $0xe  }
0x7a: {  	s24 =	spop (v2sf)  }
0x7b: {  	p1 =	slt.s32 s24, $0x1  }
0x7c: {  	vm2 =	veq.s32 @!p1 v4, v0;
	v3 =	vand.u32 @!p1 $0xFFFF, v3  }
0x7d: {  	(xrf1) =	vunique.msk.u32 @!p1 vm2, v3;
	_ =	sdelay $0x8  }
0x7e: {  	s24 =	simm.s32 @!p1 $0x0  }
0x7f: {  	v4 =	vld.idx.msk @!p1 [tilespmem:v3+s24+$0x0], $0xffff;
	_ =	sdelay $0x3  }
0x80: {  	_, v5, vm3 =	vpop @!p1 (xrf1)  }
0x81: {  	v4 =	vadd.s32 @!p1 v5, v4  }
0x82: {  	v5 =	vadd.s32 @!p1 $0xFFFFFFFF, v4  }
0x83: {  	vm4 =	vge.s32 @!p1 v5, v1;
	vm5 =	vlt.s32 @!p1 v5, v2  }
0x84: {  	vm4 =	vmand @!p1 vm4, vm5  }
0x85: {  	vm4 =	vmand @!p1 vm1, vm4  }
0x86: {  	vm4 =	vmand @!p1 vm2, vm4  }
0x87: {  	vm2 =	vmxor @!p1 vm2, vm4  }
0x88: {  	v6 =	vmpcnt.ones.xlane @!p1 vm2;
	_ =	sdelay $0x1  }
0x89: {  	(v2sf) =	vpush @!p1 v6, $0x0;
	_ =	sdelay $0xe  }
0x8a: {  	s25 =	spop @!p1 (v2sf)  }
0x8b: {  	v6 =	vsub.s32 @!p1 v5, v1;
	p2 =	slt.s32 @!p1 s25, $0x1  }
0x8c: {  	p2 =	por p2, p1  }
0x8d: {  	v7 =	vmctz.xlane @!p2 vm2  }
0x8e: {  	v8 =	vlaneseq.u32 @!p1;
	s25 =	sadd.s32 @!p1 $0xFFFFFFF0, s23  }
0x8f: {  	[tilespmem:v3+s24+$0x0] =	vst.idx.msk @!p1 vm3, v4;
	s24 =	simm.s32 @!p1 $0x10000;
	v3 =	vor.u32 @!p1 s25, v8  }
0x90: {  	[tilespmem:v6+s24+$0x0] =	vst.idx.msk @!p1 vm4, v3  }
0x91: {  	[tilespmem:$0x1D080] =	vst @!p2 v5  }
0x92: {  	s24 =	simm.s32 @!p2 $0x1D080;
	[tilespmem:$0x1D100] =	vst @!p2 v3  }
0x93: {  	s25 =	simm.s32 @!p2 $0x1D100;
	v4 =	vld.idx.msk @!p2 [tilespmem:v7+s24+$0x0], $0xffff  }
0x94: {  	v6 =	vld.idx.msk @!p2 [tilespmem:v7+s25+$0x0], $0xffff;
	_ =	sdelay $0x3  }
0x95: {  	v4 =	vsel @!p2 vm2, v5, v4  }
0x96: {  	v3 =	vsel @!p2 vm2, v3, v6;
	[tilespmem:$0x1D080] =	vst @!p2 v4  }
0x97: {  	s26 =	simm.s32 @!p2 $0x10;
	[tilespmem:$0x1D100] =	vst @!p2 v3  }
0x98: {  	[hbm4b:s3+s26] =	stream.indirect.scatter @!p2 [tilespmem:s25], [sflag:$0x4], $0x1, s24, s26, $0xb8;
	[tilespmem:$0x1D180] =	vst v63  }
0x99: {  	s24 =	simm.s32 @!p2 $0x4  }
0x9a: {  	_ =	swait.ge @!p2 [sflag:s24], $0x10  }
0x9b: {  	[sflag:s24] =	ssyncset.done @!p2 $0x0  }
0x9c: {  	[sflag:s24] =	ssyncadd.s32 @!p2 $0xFFFFFFF0  }
0x9d: {  	v3 =	vld [tilespmem:s22+$0x0];
	_ =	sdelay $0x4  }
0x9e: {  	v4 =	vshrl.u32 v3, $0x10  }
0x9f: {  	vm2 =	veq.s32 v4, v0  }
0xa0: {  	v63 =	vmpcnt.ones.xlane vm2;
	_ =	sdelay $0x1  }
0xa1: {  	(v2sf) =	vpush v63, $0x0;
	_ =	sdelay $0xe  }
0xa2: {  	s31 =	spop (v2sf)  }
0xa3: {  	p1 =	slt.s32 s31, $0x1  }
0xa4: {  	vm2 =	veq.s32 @!p1 v4, v0;
	v3 =	vand.u32 @!p1 $0xFFFF, v3  }
0xa5: {  	(xrf1) =	vunique.msk.u32 @!p1 vm2, v3;
	_ =	sdelay $0x8  }
0xa6: {  	s24 =	simm.s32 @!p1 $0x0  }
0xa7: {  	v4 =	vld.idx.msk @!p1 [tilespmem:v3+s24+$0x0], $0xffff;
	_ =	sdelay $0x3  }
0xa8: {  	_, v5, vm3 =	vpop @!p1 (xrf1)  }
0xa9: {  	v4 =	vadd.s32 @!p1 v5, v4  }
0xaa: {  	v5 =	vadd.s32 @!p1 $0xFFFFFFFF, v4  }
0xab: {  	vm4 =	vge.s32 @!p1 v5, v1;
	vm5 =	vlt.s32 @!p1 v5, v2  }
0xac: {  	vm4 =	vmand @!p1 vm4, vm5  }
0xad: {  	vm4 =	vmand @!p1 vm1, vm4  }
0xae: {  	vm4 =	vmand @!p1 vm2, vm4  }
0xaf: {  	vm2 =	vmxor @!p1 vm2, vm4  }
0xb0: {  	v6 =	vmpcnt.ones.xlane @!p1 vm2;
	_ =	sdelay $0x1  }
0xb1: {  	(v2sf) =	vpush @!p1 v6, $0x0;
	_ =	sdelay $0xe  }
0xb2: {  	s25 =	spop @!p1 (v2sf)  }
0xb3: {  	v6 =	vsub.s32 @!p1 v5, v1;
	p2 =	slt.s32 @!p1 s25, $0x1  }
0xb4: {  	p2 =	por p2, p1  }
0xb5: {  	v7 =	vmctz.xlane @!p2 vm2  }
0xb6: {  	v8 =	vlaneseq.u32 @!p1  }
0xb7: {  	[tilespmem:v3+s24+$0x0] =	vst.idx.msk @!p1 vm3, v4;
	v3 =	vor.u32 @!p1 s23, v8;
	s24 =	simm.s32 @!p1 $0x10000  }
0xb8: {  	[tilespmem:v6+s24+$0x0] =	vst.idx.msk @!p1 vm4, v3  }
0xb9: {  	[tilespmem:$0x1D080] =	vst @!p2 v5  }
0xba: {  	[tilespmem:$0x1D100] =	vst @!p2 v3;
	s24 =	simm.s32 @!p2 $0x1D080  }
0xbb: {  	s25 =	simm.s32 @!p2 $0x1D100;
	v4 =	vld.idx.msk @!p2 [tilespmem:v7+s24+$0x0], $0xffff  }
0xbc: {  	v6 =	vld.idx.msk @!p2 [tilespmem:v7+s25+$0x0], $0xffff;
	_ =	sdelay $0x3  }
0xbd: {  	v4 =	vsel @!p2 vm2, v5, v4  }
0xbe: {  	s21 =	sadd.s32 $0x2, s21;
	v3 =	vsel @!p2 vm2, v3, v6;
	[tilespmem:$0x1D080] =	vst @!p2 v4  }
0xbf: {  	p1 =	slt.u32 s21, $0x1FE;
	s26 =	simm.s32 @!p2 $0x10;
	[tilespmem:$0x1D100] =	vst @!p2 v3  }
0xc0: {  	[hbm4b:s3+s26] =	stream.indirect.scatter @!p2 [tilespmem:s25], [sflag:$0x3], $0x1, s24, s26, $0xb8;
	[tilespmem:$0x1D180] =	vst v63  }
.Ltmp5:
0xc1: {  	_ = 	snop;
	(pc) =	sbr.rel @p1 .LBB2_4-.Ltmp5, $4  }
0xc2: {  	s24 =	simm.s32 @!p2 $0x3  }
0xc3: {  	_ =	swait.ge @!p2 [sflag:s24], $0x10  }
0xc4: {  	[sflag:s24] =	ssyncset.done @!p2 $0x0  }
0xc5: {  	s22 =	sadd.s32 $0x20, s22;
	s23 =	sadd.s32 $0x20, s23;
	[sflag:s24] =	ssyncadd.s32 @!p2 $0xFFFFFFF0  }
0xc6: {  	p1 =	seq.s32 s20, $0x0  }
.Ltmp6:
0xc7: {  	_ = 	snop;
	(pc) =	sbr.rel @p1 .LBB2_8-.Ltmp6, $1  }
0xc8: {  	_ =	sdelay $0x3  }
.LBB2_6:
0xc9: {  	_ =	swait.ge [sflag:s12], $0x2000;
	p1 =	seq.s32 s19, $0x7F  }
0xca: {  	[sflag:s12] =	ssyncset.done $0x0;
	s20 =	sshll.u32 @!p1 s19, $0xA;
	s21 =	simm.s32 @!p1 $0x0  }
0xcb: {  	s22 =	simm.s32 @!p1 $0x19000;
	[sflag:s12] =	ssyncadd.s32 $0xFFFFE000;
	s20 =	sadd.s32 @!p1 s20, s7  }
0xcc: {  	[tilespmem:s22], [sflag:$0x1] =	stream.linear.gather @!p1 [hbm4b:s20+s21], $0x2000, $0x38;
	[tilespmem:$0x1D180] =	vst v63  }
0xcd: {  	s20 =	simm.s32 $0xFFFFFFFE;
	s21 =	simm.s32 $0x1B010;
	s22 =	smov.u32 s18  }
.LBB2_7:
0xce: {  	v3 =	vld [tilespmem:s21+$0xFFFFFFF0];
	_ =	sdelay $0x4  }
0xcf: {  	v4 =	vshrl.u32 v3, $0x10  }
0xd0: {  	vm2 =	veq.s32 v4, v0  }
0xd1: {  	v5 =	vmpcnt.ones.xlane vm2;
	_ =	sdelay $0x1  }
0xd2: {  	(v2sf) =	vpush v5, $0x0;
	_ =	sdelay $0xe  }
0xd3: {  	s23 =	spop (v2sf)  }
0xd4: {  	p1 =	slt.s32 s23, $0x1  }
0xd5: {  	vm2 =	veq.s32 @!p1 v4, v0;
	v3 =	vand.u32 @!p1 $0xFFFF, v3  }
0xd6: {  	(xrf1) =	vunique.msk.u32 @!p1 vm2, v3;
	_ =	sdelay $0x8  }
0xd7: {  	s23 =	simm.s32 @!p1 $0x0  }
0xd8: {  	v4 =	vld.idx.msk @!p1 [tilespmem:v3+s23+$0x0], $0xffff;
	_ =	sdelay $0x3  }
0xd9: {  	_, v5, vm3 =	vpop @!p1 (xrf1)  }
0xda: {  	v4 =	vadd.s32 @!p1 v5, v4  }
0xdb: {  	v5 =	vadd.s32 @!p1 $0xFFFFFFFF, v4  }
0xdc: {  	vm4 =	vge.s32 @!p1 v5, v1;
	vm5 =	vlt.s32 @!p1 v5, v2  }
0xdd: {  	vm4 =	vmand @!p1 vm4, vm5  }
0xde: {  	vm4 =	vmand @!p1 vm1, vm4  }
0xdf: {  	vm4 =	vmand @!p1 vm2, vm4  }
0xe0: {  	vm2 =	vmxor @!p1 vm2, vm4  }
0xe1: {  	v6 =	vmpcnt.ones.xlane @!p1 vm2;
	_ =	sdelay $0x1  }
0xe2: {  	(v2sf) =	vpush @!p1 v6, $0x0;
	_ =	sdelay $0xe  }
0xe3: {  	s24 =	spop @!p1 (v2sf)  }
0xe4: {  	v6 =	vsub.s32 @!p1 v5, v1;
	p2 =	slt.s32 @!p1 s24, $0x1  }
0xe5: {  	p2 =	por p2, p1  }
0xe6: {  	v7 =	vmctz.xlane @!p2 vm2  }
0xe7: {  	v8 =	vlaneseq.u32 @!p1;
	s24 =	sadd.s32 @!p1 $0xFFFFFFF0, s22  }
0xe8: {  	[tilespmem:v3+s23+$0x0] =	vst.idx.msk @!p1 vm3, v4;
	s23 =	simm.s32 @!p1 $0x10000;
	v3 =	vor.u32 @!p1 s24, v8  }
0xe9: {  	[tilespmem:v6+s23+$0x0] =	vst.idx.msk @!p1 vm4, v3  }
0xea: {  	[tilespmem:$0x1D080] =	vst @!p2 v5  }
0xeb: {  	s23 =	simm.s32 @!p2 $0x1D080;
	[tilespmem:$0x1D100] =	vst @!p2 v3  }
0xec: {  	s24 =	simm.s32 @!p2 $0x1D100;
	v4 =	vld.idx.msk @!p2 [tilespmem:v7+s23+$0x0], $0xffff  }
0xed: {  	v6 =	vld.idx.msk @!p2 [tilespmem:v7+s24+$0x0], $0xffff;
	_ =	sdelay $0x3  }
0xee: {  	v4 =	vsel @!p2 vm2, v5, v4  }
0xef: {  	v3 =	vsel @!p2 vm2, v3, v6;
	[tilespmem:$0x1D080] =	vst @!p2 v4  }
0xf0: {  	s25 =	simm.s32 @!p2 $0x10;
	[tilespmem:$0x1D100] =	vst @!p2 v3  }
0xf1: {  	[hbm4b:s3+s25] =	stream.indirect.scatter @!p2 [tilespmem:s24], [sflag:$0x4], $0x1, s23, s25, $0xb8;
	[tilespmem:$0x1D180] =	vst v63  }
0xf2: {  	s23 =	simm.s32 @!p2 $0x4  }
0xf3: {  	_ =	swait.ge @!p2 [sflag:s23], $0x10  }
0xf4: {  	[sflag:s23] =	ssyncset.done @!p2 $0x0  }
0xf5: {  	[sflag:s23] =	ssyncadd.s32 @!p2 $0xFFFFFFF0  }
0xf6: {  	v3 =	vld [tilespmem:s21+$0x0];
	_ =	sdelay $0x4  }
0xf7: {  	v4 =	vshrl.u32 v3, $0x10  }
0xf8: {  	vm2 =	veq.s32 v4, v0  }
0xf9: {  	v63 =	vmpcnt.ones.xlane vm2;
	_ =	sdelay $0x1  }
0xfa: {  	(v2sf) =	vpush v63, $0x0;
	_ =	sdelay $0xe  }
0xfb: {  	s31 =	spop (v2sf)  }
0xfc: {  	p1 =	slt.s32 s31, $0x1  }
0xfd: {  	vm2 =	veq.s32 @!p1 v4, v0;
	v3 =	vand.u32 @!p1 $0xFFFF, v3  }
0xfe: {  	(xrf1) =	vunique.msk.u32 @!p1 vm2, v3;
	_ =	sdelay $0x8  }
0xff: {  	s23 =	simm.s32 @!p1 $0x0  }
0x100: {  	v4 =	vld.idx.msk @!p1 [tilespmem:v3+s23+$0x0], $0xffff;
	_ =	sdelay $0x3  }
0x101: {  	_, v5, vm3 =	vpop @!p1 (xrf1)  }
0x102: {  	v4 =	vadd.s32 @!p1 v5, v4  }
0x103: {  	v5 =	vadd.s32 @!p1 $0xFFFFFFFF, v4  }
0x104: {  	vm4 =	vge.s32 @!p1 v5, v1;
	vm5 =	vlt.s32 @!p1 v5, v2  }
0x105: {  	vm4 =	vmand @!p1 vm4, vm5  }
0x106: {  	vm4 =	vmand @!p1 vm1, vm4  }
0x107: {  	vm4 =	vmand @!p1 vm2, vm4  }
0x108: {  	vm2 =	vmxor @!p1 vm2, vm4  }
0x109: {  	v6 =	vmpcnt.ones.xlane @!p1 vm2;
	_ =	sdelay $0x1  }
0x10a: {  	(v2sf) =	vpush @!p1 v6, $0x0;
	_ =	sdelay $0xe  }
0x10b: {  	s24 =	spop @!p1 (v2sf)  }
0x10c: {  	v6 =	vsub.s32 @!p1 v5, v1;
	p2 =	slt.s32 @!p1 s24, $0x1  }
0x10d: {  	p2 =	por p2, p1  }
0x10e: {  	v7 =	vmctz.xlane @!p2 vm2  }
0x10f: {  	v8 =	vlaneseq.u32 @!p1  }
0x110: {  	[tilespmem:v3+s23+$0x0] =	vst.idx.msk @!p1 vm3, v4;
	v3 =	vor.u32 @!p1 s22, v8;
	s23 =	simm.s32 @!p1 $0x10000  }
0x111: {  	[tilespmem:v6+s23+$0x0] =	vst.idx.msk @!p1 vm4, v3  }
0x112: {  	[tilespmem:$0x1D080] =	vst @!p2 v5  }
0x113: {  	[tilespmem:$0x1D100] =	vst @!p2 v3;
	s23 =	simm.s32 @!p2 $0x1D080  }
0x114: {  	s24 =	simm.s32 @!p2 $0x1D100;
	v4 =	vld.idx.msk @!p2 [tilespmem:v7+s23+$0x0], $0xffff  }
0x115: {  	v6 =	vld.idx.msk @!p2 [tilespmem:v7+s24+$0x0], $0xffff;
	_ =	sdelay $0x3  }
0x116: {  	v4 =	vsel @!p2 vm2, v5, v4  }
0x117: {  	s20 =	sadd.s32 $0x2, s20;
	v3 =	vsel @!p2 vm2, v3, v6;
	[tilespmem:$0x1D080] =	vst @!p2 v4  }
0x118: {  	p1 =	slt.u32 s20, $0x1FE;
	s25 =	simm.s32 @!p2 $0x10;
	[tilespmem:$0x1D100] =	vst @!p2 v3  }
0x119: {  	[hbm4b:s3+s25] =	stream.indirect.scatter @!p2 [tilespmem:s24], [sflag:$0x3], $0x1, s23, s25, $0xb8;
	[tilespmem:$0x1D180] =	vst v63  }
.Ltmp7:
0x11a: {  	_ = 	snop;
	(pc) =	sbr.rel @p1 .LBB2_7-.Ltmp7, $4  }
0x11b: {  	s23 =	simm.s32 @!p2 $0x3  }
0x11c: {  	_ =	swait.ge @!p2 [sflag:s23], $0x10  }
0x11d: {  	[sflag:s23] =	ssyncset.done @!p2 $0x0  }
0x11e: {  	s21 =	sadd.s32 $0x20, s21;
	s22 =	sadd.s32 $0x20, s22;
	[sflag:s23] =	ssyncadd.s32 @!p2 $0xFFFFFFF0  }
.Ltmp8:
0x11f: {  	_ = 	snop;
	(pc) =	sbr.rel .LBB2_8-.Ltmp8, $1  }
0x120: {  	_ =	sdelay $0x3  }
.LBB2_9:
0x121: {  	s18 =	sadd.s32 $0xFFFFFFF8, s17  }
0x122: {  	p1 =	sgt.u32 s18, $0x8FFF  }
.Ltmp9:
0x123: {  	_ = 	snop;
	(pc) =	sbr.rel @p1 .LBB2_15-.Ltmp9, $1  }
0x124: {  	_ =	sdelay $0x3  }
0x125: {  	s19 =	sshrl.u32 s17, $0xD  }
0x126: {  	p1 =	seq.s32 s19, $0x0  }
.Ltmp10:
0x127: {  	_ = 	snop;
	(pc) =	sbr.rel @p1 .LBB2_14-.Ltmp10, $2  }
0x128: {  	_ =	sdelay $0x2  }
0x129: {  	s18 =	simm.s32 $0x10000  }
0x12a: {  	p1 =	sne.s32 s19, $0x1  }
.Ltmp11:
0x12b: {  	_ = 	snop;
	(pc) =	sbr.rel @!p1 .LBB2_13-.Ltmp11, $4  }
0x12c: {  	s20 =	sshrl.u32 s16, $0x3  }
0x12d: {  	s20 =	sadd.s32 s3, s20  }
0x12e: {  	[hbm4b:s20+s4] =	stream.linear.scatter [tilespmem:s18], [sflag:$0x3], $0x2000, $0x38;
	[tilespmem:$0x1D180] =	vst v63  }
0x12f: {  	s19 =	sadd.s32 $0xFFFFFFFF, s19;
	s20 =	sadd.s32 $0x2000, s16;
	_ =	swait.ge [sflag:s9], $0x2000  }
.LBB2_12:
0x130: {  	s21 =	sshrl.u32 s20, $0x3  }
0x131: {  	[sflag:s9] =	ssyncset.done $0x0;
	s18 =	sadd.s32 $0x2000, s18;
	p1 =	sne.s32 s19, $0x1  }
.Ltmp12:
0x132: {  	s21 =	sadd.s32 s3, s21;
	[sflag:s9] =	ssyncadd.s32 $0xFFFFE000;
	(pc) =	sbr.rel @p1 .LBB2_12-.Ltmp12, $3  }
0x133: {  	[hbm4b:s21+s4] =	stream.linear.scatter [tilespmem:s18], [sflag:$0x3], $0x2000, $0x38;
	[tilespmem:$0x1D180] =	vst v63  }
0x134: {  	s19 =	sadd.s32 $0xFFFFFFFF, s19;
	_ =	sdelay $0x1  }
0x135: {  	s20 =	sadd.s32 $0x2000, s20;
	_ =	swait.ge [sflag:s9], $0x2000  }
.Ltmp13:
0x136: {  	_ = 	snop;
	(pc) =	sbr.rel .LBB2_13-.Ltmp13, $1  }
0x137: {  	_ =	sdelay $0x3  }
.LBB2_16:
0x138: {  	_ =	sfence.sel $0x180000  }
0x139: {  	[bflag:$0x0] =	sbarrier.arrive $0xFFFF  }
0x13a: {  	p0 =	sne.s32 s0, $0x0;
	_ =	strace $0x90000050  }
0x13b: {  	s0 =	sadd.s32 @!p0 $0x100000, s2;
	[bflag:$0x2] =	sbarrier.arrive $0xFFFF  }
0x13c: {  	[sflag:s0] =	ssyncadd.tile.s32 @!p0 $0x1;
	_ =	shalt  }
.Lfunc_end2:
_tile_overlayer_lowered:
.L_overlay_start_2:
0x13d: {  	(tag) =	ssettag $0x2  }
0x13e: {  	s0 =	rddreg [dreg:$0x0];
	s2 =	stileid.u32  }
0x13f: {  	s1 =	rddreg [dreg:$0x1];
	p0 =	sne.s32 s2, $0x0  }
0x140: {  	s3 =	rddreg [dreg:$0x2];
	[bflag:$0x3] =	sbarrier.arrive $0xFFFF;
	s2 =	simm.s32 @!p0 $0x1C03  }
0x141: {  	[timem:s3], [sflag:s2] =	dma.local @!p0 [hbm:s0], s1  }
0x142: {  	s0 =	simm.s32 @!p0 $0x3  }
0x143: {  	_ =	swait.ge @!p0 [sflag:s0], s1  }
0x144: {  	s1 =	ssub.s32 @!p0 $0x0, s1;
	[sflag:s0] =	ssyncset.done @!p0 $0x0  }
0x145: {  	[sflag:s0] =	ssyncadd.s32 @!p0 s1  }
0x146: {  	[bflag:$0x3] =	sbarrier.arrive $0xFFFF  }
0x147: {  	_ =	shalt  }

// kernel: kernel.6.cloned.1.call-start
scs
__scs_entry_jumppad:
0x0: {  	(pc) =	sbr.rel $0x88, $3  }
0x1: {  	(tag) =	ssettag $0x0;
	lr =	simm.s32 $0x1  }
0x2: {  	[smem:$0x3FA0] =	sst lr;
	_ =	strace $0xD0000000  }
0x3: {  	_ = 	snop  }
0x4: {  	_ = 	snop  }
0x5: {  	_ = 	snop  }
0x6: {  	_ = 	snop  }
0x7: {  	_ = 	snop  }
__scs_overlays_trampoline_lowered:
0x8: {  	[smem:$0x3FAF] =	sst s0  }
0x9: {  	[smem:$0x3FB0] =	sst s1  }
0xa: {  	[smem:$0x3FB1] =	sst s2  }
0xb: {  	[smem:$0x3FB2] =	sst s3  }
0xc: {  	[smem:$0x3FB3] =	sst s4  }
0xd: {  	[smem:$0x3FB4] =	sst s5  }
0xe: {  	[smem:$0x3FB5] =	sst s6  }
0xf: {  	[smem:$0x3FB6] =	sst s7  }
0x10: {  	[smem:$0x3FB7] =	sst s8  }
0x11: {  	[smem:$0x3FB8] =	sst s9;
	s0 =	simm.s32 @!p0 $0x0  }
0x12: {  	s1 =	sld [smem:$0x3F9E];
	s0 =	simm.s32 @p0 $0x1  }
0x13: {  	[smem:$0x3FB9] =	sst s0;
	s0 =	simm.s32 @!p1 $0x0  }
0x14: {  	s2 =	sld [smem:$0x3F9D];
	s0 =	simm.s32 @p1 $0x1  }
0x15: {  	[smem:$0x3FBA] =	sst s0;
	s0 =	simm.s32 @!p2 $0x0  }
0x16: {  	s3 =	sld [smem:$0x3FDB];
	s0 =	simm.s32 @p2 $0x1  }
0x17: {  	s4 =	simm.s32 $0x1BF5;
	[smem:$0x3FBC] =	sst s0  }
0x18: {  	s0 =	sld [smem:$0x3F9F];
	_ =	swait.ge [sflag:s4], $0x0  }
0x19: {  	s7 =	sld [smem:$0x3FA0]  }
0x1a: {  	s8 =	sadd.s32 $0xFFFFE003, lr  }
0x1b: {  	s9 =	sadd.s32 $0xFFFFFEF7, lr;
	s5 =	simm.s32 $0xFFFFFFFF;
	p2 =	slt.u32 s8, $0xFFFFF086  }
0x1c: {  	p1 =	slt.u32 s9, $0xF7A;
	s5 =	simm.s32 @!p2 $0x0  }
0x1d: {  	s5 =	simm.s32 @p1 $0x1;
	p0 =	seq.s32 s7, s2  }
0x1e: {  	s7 =	smul.u32 @!p0 $0xF7A, s2;
	p2 =	seq.s32 @!p0 s5, $0x0  }
0x1f: {  	s9 =	smul.u32 $0xF7A, s1;
	s8 =	simm.s32 @!p0 $0x1BF5;
	p2 =	por !p2, p0  }
0x20: {  	[sflag:s8] =	ssyncset.s32 @!p0 $0xFFFFF086;
	s6 =	sadd.s32 @!p0 s3, s7;
	s7 =	simm.s32 @!p0 $0x108  }
0x21: {  	s3 =	sadd.s32 s3, s9;
	s6 =	sadd.s32 @!p0 $0x88, s6;
	s7 =	simm.s32 @p2 $0x1082  }
0x22: {  	[simem:s7], [sflag:s8] =	dma.local @!p0 [hbm:s6], $0xF7A  }
0x23: {  	s9 =	sor.u32 $0xD0000000, s2;
	s6 =	simm.s32 $0x108;
	_ =	swait.ge @!p0 [sflag:s8], $0x0  }
0x24: {  	s3 =	sadd.s32 $0x88, s3;
	s6 =	simm.s32 @!p1 $0x1082;
	[sflag:s4] =	ssyncset.s32 $0xFFFFF086  }
0x25: {  	[simem:s6], [sflag:s4] =	dma.local [hbm:s3], $0xF7A  }
0x26: {  	[smem:$0x3FA0] =	sst s1;
	(tag) =	ssettag s2;
	_ =	strace s9  }
0x27: {  	s1 =	sld [smem:$0x3FB0]  }
0x28: {  	s2 =	sld [smem:$0x3FB1]  }
0x29: {  	s4 =	sld [smem:$0x3FB3]  }
0x2a: {  	p0 =	seq.s32 s5, $0x0;
	s5 =	sld [smem:$0x3FB4]  }
0x2b: {  	s6 =	sld [smem:$0x3FB5]  }
0x2c: {  	s7 =	sld [smem:$0x3FB6]  }
0x2d: {  	s3 =	simm.s32 $0x108;
	s8 =	sld [smem:$0x3FB7]  }
0x2e: {  	s3 =	simm.s32 @!p0 $0x1082;
	s9 =	sld [smem:$0x3FB8]  }
0x2f: {  	lr =	sadd.s32 s0, s3;
	s0 =	sld [smem:$0x3FAF]  }
0x30: {  	s3 =	sld [smem:$0x3FB2]  }
0x31: {  	[smem:$0x3FBB] =	sst s10  }
0x32: {  	s10 =	sld [smem:$0x3FB9];
	_ =	sdelay $0x3  }
0x33: {  	p0 =	seq.s32 s10, $0x1;
	s10 =	sld [smem:$0x3FBB];
	_ =	sdelay $0x3  }
0x34: {  	[smem:$0x3FBB] =	sst s10  }
0x35: {  	s10 =	sld [smem:$0x3FBA];
	_ =	sdelay $0x3  }
0x36: {  	p1 =	seq.s32 s10, $0x1;
	s10 =	sld [smem:$0x3FBB];
	_ =	sdelay $0x3  }
0x37: {  	[smem:$0x3FBB] =	sst s10  }
0x38: {  	s10 =	sld [smem:$0x3FBC]  }
0x39: {  	_ = 	snop;
	(pc) =	sbr.ind lr, $3  }
0x3a: {  	_ = 	snop  }
0x3b: {  	_ = 	snop  }
0x3c: {  	p2 =	seq.s32 s10, $0x1;
	s10 =	sld [smem:$0x3FBB]  }
0x3d: {  	_ =	shalt  }
0x3e: {  	_ =	shalt  }
0x3f: {  	_ =	shalt  }
0x40: {  	_ =	shalt  }
0x41: {  	_ =	shalt  }
0x42: {  	_ =	shalt  }
0x43: {  	_ =	shalt  }
0x44: {  	_ =	shalt  }
0x45: {  	_ =	shalt  }
0x46: {  	_ =	shalt  }
0x47: {  	_ =	shalt  }
0x48: {  	_ =	shalt  }
0x49: {  	_ =	shalt  }
0x4a: {  	_ =	shalt  }
0x4b: {  	_ =	shalt  }
0x4c: {  	_ =	shalt  }
0x4d: {  	_ =	shalt  }
0x4e: {  	_ =	shalt  }
0x4f: {  	_ =	shalt  }
0x50: {  	_ =	shalt  }
0x51: {  	_ =	shalt  }
0x52: {  	_ =	shalt  }
0x53: {  	_ =	shalt  }
0x54: {  	_ =	shalt  }
0x55: {  	_ =	shalt  }
0x56: {  	_ =	shalt  }
0x57: {  	_ =	shalt  }
0x58: {  	_ =	shalt  }
0x59: {  	_ =	shalt  }
0x5a: {  	_ =	shalt  }
0x5b: {  	_ =	shalt  }
0x5c: {  	_ =	shalt  }
0x5d: {  	_ =	shalt  }
0x5e: {  	_ =	shalt  }
0x5f: {  	_ =	shalt  }
0x60: {  	_ =	shalt  }
0x61: {  	_ =	shalt  }
0x62: {  	_ =	shalt  }
0x63: {  	_ =	shalt  }
0x64: {  	_ =	shalt  }
0x65: {  	_ =	shalt  }
0x66: {  	_ =	shalt  }
0x67: {  	_ =	shalt  }
0x68: {  	_ =	shalt  }
0x69: {  	_ =	shalt  }
0x6a: {  	_ =	shalt  }
0x6b: {  	_ =	shalt  }
0x6c: {  	_ =	shalt  }
0x6d: {  	_ =	shalt  }
0x6e: {  	_ =	shalt  }
0x6f: {  	_ =	shalt  }
0x70: {  	_ =	shalt  }
0x71: {  	_ =	shalt  }
0x72: {  	_ =	shalt  }
0x73: {  	_ =	shalt  }
0x74: {  	_ =	shalt  }
0x75: {  	_ =	shalt  }
0x76: {  	_ =	shalt  }
0x77: {  	_ =	shalt  }
0x78: {  	_ =	shalt  }
0x79: {  	_ =	shalt  }
0x7a: {  	_ =	shalt  }
0x7b: {  	_ =	shalt  }
0x7c: {  	_ =	shalt  }
0x7d: {  	_ =	shalt  }
0x7e: {  	_ =	shalt  }
0x7f: {  	_ =	shalt  }
0x80: {  	_ =	shalt  }
0x81: {  	_ =	shalt  }
0x82: {  	_ =	shalt  }
0x83: {  	_ =	shalt  }
0x84: {  	_ =	shalt  }
0x85: {  	_ =	shalt  }
0x86: {  	_ =	shalt  }
0x87: {  	_ =	shalt  }
.Lfunc_end0:
.L_simem_size_0:
called_computation_lowered:
.L_overlay_start_0:
0x88: {  	s2 =	sld [smem:$0x3FD9]  }
0x89: {  	s3 =	sld [smem:$0x3FFE];
	_ =	sdelay $0x1  }
0x8a: {  	s1 =	srdreg.scid  }
0x8b: {  	s0 =	sand.u32 $0x1, s1  }
0x8c: {  	s14 =	sshll.u32 s0, $0xA;
	s2 =	sadd.s32 s3, s2  }
0x8d: {  	s2 =	sadd.s32 s2, s14  }
0x8e: {  	[smem:$0x3FC7] =	sst s2  }
0x8f: {  	_ = 	snop  }
0x90: {  	s2 =	sld [smem:$0x3FD0];
	_ =	sdelay $0x2  }
0x91: {  	s15 =	simm.s32 $0xA;
	s4 =	simm.s32 $0x10  }
0x92: {  	[smem:s4], [sflag:s15] =	dma.local [hbm:s2], $0x1  }
0x93: {  	_ =	swait.eq [sflag:s15], $0x1  }
0x94: {  	[sflag:s15] =	ssyncset.done $0x0  }
0x95: {  	[sflag:s15] =	ssyncadd.s32 $0xFFFFFFFF  }
0x96: {  	s16 =	sld [smem:$0x10];
	(tm) =	ssettm $0x1  }
0x97: {  	s17 =	sld [smem:$0x3FFB];
	_ =	sdelay $0x3  }
0x98: {  	_ =	strace s17  }
0x99: {  	s3 =	sld [smem:$0x3FFC];
	_ =	sdelay $0x3  }
0x9a: {  	_ =	strace s3  }
0x9b: {  	s3 =	sld [smem:$0x3FFD];
	_ =	sdelay $0x3  }
0x9c: {  	_ =	strace s3  }
0x9d: {  	_ =	strace $0x8FFFFFFF  }
0x9e: {  	s18 =	sld [smem:$0x3FDB];
	_ =	sdelay $0x1  }
0x9f: {  	s19 =	simm.s32 $_scs_section_size  }
0xa0: {  	s5 =	simm.s32 $_size__tile_overlayer_lowered;
	s6 =	simm.s32 $_tile_overlayer_lowered  }
0xa1: {  	s22 =	simm.s32 $0x1BFF;
	s21 =	sshll.u32 s6, $0x1;
	s3 =	sadd.s32 s19, s18  }
0xa2: {  	s7 =	simm.s32 $0x0;
	s20 =	sshll.u32 s5, $0x1;
	s5 =	sadd.s32 s21, s3  }
0xa3: {  	[timem:s7], [sflag:s22] =	dma.local [hbm:s5], s20  }
0xa4: {  	_ =	swait.ge [sflag:s22], s20  }
0xa5: {  	s4 =	ssub.s32 $0x0, s20;
	[sflag:s22] =	ssyncset.done $0x0  }
0xa6: {  	[sflag:s22] =	ssyncadd.s32 s4;
	_ =	sdelay $0x1  }
0xa7: {  	s23 =	simm.s32 $0x1B8B  }
0xa8: {  	_ =	swait.ge [sflag:s23], $0x1  }
0xa9: {  	[sflag:s23] =	ssyncset.done $0x0  }
0xaa: {  	s25 =	simm.s32 $0x1B8E;
	s24 =	sld [smem:$0x3FFE];
	[sflag:s23] =	ssyncadd.s32 $0xFFFFFFFF  }
0xab: {  	s26 =	simm.s32 $execute0_lowered;
	[smem:$0x3FD2] =	sst s25  }
0xac: {  	s5 =	sshll.u32 s26, $0x1;
	_ =	strace $0x80000046;
	[dreg:$0x1] =	wrdreg $0xFFFFFFFF  }
0xad: {  	s28 =	simm.s32 $_size_execute0_lowered;
	s3 =	sadd.s32 s3, s5;
	[dreg:$0x0] =	wrdreg $0x0  }
0xae: {  	s5 =	sshll.u32 s28, $0x1;
	[dreg:$0x2] =	wrdreg s3  }
0xaf: {  	[dreg:$0x3] =	wrdreg s5  }
0xb0: {  	[dreg:$0x4] =	wrdreg $0xC0  }
0xb1: {  	_ =	task [dreg:s7], $0x5FFFF  }
0xb2: {  	[dreg:$0x1] =	wrdreg $0xFFFFFFFF  }
0xb3: {  	[dreg:$0x0] =	wrdreg $0x60  }
0xb4: {  	[dreg:$0x2] =	wrdreg s24  }
0xb5: {  	[dreg:$0x3] =	wrdreg s16  }
0xb6: {  	[dreg:$0x4] =	wrdreg $0x9  }
0xb7: {  	_ =	task.clear_ibuf [dreg:s7], $0x5FFFF;
	_ =	strace $0x90000046  }
0xb8: {  	s29 =	simm.s32 $0x9;
	_ =	strace $0x80000048  }
0xb9: {  	_ =	swait.ge [sflag:s29], $0x1  }
0xba: {  	[sflag:s29] =	ssyncadd.s32 $0xFFFFFFFF  }
0xbb: {  	_ =	strace $0x90000048  }
0xbc: {  	_ =	sfence  }
0xbd: {  	s30 =	sld [smem:$0x0];
	_ =	sdelay $0x2  }
0xbe: {  	s31 =	sshll.u32 s1, $0xD;
	s1 =	sshrl.u32 s1, $0x2  }
0xbf: {  	s3 =	sand.u32 $0x4000, s31;
	s1 =	sadd.s32 s1, s30  }
0xc0: {  	s0 =	sor.u32 s3, s0;
	s1 =	sshll.u32 s1, $0x11  }
0xc1: {  	s0 =	sor.u32 s1, s0  }
0xc2: {  	s0 =	sadd.s32 $0x8F2B, s0  }
0xc3: {  	[sflag:s0] =	ssyncadd.remote.s32 $0x1  }
0xc4: {  	_ =	sfence.sel $0xFFFF  }
0xc5: {  	[dreg:$0x0] =	wrdreg $0xFFFFFFFF;
	(pc) =	sbr.abs _section_cstart, $3  }
0xc6: {  	[dreg:$0x1] =	wrdreg $0xFFFFFFFF  }
0xc7: {  	_ =	task.clear_ibuf [dreg:s7], $0x2FFFF;
	_ =	strace $0x9FFFFFFF  }
0xc8: {  	(tm) =	ssettm $0x7FFFFFFF  }
0xc9: {  	_ =	shalt  }
tec
execute0_lowered:
.L_overlay_start_1:
0x0: {  	(tag) =	ssettag $0x1  }
0x1: {  	s4 =	rddreg [dreg:$0x0]  }
0x2: {  	s1 =	rddreg [dreg:$0x1]  }
0x3: {  	s3 =	srdreg.scid;
	s0 =	rddreg [dreg:$0x2];
	s2 =	simm.s32 $0x0  }
0x4: {  	s8 =	simm.s32 $0x1800;
	s9 =	simm.s32 $0x0;
	s5 =	sand.u32 $0x1, s3  }
0x5: {  	v0 =	vlaneseq.u32;
	[smem:$0x7FF] =	sst s2;
	s3 =	stileid.u32;
	s6 =	ssub.s32 $0x2, s5  }
0x6: {  	v0 =	vmul.u32 $0x3, v0;
	s4 =	sadd.s32 $0x1001400, s4;
	_ =	strace $0x80000047;
	s7 =	sshrl.u32 s6, $0x1  }
0x7: {  	s5 =	sshll.u32 s5, $0x13;
	s31 =	sshll.u32 s3, $0xF;
	s6 =	ssub.s32 s6, s7  }
0x8: {  	s5 =	sor.u32 s31, s5;
	v1 =	vadd.s32 $0x1, v0;
	v2 =	vadd.s32 $0x2, v0;
	s7 =	simm.s32 $0x1;
	s6 =	smax.u32 s6, $0x1  }
.LBB2_1:
0x9: {  	s10 =	simm.s32 $0x0  }
.LBB2_2:
0xa: {  	s11 =	sshll.u32 s10, $0xB  }
0xb: {  	s11 =	sadd.s32 s5, s11  }
0xc: {  	s12 =	smul.u32 $0x3, s11;
	_ =	sdelay $0x1  }
0xd: {  	s13 =	simm.s32 $0x0;
	s12 =	sshrl.u32 s12, $0x3  }
0xe: {  	v3 =	vadd.s32 s13, v0;
	s12 =	sadd.s32 s4, s12  }
0xf: {  	v4 =	vadd.s32 s13, v1;
	[tilespmem:s13], [sflag:$0x1] =	stream.linear.gather [hbm4b:s12+s13], $0x1800, $0x38;
	[tilespmem:$0x2000] =	vst v63  }
0x10: {  	v5 =	vadd.s32 s13, v2;
	_ =	swait.ge [sflag:s7], $0x1800  }
0x11: {  	[sflag:s7] =	ssyncset.done $0x0  }
0x12: {  	[sflag:s7] =	ssyncadd.s32 $0xFFFFE800  }
0x13: {  	v3 =	vld.idx.msk [tilespmem:v3+s2+$0x0], $0xffff  }
0x14: {  	v4 =	vld.idx.msk [tilespmem:v4+s2+$0x0], $0xffff  }
0x15: {  	v5 =	vld.idx.msk [tilespmem:v5+s2+$0x0], $0xffff;
	_ =	sdelay $0x3  }
0x16: {  	v3 =	vmul.f32 $1.280000000e+02, v3;
	v4 =	vmul.f32 $1.280000000e+02, v4  }
0x17: {  	v5 =	vmul.f32 $1.280000000e+02, v5  }
0x18: {  	v3 =	vtrunc.f32 v3;
	v4 =	vtrunc.f32 v4  }
0x19: {  	s31 =	simm.s32 $0x30;
	v3 =	vcvt.f32.s32 v3;
	v4 =	vcvt.f32.s32 v4  }
0x1a: {  	v6 =	vadd.s32 s31, v0;
	v5 =	vtrunc.f32 v5  }
0x1b: {  	v5 =	vcvt.f32.s32 v5;
	vm0 =	vlt.s32 v3, $0x7F;
	vm1 =	vlt.s32 v4, $0x7F  }
0x1c: {  	v7 =	vadd.s32 s31, v1;
	v3 =	vnsel vm0, $0x7F, v3;
	v4 =	vnsel vm1, $0x7F, v4  }
0x1d: {  	vm0 =	vlt.s32 v5, $0x7F;
	v3 =	vshll.u32 v3, $0xE;
	v4 =	vshll.u32 v4, $0x7  }
0x1e: {  	v8 =	vadd.s32 s31, v2;
	v5 =	vnsel vm0, $0x7F, v5;
	v3 =	vor.u32 v3, v4  }
0x1f: {  	s12 =	simm.s32 $0x1800;
	v3 =	vor.u32 v5, v3  }
0x20: {  	[tilespmem:s12+$0x0] =	vst v3  }
0x21: {  	v3 =	vld.idx.msk [tilespmem:v6+s2+$0x0], $0xffff  }
0x22: {  	v4 =	vld.idx.msk [tilespmem:v7+s2+$0x0], $0xffff  }
0x23: {  	v5 =	vld.idx.msk [tilespmem:v8+s2+$0x0], $0xffff;
	_ =	sdelay $0x3  }
0x24: {  	v3 =	vmul.f32 $1.280000000e+02, v3;
	v4 =	vmul.f32 $1.280000000e+02, v4  }
0x25: {  	v5 =	vmul.f32 $1.280000000e+02, v5  }
0x26: {  	v3 =	vtrunc.f32 v3;
	v4 =	vtrunc.f32 v4  }
0x27: {  	s13 =	simm.s32 $0x60;
	v6 =	vcvt.f32.s32 v3;
	v7 =	vcvt.f32.s32 v4  }
0x28: {  	v3 =	vadd.s32 s13, v0;
	v4 =	vtrunc.f32 v5  }
0x29: {  	v5 =	vcvt.f32.s32 v4;
	vm0 =	vlt.s32 v6, $0x7F;
	vm1 =	vlt.s32 v7, $0x7F  }
0x2a: {  	v4 =	vadd.s32 s13, v1;
	v6 =	vnsel vm0, $0x7F, v6;
	v7 =	vnsel vm1, $0x7F, v7  }
0x2b: {  	s14 =	simm.s32 $0x90;
	vm0 =	vlt.s32 v5, $0x7F;
	v6 =	vshll.u32 v6, $0xE;
	v7 =	vshll.u32 v7, $0x7  }
.LBB2_3:
0x2c: {  	p0 =	sne.s32 s14, $0x17D0;
	v8 =	vadd.s32 s13, v2;
	v5 =	vnsel vm0, $0x7F, v5;
	v6 =	vor.u32 v6, v7;
	s13 =	smov.u32 s14  }
0x2d: {  	s12 =	sadd.s32 $0x10, s12;
	v5 =	vor.u32 v5, v6  }
0x2e: {  	[tilespmem:s12+$0x0] =	vst v5  }
0x2f: {  	v3 =	vld.idx.msk [tilespmem:v3+s2+$0x0], $0xffff  }
0x30: {  	v4 =	vld.idx.msk [tilespmem:v4+s2+$0x0], $0xffff  }
0x31: {  	v5 =	vld.idx.msk [tilespmem:v8+s2+$0x0], $0xffff;
	_ =	sdelay $0x4  }
0x32: {  	v3 =	vmul.f32 $1.280000000e+02, v3;
	v4 =	vmul.f32 $1.280000000e+02, v4  }
0x33: {  	v5 =	vmul.f32 $1.280000000e+02, v5  }
0x34: {  	v3 =	vtrunc.f32 v3;
	v4 =	vtrunc.f32 v4  }
.Ltmp0:
0x35: {  	v6 =	vcvt.f32.s32 v3;
	v7 =	vcvt.f32.s32 v4;
	(pc) =	sbr.rel @p0 .LBB2_3-.Ltmp0, $4  }
0x36: {  	v3 =	vadd.s32 s14, v0;
	v4 =	vtrunc.f32 v5  }
0x37: {  	vm0 =	vlt.s32 v6, $0x7F;
	v5 =	vcvt.f32.s32 v4;
	vm1 =	vlt.s32 v7, $0x7F  }
0x38: {  	v4 =	vadd.s32 s14, v1;
	v6 =	vnsel vm0, $0x7F, v6;
	v7 =	vnsel vm1, $0x7F, v7  }
0x39: {  	s14 =	sadd.s32 $0x30, s14;
	vm0 =	vlt.s32 v5, $0x7F;
	v6 =	vshll.u32 v6, $0xE;
	v7 =	vshll.u32 v7, $0x7  }
0x3a: {  	_ = 	snop  }
0x3b: {  	v8 =	vadd.s32 s13, v2;
	v5 =	vnsel vm0, $0x7F, v5;
	v6 =	vor.u32 v6, v7  }
0x3c: {  	s12 =	sadd.s32 $0x10, s12;
	v5 =	vor.u32 v5, v6  }
0x3d: {  	[tilespmem:s12+$0x0] =	vst v5  }
0x3e: {  	v3 =	vld.idx.msk [tilespmem:v3+s2+$0x0], $0xffff  }
0x3f: {  	v4 =	vld.idx.msk [tilespmem:v4+s2+$0x0], $0xffff  }
0x40: {  	v5 =	vld.idx.msk [tilespmem:v8+s2+$0x0], $0xffff;
	_ =	sdelay $0x3  }
0x41: {  	v3 =	vmul.f32 $1.280000000e+02, v3;
	v4 =	vmul.f32 $1.280000000e+02, v4  }
0x42: {  	v5 =	vmul.f32 $1.280000000e+02, v5  }
0x43: {  	v3 =	vtrunc.f32 v3;
	v4 =	vtrunc.f32 v4  }
0x44: {  	v3 =	vcvt.f32.s32 v3;
	v4 =	vcvt.f32.s32 v4  }
0x45: {  	v5 =	vtrunc.f32 v5  }
0x46: {  	vm14 =	vlt.s32 v3, $0x7F;
	vm1 =	vlt.s32 v4, $0x7F;
	v5 =	vcvt.f32.s32 v5  }
0x47: {  	v3 =	vnsel vm14, $0x7F, v3;
	v4 =	vnsel vm1, $0x7F, v4  }
0x48: {  	vm15 =	vlt.s32 v5, $0x7F;
	v3 =	vshll.u32 v3, $0xE;
	v4 =	vshll.u32 v4, $0x7  }
0x49: {  	s10 =	sadd.s32 $0x1, s10;
	v5 =	vnsel vm15, $0x7F, v5;
	v3 =	vor.u32 v3, v4  }
0x4a: {  	s11 =	sshrl.u32 s11, $0x3;
	p0 =	sne.s32 s10, $0x10;
	s12 =	sadd.s32 $0x10, s12;
	v3 =	vor.u32 v5, v3  }
.Ltmp1:
0x4b: {  	s11 =	sadd.s32 s1, s11;
	[tilespmem:s12+$0x0] =	vst v3;
	(pc) =	sbr.rel @p0 .LBB2_2-.Ltmp1, $4  }
0x4c: {  	[hbm4b:s11+s2] =	stream.linear.scatter [tilespmem:s8], [sflag:$0x1], $0x800, $0x38;
	[tilespmem:$0x2000] =	vst v63  }
0x4d: {  	_ =	swait.ge [sflag:s7], $0x800  }
0x4e: {  	[sflag:s7] =	ssyncset.done $0x0  }
0x4f: {  	[sflag:s7] =	ssyncadd.s32 $0xFFFFF800  }
0x50: {  	s9 =	sadd.s32 $0x1, s9  }
0x51: {  	p0 =	sne.s32 s9, s6  }
.Ltmp2:
0x52: {  	_ = 	snop;
	(pc) =	sbr.rel @p0 .LBB2_1-.Ltmp2, $1  }
0x53: {  	_ =	sdelay $0x3  }
0x54: {  	_ =	sfence.sel $0x180000  }
0x55: {  	[bflag:$0x0] =	sbarrier.arrive $0xFFFF  }
0x56: {  	p0 =	sne.s32 s3, $0x0;
	_ =	strace $0x90000047  }
0x57: {  	s0 =	sadd.s32 @!p0 $0x100000, s0;
	[bflag:$0x2] =	sbarrier.arrive $0xFFFF  }
0x58: {  	[sflag:s0] =	ssyncadd.tile.s32 @!p0 $0x1;
	_ =	shalt  }
.Lfunc_end2:
_tile_overlayer_lowered:
.L_overlay_start_2:
0x59: {  	(tag) =	ssettag $0x2  }
0x5a: {  	s0 =	rddreg [dreg:$0x0];
	s2 =	stileid.u32  }
0x5b: {  	s1 =	rddreg [dreg:$0x1];
	p0 =	sne.s32 s2, $0x0  }
0x5c: {  	s3 =	rddreg [dreg:$0x2];
	[bflag:$0x3] =	sbarrier.arrive $0xFFFF;
	s2 =	simm.s32 @!p0 $0x1C01  }
0x5d: {  	[timem:s3], [sflag:s2] =	dma.local @!p0 [hbm:s0], s1  }
0x5e: {  	s0 =	simm.s32 @!p0 $0x1  }
0x5f: {  	_ =	swait.ge @!p0 [sflag:s0], s1  }
0x60: {  	s1 =	ssub.s32 @!p0 $0x0, s1;
	[sflag:s0] =	ssyncset.done @!p0 $0x0  }
0x61: {  	[sflag:s0] =	ssyncadd.s32 @!p0 s1  }
0x62: {  	[bflag:$0x3] =	sbarrier.arrive $0xFFFF  }
0x63: {  	_ =	shalt  }

// kernel: kernel.9.cloned.1.call-start
scs
__scs_entry_jumppad:
0x0: {  	(pc) =	sbr.rel $0x88, $3  }
0x1: {  	(tag) =	ssettag $0x0;
	lr =	simm.s32 $0x1  }
0x2: {  	[smem:$0x3FA0] =	sst lr;
	_ =	strace $0xD0000000  }
0x3: {  	_ = 	snop  }
0x4: {  	_ = 	snop  }
0x5: {  	_ = 	snop  }
0x6: {  	_ = 	snop  }
0x7: {  	_ = 	snop  }
__scs_overlays_trampoline_lowered:
0x8: {  	[smem:$0x3FAF] =	sst s0  }
0x9: {  	[smem:$0x3FB0] =	sst s1  }
0xa: {  	[smem:$0x3FB1] =	sst s2  }
0xb: {  	[smem:$0x3FB2] =	sst s3  }
0xc: {  	[smem:$0x3FB3] =	sst s4  }
0xd: {  	[smem:$0x3FB4] =	sst s5  }
0xe: {  	[smem:$0x3FB5] =	sst s6  }
0xf: {  	[smem:$0x3FB6] =	sst s7  }
0x10: {  	[smem:$0x3FB7] =	sst s8  }
0x11: {  	[smem:$0x3FB8] =	sst s9;
	s0 =	simm.s32 @!p0 $0x0  }
0x12: {  	s1 =	sld [smem:$0x3F9E];
	s0 =	simm.s32 @p0 $0x1  }
0x13: {  	[smem:$0x3FB9] =	sst s0;
	s0 =	simm.s32 @!p1 $0x0  }
0x14: {  	s2 =	sld [smem:$0x3F9D];
	s0 =	simm.s32 @p1 $0x1  }
0x15: {  	[smem:$0x3FBA] =	sst s0;
	s0 =	simm.s32 @!p2 $0x0  }
0x16: {  	s3 =	sld [smem:$0x3FDB];
	s0 =	simm.s32 @p2 $0x1  }
0x17: {  	s4 =	simm.s32 $0x1BF5;
	[smem:$0x3FBC] =	sst s0  }
0x18: {  	s0 =	sld [smem:$0x3F9F];
	_ =	swait.ge [sflag:s4], $0x0  }
0x19: {  	s7 =	sld [smem:$0x3FA0]  }
0x1a: {  	s8 =	sadd.s32 $0xFFFFE003, lr  }
0x1b: {  	s9 =	sadd.s32 $0xFFFFFEF7, lr;
	s5 =	simm.s32 $0xFFFFFFFF;
	p2 =	slt.u32 s8, $0xFFFFF086  }
0x1c: {  	p1 =	slt.u32 s9, $0xF7A;
	s5 =	simm.s32 @!p2 $0x0  }
0x1d: {  	s5 =	simm.s32 @p1 $0x1;
	p0 =	seq.s32 s7, s2  }
0x1e: {  	s7 =	smul.u32 @!p0 $0xF7A, s2;
	p2 =	seq.s32 @!p0 s5, $0x0  }
0x1f: {  	s9 =	smul.u32 $0xF7A, s1;
	s8 =	simm.s32 @!p0 $0x1BF5;
	p2 =	por !p2, p0  }
0x20: {  	[sflag:s8] =	ssyncset.s32 @!p0 $0xFFFFF086;
	s6 =	sadd.s32 @!p0 s3, s7;
	s7 =	simm.s32 @!p0 $0x108  }
0x21: {  	s3 =	sadd.s32 s3, s9;
	s6 =	sadd.s32 @!p0 $0x88, s6;
	s7 =	simm.s32 @p2 $0x1082  }
0x22: {  	[simem:s7], [sflag:s8] =	dma.local @!p0 [hbm:s6], $0xF7A  }
0x23: {  	s9 =	sor.u32 $0xD0000000, s2;
	s6 =	simm.s32 $0x108;
	_ =	swait.ge @!p0 [sflag:s8], $0x0  }
0x24: {  	s3 =	sadd.s32 $0x88, s3;
	s6 =	simm.s32 @!p1 $0x1082;
	[sflag:s4] =	ssyncset.s32 $0xFFFFF086  }
0x25: {  	[simem:s6], [sflag:s4] =	dma.local [hbm:s3], $0xF7A  }
0x26: {  	[smem:$0x3FA0] =	sst s1;
	(tag) =	ssettag s2;
	_ =	strace s9  }
0x27: {  	s1 =	sld [smem:$0x3FB0]  }
0x28: {  	s2 =	sld [smem:$0x3FB1]  }
0x29: {  	s4 =	sld [smem:$0x3FB3]  }
0x2a: {  	p0 =	seq.s32 s5, $0x0;
	s5 =	sld [smem:$0x3FB4]  }
0x2b: {  	s6 =	sld [smem:$0x3FB5]  }
0x2c: {  	s7 =	sld [smem:$0x3FB6]  }
0x2d: {  	s3 =	simm.s32 $0x108;
	s8 =	sld [smem:$0x3FB7]  }
0x2e: {  	s3 =	simm.s32 @!p0 $0x1082;
	s9 =	sld [smem:$0x3FB8]  }
0x2f: {  	lr =	sadd.s32 s0, s3;
	s0 =	sld [smem:$0x3FAF]  }
0x30: {  	s3 =	sld [smem:$0x3FB2]  }
0x31: {  	[smem:$0x3FBB] =	sst s10  }
0x32: {  	s10 =	sld [smem:$0x3FB9];
	_ =	sdelay $0x3  }
0x33: {  	p0 =	seq.s32 s10, $0x1;
	s10 =	sld [smem:$0x3FBB];
	_ =	sdelay $0x3  }
0x34: {  	[smem:$0x3FBB] =	sst s10  }
0x35: {  	s10 =	sld [smem:$0x3FBA];
	_ =	sdelay $0x3  }
0x36: {  	p1 =	seq.s32 s10, $0x1;
	s10 =	sld [smem:$0x3FBB];
	_ =	sdelay $0x3  }
0x37: {  	[smem:$0x3FBB] =	sst s10  }
0x38: {  	s10 =	sld [smem:$0x3FBC]  }
0x39: {  	_ = 	snop;
	(pc) =	sbr.ind lr, $3  }
0x3a: {  	_ = 	snop  }
0x3b: {  	_ = 	snop  }
0x3c: {  	p2 =	seq.s32 s10, $0x1;
	s10 =	sld [smem:$0x3FBB]  }
0x3d: {  	_ =	shalt  }
0x3e: {  	_ =	shalt  }
0x3f: {  	_ =	shalt  }
0x40: {  	_ =	shalt  }
0x41: {  	_ =	shalt  }
0x42: {  	_ =	shalt  }
0x43: {  	_ =	shalt  }
0x44: {  	_ =	shalt  }
0x45: {  	_ =	shalt  }
0x46: {  	_ =	shalt  }
0x47: {  	_ =	shalt  }
0x48: {  	_ =	shalt  }
0x49: {  	_ =	shalt  }
0x4a: {  	_ =	shalt  }
0x4b: {  	_ =	shalt  }
0x4c: {  	_ =	shalt  }
0x4d: {  	_ =	shalt  }
0x4e: {  	_ =	shalt  }
0x4f: {  	_ =	shalt  }
0x50: {  	_ =	shalt  }
0x51: {  	_ =	shalt  }
0x52: {  	_ =	shalt  }
0x53: {  	_ =	shalt  }
0x54: {  	_ =	shalt  }
0x55: {  	_ =	shalt  }
0x56: {  	_ =	shalt  }
0x57: {  	_ =	shalt  }
0x58: {  	_ =	shalt  }
0x59: {  	_ =	shalt  }
0x5a: {  	_ =	shalt  }
0x5b: {  	_ =	shalt  }
0x5c: {  	_ =	shalt  }
0x5d: {  	_ =	shalt  }
0x5e: {  	_ =	shalt  }
0x5f: {  	_ =	shalt  }
0x60: {  	_ =	shalt  }
0x61: {  	_ =	shalt  }
0x62: {  	_ =	shalt  }
0x63: {  	_ =	shalt  }
0x64: {  	_ =	shalt  }
0x65: {  	_ =	shalt  }
0x66: {  	_ =	shalt  }
0x67: {  	_ =	shalt  }
0x68: {  	_ =	shalt  }
0x69: {  	_ =	shalt  }
0x6a: {  	_ =	shalt  }
0x6b: {  	_ =	shalt  }
0x6c: {  	_ =	shalt  }
0x6d: {  	_ =	shalt  }
0x6e: {  	_ =	shalt  }
0x6f: {  	_ =	shalt  }
0x70: {  	_ =	shalt  }
0x71: {  	_ =	shalt  }
0x72: {  	_ =	shalt  }
0x73: {  	_ =	shalt  }
0x74: {  	_ =	shalt  }
0x75: {  	_ =	shalt  }
0x76: {  	_ =	shalt  }
0x77: {  	_ =	shalt  }
0x78: {  	_ =	shalt  }
0x79: {  	_ =	shalt  }
0x7a: {  	_ =	shalt  }
0x7b: {  	_ =	shalt  }
0x7c: {  	_ =	shalt  }
0x7d: {  	_ =	shalt  }
0x7e: {  	_ =	shalt  }
0x7f: {  	_ =	shalt  }
0x80: {  	_ =	shalt  }
0x81: {  	_ =	shalt  }
0x82: {  	_ =	shalt  }
0x83: {  	_ =	shalt  }
0x84: {  	_ =	shalt  }
0x85: {  	_ =	shalt  }
0x86: {  	_ =	shalt  }
0x87: {  	_ =	shalt  }
.Lfunc_end0:
.L_simem_size_0:
called_computation.1_lowered:
.L_overlay_start_0:
0x88: {  	s2 =	sld [smem:$0x3FD9]  }
0x89: {  	s3 =	sld [smem:$0x3FFE];
	_ =	sdelay $0x1  }
0x8a: {  	s1 =	srdreg.scid  }
0x8b: {  	s0 =	sand.u32 $0x1, s1  }
0x8c: {  	s15 =	sshll.u32 s0, $0xA;
	s2 =	sadd.s32 s3, s2  }
0x8d: {  	s2 =	sadd.s32 s2, s15  }
0x8e: {  	[smem:$0x3FC7] =	sst s2  }
0x8f: {  	_ = 	snop  }
0x90: {  	s2 =	sld [smem:$0x3FD0];
	_ =	sdelay $0x2  }
0x91: {  	s16 =	simm.s32 $0xA;
	s4 =	simm.s32 $0x10  }
0x92: {  	[smem:s4], [sflag:s16] =	dma.local [hbm:s2], $0x1  }
0x93: {  	_ =	swait.eq [sflag:s16], $0x1  }
0x94: {  	s17 =	sld [smem:$0x10];
	[sflag:s16] =	ssyncset.done $0x0  }
0x95: {  	s18 =	sld [smem:$0x12];
	[sflag:s16] =	ssyncadd.s32 $0xFFFFFFFF  }
0x96: {  	s19 =	sld [smem:$0x13];
	(tm) =	ssettm $0x1  }
0x97: {  	s5 =	sld [smem:$0x3FFB];
	_ =	sdelay $0x3  }
0x98: {  	_ =	strace s5  }
0x99: {  	s5 =	sld [smem:$0x3FFC];
	_ =	sdelay $0x3  }
0x9a: {  	_ =	strace s5  }
0x9b: {  	s5 =	sld [smem:$0x3FFD];
	_ =	sdelay $0x3  }
0x9c: {  	_ =	strace s5  }
0x9d: {  	_ =	strace $0x8FFFFFFF  }
0x9e: {  	s20 =	sld [smem:$0x3FDB];
	_ =	sdelay $0x1  }
0x9f: {  	s6 =	simm.s32 $_scs_section_size  }
0xa0: {  	s7 =	simm.s32 $_size__tile_overlayer_lowered;
	s8 =	simm.s32 $_tile_overlayer_lowered  }
0xa1: {  	s23 =	simm.s32 $0x1BFF;
	s22 =	sshll.u32 s8, $0x1;
	s5 =	sadd.s32 s6, s20  }
0xa2: {  	s9 =	simm.s32 $0x0;
	s21 =	sshll.u32 s7, $0x1;
	s7 =	sadd.s32 s22, s5  }
0xa3: {  	[timem:s9], [sflag:s23] =	dma.local [hbm:s7], s21  }
0xa4: {  	_ =	swait.ge [sflag:s23], s21  }
0xa5: {  	s6 =	ssub.s32 $0x0, s21;
	[sflag:s23] =	ssyncset.done $0x0  }
0xa6: {  	[sflag:s23] =	ssyncadd.s32 s6;
	_ =	sdelay $0x1  }
0xa7: {  	s24 =	simm.s32 $0x1B8B  }
0xa8: {  	_ =	swait.ge [sflag:s24], $0x1  }
0xa9: {  	[sflag:s24] =	ssyncset.done $0x0  }
0xaa: {  	s25 =	simm.s32 $0x1B8E;
	[sflag:s24] =	ssyncadd.s32 $0xFFFFFFFF  }
0xab: {  	s26 =	simm.s32 $execute0_lowered;
	[smem:$0x3FD2] =	sst s25  }
0xac: {  	s6 =	sshll.u32 s26, $0x1;
	_ =	strace $0x80000049;
	[dreg:$0x1] =	wrdreg $0xFFFFFFFF  }
0xad: {  	s28 =	simm.s32 $_size_execute0_lowered;
	s5 =	sadd.s32 s5, s6;
	[dreg:$0x0] =	wrdreg $0x0  }
0xae: {  	s6 =	sshll.u32 s28, $0x1;
	[dreg:$0x2] =	wrdreg s5  }
0xaf: {  	[dreg:$0x3] =	wrdreg s6  }
0xb0: {  	[dreg:$0x4] =	wrdreg $0xC0  }
0xb1: {  	_ =	task [dreg:s9], $0x5FFFF  }
0xb2: {  	[dreg:$0x1] =	wrdreg $0xFFFFFFFF  }
0xb3: {  	[dreg:$0x0] =	wrdreg $0x60  }
0xb4: {  	[dreg:$0x2] =	wrdreg s17  }
0xb5: {  	[dreg:$0x3] =	wrdreg s18  }
0xb6: {  	[dreg:$0x4] =	wrdreg s19  }
0xb7: {  	[dreg:$0x5] =	wrdreg $0x0  }
0xb8: {  	[dreg:$0x6] =	wrdreg $0x9  }
0xb9: {  	_ =	task.clear_ibuf [dreg:s9], $0x7FFFF;
	_ =	strace $0x90000049  }
0xba: {  	s29 =	simm.s32 $0x9;
	_ =	strace $0x8000004B  }
0xbb: {  	_ =	swait.ge [sflag:s29], $0x1  }
0xbc: {  	[sflag:s29] =	ssyncadd.s32 $0xFFFFFFFF  }
0xbd: {  	_ =	strace $0x9000004B  }
0xbe: {  	_ =	sfence  }
0xbf: {  	s30 =	sld [smem:$0x0];
	_ =	sdelay $0x2  }
0xc0: {  	s31 =	sshll.u32 s1, $0xD;
	s1 =	sshrl.u32 s1, $0x2  }
0xc1: {  	s3 =	sand.u32 $0x4000, s31;
	s1 =	sadd.s32 s1, s30  }
0xc2: {  	s0 =	sor.u32 s3, s0;
	s1 =	sshll.u32 s1, $0x11  }
0xc3: {  	s0 =	sor.u32 s1, s0  }
0xc4: {  	s0 =	sadd.s32 $0x8F2B, s0  }
0xc5: {  	[sflag:s0] =	ssyncadd.remote.s32 $0x1  }
0xc6: {  	_ =	sfence.sel $0xFFFF  }
0xc7: {  	[dreg:$0x0] =	wrdreg $0xFFFFFFFF;
	(pc) =	sbr.abs _section_cstart, $3  }
0xc8: {  	[dreg:$0x1] =	wrdreg $0xFFFFFFFF  }
0xc9: {  	_ =	task.clear_ibuf [dreg:s9], $0x2FFFF;
	_ =	strace $0x9FFFFFFF  }
0xca: {  	(tm) =	ssettm $0x7FFFFFFF  }
0xcb: {  	_ =	shalt  }
tec
execute0_lowered:
.L_overlay_start_1:
0x0: {  	(tag) =	ssettag $0x1  }
0x1: {  	s0 =	rddreg [dreg:$0x0]  }
0x2: {  	s1 =	rddreg [dreg:$0x2]  }
0x3: {  	s2 =	rddreg [dreg:$0x3];
	s3 =	srdreg.scid;
	s5 =	simm.s32 $0x0  }
0x4: {  	s8 =	stileid.u32;
	s17 =	simm.s32 $0x11800;
	s10 =	simm.s32 $0x10B80  }
0x5: {  	s11 =	simm.s32 $0x11380;
	s12 =	simm.s32 $0x10C00;
	s13 =	simm.s32 $0x11400  }
0x6: {  	s14 =	simm.s32 $0x10C80;
	s15 =	simm.s32 $0x11480;
	s16 =	simm.s32 $0x10D00  }
0x7: {  	s28 =	simm.s32 $0x10F80;
	s29 =	simm.s32 $0x11780;
	s4 =	sand.u32 $0x1, s3  }
0x8: {  	[smem:$0x7FF] =	sst s5;
	s7 =	sshll.u32 s8, $0x10;
	s6 =	sshll.u32 s8, $0xD  }
0x9: {  	s19 =	sshll.u32 s8, $0x4;
	s3 =	ssub.s32 $0x2, s4;
	_ =	strace $0x8000004A  }
0xa: {  	s6 =	sadd.s32 s0, s6;
	s9 =	sshll.u32 s4, $0x8;
	s0 =	sadd.s32 s1, s19  }
0xb: {  	s5 =	sadd.s32 s7, s2;
	s20 =	sshll.u32 s4, $0x14;
	s0 =	sadd.s32 s9, s0  }
0xc: {  	s1 =	simm.s32 $0x11500;
	s22 =	sadd.s32 $0x2000, s5;
	[dreg:$0x5] =	wrdreg s0  }
0xd: {  	s19 =	simm.s32 $0x11580;
	s23 =	sadd.s32 $0x4000, s5;
	[dreg:$0x7] =	wrdreg s22  }
0xe: {  	v0 =	vmov s4;
	s4 =	simm.s32 $0x0;
	s24 =	sadd.s32 $0x6000, s5;
	[dreg:$0x8] =	wrdreg s23  }
0xf: {  	s18 =	sshrl.u32 s3, $0x1;
	s25 =	sadd.s32 $0x8000, s5;
	[dreg:$0x9] =	wrdreg s24  }
0x10: {  	s7 =	sor.u32 s7, s20;
	s26 =	sadd.s32 $0xA000, s5;
	[dreg:$0xa] =	wrdreg s25  }
0x11: {  	s30 =	sadd.s32 $0xC000, s5;
	s31 =	sadd.s32 $0xE000, s5;
	[dreg:$0xb] =	wrdreg s26  }
0x12: {  	s20 =	simm.s32 $0x80;
	s9 =	simm.s32 $0x11300;
	[dreg:$0xc] =	wrdreg s30  }
0x13: {  	s3 =	ssub.s32 s3, s18;
	[dreg:$0xd] =	wrdreg s31;
	s18 =	simm.s32 $0x1  }
0x14: {  	s22 =	simm.s32 $0x11600;
	s23 =	simm.s32 $0x10E80;
	s24 =	simm.s32 $0x11680  }
0x15: {  	s25 =	simm.s32 $0x10F00;
	s26 =	simm.s32 $0x11700;
	s21 =	smax.u32 s3, $0x1  }
0x16: {  	v1 =	vimm.s32 $0x0;
	s3 =	simm.s32 $0x10D80;
	[dreg:$0x6] =	wrdreg s21;
	s21 =	simm.s32 $0x10E00  }
.LBB2_1:
0x17: {  	[dreg:$0xe] =	wrdreg s4;
	s0 =	simm.s32 $0x40;
	s4 =	simm.s32 $0x0  }
.LBB2_2:
0x18: {  	p0 =	sne.s32 s0, $0x7FC0;
	[tilespmem:s4+$0x11800] =	vst v1;
	s4 =	smov.u32 s0;
	s0 =	sadd.s32 $0x40, s0  }
.Ltmp0:
0x19: {  	(pc) =	sbr.rel @p0 .LBB2_2-.Ltmp0, $2  }
0x1a: {  	_ =	sdelay $0x2  }
0x1b: {  	s4 =	sshra.s32 s4, $0x2  }
0x1c: {  	[tilespmem:s4+$0x11800] =	vst v1  }
0x1d: {  	[spmem:s5] =	stream.linear.scatter [tilespmem:s17], [sflag:$0x1], $0x2000, $0x38;
	[tilespmem:$0x13880] =	vst v63  }
0x1e: {  	_ =	swait.ge [sflag:s18], $0x2000  }
0x1f: {  	[sflag:s18] =	ssyncset.done $0x0  }
0x20: {  	s0 =	rddreg [dreg:$0x7];
	[sflag:s18] =	ssyncadd.s32 $0xFFFFE000  }
0x21: {  	[spmem:s0] =	stream.linear.scatter [tilespmem:s17], [sflag:$0x1], $0x2000, $0x38;
	[tilespmem:$0x13880] =	vst v63  }
0x22: {  	_ =	swait.ge [sflag:s18], $0x2000  }
0x23: {  	[sflag:s18] =	ssyncset.done $0x0  }
0x24: {  	s4 =	rddreg [dreg:$0x8];
	[sflag:s18] =	ssyncadd.s32 $0xFFFFE000  }
0x25: {  	[spmem:s4] =	stream.linear.scatter [tilespmem:s17], [sflag:$0x1], $0x2000, $0x38;
	[tilespmem:$0x13880] =	vst v63  }
0x26: {  	_ =	swait.ge [sflag:s18], $0x2000  }
0x27: {  	[sflag:s18] =	ssyncset.done $0x0  }
0x28: {  	s8 =	rddreg [dreg:$0x9];
	[sflag:s18] =	ssyncadd.s32 $0xFFFFE000  }
0x29: {  	[spmem:s8] =	stream.linear.scatter [tilespmem:s17], [sflag:$0x1], $0x2000, $0x38;
	[tilespmem:$0x13880] =	vst v63  }
0x2a: {  	_ =	swait.ge [sflag:s18], $0x2000  }
0x2b: {  	[sflag:s18] =	ssyncset.done $0x0  }
0x2c: {  	s4 =	rddreg [dreg:$0xa];
	[sflag:s18] =	ssyncadd.s32 $0xFFFFE000  }
0x2d: {  	[spmem:s4] =	stream.linear.scatter [tilespmem:s17], [sflag:$0x1], $0x2000, $0x38;
	[tilespmem:$0x13880] =	vst v63  }
0x2e: {  	_ =	swait.ge [sflag:s18], $0x2000  }
0x2f: {  	[sflag:s18] =	ssyncset.done $0x0  }
0x30: {  	s8 =	rddreg [dreg:$0xb];
	[sflag:s18] =	ssyncadd.s32 $0xFFFFE000  }
0x31: {  	[spmem:s8] =	stream.linear.scatter [tilespmem:s17], [sflag:$0x1], $0x2000, $0x38;
	[tilespmem:$0x13880] =	vst v63  }
0x32: {  	_ =	swait.ge [sflag:s18], $0x2000  }
0x33: {  	[sflag:s18] =	ssyncset.done $0x0  }
0x34: {  	s4 =	rddreg [dreg:$0xc];
	[sflag:s18] =	ssyncadd.s32 $0xFFFFE000  }
0x35: {  	[spmem:s4] =	stream.linear.scatter [tilespmem:s17], [sflag:$0x1], $0x2000, $0x38;
	[tilespmem:$0x13880] =	vst v63  }
0x36: {  	_ =	swait.ge [sflag:s18], $0x2000  }
0x37: {  	[sflag:s18] =	ssyncset.done $0x0  }
0x38: {  	s8 =	rddreg [dreg:$0xd];
	[sflag:s18] =	ssyncadd.s32 $0xFFFFE000  }
0x39: {  	[spmem:s8] =	stream.linear.scatter [tilespmem:s17], [sflag:$0x1], $0x2000, $0x38;
	[tilespmem:$0x13880] =	vst v63  }
0x3a: {  	_ =	swait.ge [sflag:s18], $0x2000  }
0x3b: {  	[sflag:s18] =	ssyncset.done $0x0  }
0x3c: {  	[sflag:s18] =	ssyncadd.s32 $0xFFFFE000  }
0x3d: {  	s30 =	simm.s32 $0x0;
	s31 =	simm.s32 $0x0;
	[bflag:$0x0] =	sbarrier.arrive $0xFFFF  }
.LBB2_4:
0x3e: {  	s0 =	sshll.u32 s31, $0x8  }
0x3f: {  	s4 =	simm.s32 $0x10000;
	s0 =	sadd.s32 s0, s6  }
0x40: {  	[tilespmem:s4], [sflag:$0x1] =	stream.linear.gather [hbm4b:s0+s30], $0x800, $0x38;
	[tilespmem:$0x13880] =	vst v63  }
0x41: {  	_ =	swait.ge [sflag:s18], $0x800  }
0x42: {  	[sflag:s18] =	ssyncset.done $0x0  }
0x43: {  	s0 =	simm.s32 $0x0;
	[sflag:s18] =	ssyncadd.s32 $0xFFFFF800  }
0x44: {  	v2 =	vld [tilespmem:s0+$0x10000]  }
0x45: {  	s4 =	simm.s32 $0x40  }
.LBB2_5:
0x46: {  	_ = 	snop  }
0x47: {  	p0 =	sne.s32 s4, $0x1FC0  }
.Ltmp1:
0x48: {  	_ = 	snop;
	(pc) =	sbr.rel @p0 .LBB2_5-.Ltmp1, $4  }
0x49: {  	v4 =	vshrl.u32 v2, $0x14  }
0x4a: {  	s8 =	sshra.s32 s4, $0x2;
	v3 =	vand.u32 $0xFFFFF, v2;
	vm0 =	veq.s32 v4, v0  }
0x4b: {  	v2 =	vld [tilespmem:s8+$0x10000];
	[tilespmem:s0+$0x10800] =	vst v3;
	v3 =	vsel vm0, $0x1, v1  }
0x4c: {  	s4 =	sadd.s32 $0x40, s4;
	[tilespmem:s0+$0x11000] =	vst v3;
	s0 =	smov.u32 s8  }
0x4d: {  	_ =	sdelay $0x2  }
0x4e: {  	v3 =	vshrl.u32 v2, $0x14  }
0x4f: {  	v2 =	vand.u32 $0xFFFFF, v2;
	vm0 =	veq.s32 v3, v0  }
0x50: {  	[tilespmem:s0+$0x10800] =	vst v2;
	v2 =	vsel vm0, $0x1, v1  }
0x51: {  	s8 =	simm.s32 $0x10800;
	s4 =	simm.s32 $0x11000;
	[tilespmem:s0+$0x11000] =	vst v2  }
0x52: {  	[spmem:s2] =	stream.indirect.scatter.add.s32 [tilespmem:s4], [sflag:$0x1], $0x1, s8, s20, $0xb8;
	[tilespmem:$0x13880] =	vst v63  }
0x53: {  	_ =	swait.ge [sflag:s18], $0x80  }
0x54: {  	[sflag:s18] =	ssyncset.done $0x0  }
0x55: {  	s4 =	simm.s32 $0x10880;
	s8 =	simm.s32 $0x11080;
	[sflag:s18] =	ssyncadd.s32 $0xFFFFFF80  }
0x56: {  	[spmem:s2] =	stream.indirect.scatter.add.s32 [tilespmem:s8], [sflag:$0x1], $0x1, s4, s20, $0xb8;
	[tilespmem:$0x13880] =	vst v63  }
0x57: {  	_ =	swait.ge [sflag:s18], $0x80  }
0x58: {  	[sflag:s18] =	ssyncset.done $0x0  }
0x59: {  	s4 =	simm.s32 $0x10900;
	s8 =	simm.s32 $0x11100;
	[sflag:s18] =	ssyncadd.s32 $0xFFFFFF80  }
0x5a: {  	[spmem:s2] =	stream.indirect.scatter.add.s32 [tilespmem:s8], [sflag:$0x1], $0x1, s4, s20, $0xb8;
	[tilespmem:$0x13880] =	vst v63  }
0x5b: {  	_ =	swait.ge [sflag:s18], $0x80  }
0x5c: {  	[sflag:s18] =	ssyncset.done $0x0  }
0x5d: {  	s4 =	simm.s32 $0x10980;
	s8 =	simm.s32 $0x11180;
	[sflag:s18] =	ssyncadd.s32 $0xFFFFFF80  }
0x5e: {  	[spmem:s2] =	stream.indirect.scatter.add.s32 [tilespmem:s8], [sflag:$0x1], $0x1, s4, s20, $0xb8;
	[tilespmem:$0x13880] =	vst v63  }
0x5f: {  	_ =	swait.ge [sflag:s18], $0x80  }
0x60: {  	[sflag:s18] =	ssyncset.done $0x0  }
0x61: {  	s4 =	simm.s32 $0x10A00;
	s8 =	simm.s32 $0x11200;
	[sflag:s18] =	ssyncadd.s32 $0xFFFFFF80  }
0x62: {  	[spmem:s2] =	stream.indirect.scatter.add.s32 [tilespmem:s8], [sflag:$0x1], $0x1, s4, s20, $0xb8;
	[tilespmem:$0x13880] =	vst v63  }
0x63: {  	_ =	swait.ge [sflag:s18], $0x80  }
0x64: {  	[sflag:s18] =	ssyncset.done $0x0  }
0x65: {  	s4 =	simm.s32 $0x10A80;
	s8 =	simm.s32 $0x11280;
	[sflag:s18] =	ssyncadd.s32 $0xFFFFFF80  }
0x66: {  	[spmem:s2] =	stream.indirect.scatter.add.s32 [tilespmem:s8], [sflag:$0x1], $0x1, s4, s20, $0xb8;
	[tilespmem:$0x13880] =	vst v63  }
0x67: {  	_ =	swait.ge [sflag:s18], $0x80  }
0x68: {  	[sflag:s18] =	ssyncset.done $0x0  }
0x69: {  	s8 =	simm.s32 $0x10B00;
	[sflag:s18] =	ssyncadd.s32 $0xFFFFFF80  }
0x6a: {  	[spmem:s2] =	stream.indirect.scatter.add.s32 [tilespmem:s9], [sflag:$0x1], $0x1, s8, s20, $0xb8;
	[tilespmem:$0x13880] =	vst v63  }
0x6b: {  	_ =	swait.ge [sflag:s18], $0x80  }
0x6c: {  	[sflag:s18] =	ssyncset.done $0x0  }
0x6d: {  	[sflag:s18] =	ssyncadd.s32 $0xFFFFFF80  }
0x6e: {  	[spmem:s2] =	stream.indirect.scatter.add.s32 [tilespmem:s11], [sflag:$0x1], $0x1, s10, s20, $0xb8;
	[tilespmem:$0x13880] =	vst v63  }
0x6f: {  	_ =	swait.ge [sflag:s18], $0x80  }
0x70: {  	[sflag:s18] =	ssyncset.done $0x0  }
0x71: {  	[sflag:s18] =	ssyncadd.s32 $0xFFFFFF80  }
0x72: {  	[spmem:s2] =	stream.indirect.scatter.add.s32 [tilespmem:s13], [sflag:$0x1], $0x1, s12, s20, $0xb8;
	[tilespmem:$0x13880] =	vst v63  }
0x73: {  	_ =	swait.ge [sflag:s18], $0x80  }
0x74: {  	[sflag:s18] =	ssyncset.done $0x0  }
0x75: {  	[sflag:s18] =	ssyncadd.s32 $0xFFFFFF80  }
0x76: {  	[spmem:s2] =	stream.indirect.scatter.add.s32 [tilespmem:s15], [sflag:$0x1], $0x1, s14, s20, $0xb8;
	[tilespmem:$0x13880] =	vst v63  }
0x77: {  	_ =	swait.ge [sflag:s18], $0x80  }
0x78: {  	[sflag:s18] =	ssyncset.done $0x0  }
0x79: {  	[sflag:s18] =	ssyncadd.s32 $0xFFFFFF80  }
0x7a: {  	[spmem:s2] =	stream.indirect.scatter.add.s32 [tilespmem:s1], [sflag:$0x1], $0x1, s16, s20, $0xb8;
	[tilespmem:$0x13880] =	vst v63  }
0x7b: {  	_ =	swait.ge [sflag:s18], $0x80  }
0x7c: {  	[sflag:s18] =	ssyncset.done $0x0  }
0x7d: {  	[sflag:s18] =	ssyncadd.s32 $0xFFFFFF80  }
0x7e: {  	[spmem:s2] =	stream.indirect.scatter.add.s32 [tilespmem:s19], [sflag:$0x1], $0x1, s3, s20, $0xb8;
	[tilespmem:$0x13880] =	vst v63  }
0x7f: {  	_ =	swait.ge [sflag:s18], $0x80  }
0x80: {  	[sflag:s18] =	ssyncset.done $0x0  }
0x81: {  	[sflag:s18] =	ssyncadd.s32 $0xFFFFFF80  }
0x82: {  	[spmem:s2] =	stream.indirect.scatter.add.s32 [tilespmem:s22], [sflag:$0x1], $0x1, s21, s20, $0xb8;
	[tilespmem:$0x13880] =	vst v63  }
0x83: {  	_ =	swait.ge [sflag:s18], $0x80  }
0x84: {  	[sflag:s18] =	ssyncset.done $0x0  }
0x85: {  	[sflag:s18] =	ssyncadd.s32 $0xFFFFFF80  }
0x86: {  	[spmem:s2] =	stream.indirect.scatter.add.s32 [tilespmem:s24], [sflag:$0x1], $0x1, s23, s20, $0xb8;
	[tilespmem:$0x13880] =	vst v63  }
0x87: {  	_ =	swait.ge [sflag:s18], $0x80  }
0x88: {  	[sflag:s18] =	ssyncset.done $0x0  }
0x89: {  	[sflag:s18] =	ssyncadd.s32 $0xFFFFFF80  }
0x8a: {  	[spmem:s2] =	stream.indirect.scatter.add.s32 [tilespmem:s26], [sflag:$0x1], $0x1, s25, s20, $0xb8;
	[tilespmem:$0x13880] =	vst v63  }
0x8b: {  	s31 =	sadd.s32 $0x1, s31;
	_ =	swait.ge [sflag:s18], $0x80  }
0x8c: {  	p0 =	sne.s32 s31, $0x20;
	[sflag:s18] =	ssyncset.done $0x0  }
.Ltmp2:
0x8d: {  	[sflag:s18] =	ssyncadd.s32 $0xFFFFFF80;
	(pc) =	sbr.rel @p0 .LBB2_4-.Ltmp2, $4  }
0x8e: {  	[spmem:s2] =	stream.indirect.scatter.add.s32 [tilespmem:s29], [sflag:$0x1], $0x1, s28, s20, $0xb8;
	[tilespmem:$0x13880] =	vst v63  }
0x8f: {  	_ =	swait.ge [sflag:s18], $0x80  }
0x90: {  	[sflag:s18] =	ssyncset.done $0x0  }
0x91: {  	[sflag:s18] =	ssyncadd.s32 $0xFFFFFF80  }
0x92: {  	[bflag:$0x0] =	sbarrier.arrive $0xFFFF  }
0x93: {  	s30 =	simm.s32 $0x0;
	v2 =	vimm.s32 $0x0;
	s31 =	rddreg [dreg:$0x1]  }
.LBB2_8:
0x94: {  	s0 =	sshll.u32 s30, $0xD  }
0x95: {  	s4 =	sadd.s32 s0, s5  }
0x96: {  	[tilespmem:s17], [sflag:$0x1] =	stream.linear.gather [spmem:s4], $0x2000, $0x38;
	[tilespmem:$0x13880] =	vst v63  }
0x97: {  	_ =	swait.ge [sflag:s18], $0x2000  }
0x98: {  	[sflag:s18] =	ssyncset.done $0x0  }
0x99: {  	s8 =	simm.s32 $0x0;
	[sflag:s18] =	ssyncadd.s32 $0xFFFFE000  }
0x9a: {  	s4 =	simm.s32 $0x40;
	v3 =	vld [tilespmem:s8+$0x11800]  }
.LBB2_9:
0x9b: {  	p0 =	sne.s32 s4, $0x7FC0  }
.Ltmp3:
0x9c: {  	_ = 	snop;
	(pc) =	sbr.rel @p0 .LBB2_9-.Ltmp3, $3  }
0x9d: {  	_ =	sdelay $0x1  }
0x9e: {  	s8 =	sshra.s32 s4, $0x2;
	s4 =	sadd.s32 $0x40, s4;
	v2 =	vadd.s32 v2, v3  }
0x9f: {  	v3 =	vld [tilespmem:s8+$0x11800]  }
0xa0: {  	s0 =	sadd.s32 s7, s0;
	s30 =	sadd.s32 $0x1, s30  }
0xa1: {  	s0 =	sshrl.u32 s0, $0x3;
	p0 =	sne.s32 s30, $0x8  }
.Ltmp4:
0xa2: {  	s4 =	simm.s32 $0x0;
	s0 =	sadd.s32 s31, s0;
	(pc) =	sbr.rel @p0 .LBB2_8-.Ltmp4, $4  }
0xa3: {  	[hbm4b:s0+s4] =	stream.linear.scatter [tilespmem:s17], [sflag:$0x1], $0x2000, $0x38;
	[tilespmem:$0x13880] =	vst v63  }
0xa4: {  	_ =	swait.ge [sflag:s18], $0x2000  }
0xa5: {  	[sflag:s18] =	ssyncset.done $0x0  }
0xa6: {  	v2 =	vadd.s32 v2, v3;
	[sflag:s18] =	ssyncadd.s32 $0xFFFFE000  }
0xa7: {  	[tilespmem:$0x13800] =	vst v2;
	s0 =	simm.s32 $0x0;
	s4 =	rddreg [dreg:$0x5];
	s8 =	simm.s32 $0x13800  }
0xa8: {  	[hbm4b:s4+s0] =	stream.linear.scatter [tilespmem:s8], [sflag:$0x1], $0x80, $0x38;
	[tilespmem:$0x13880] =	vst v63  }
0xa9: {  	_ =	swait.ge [sflag:s18], $0x80  }
0xaa: {  	s30 =	rddreg [dreg:$0xe]  }
0xab: {  	s31 =	rddreg [dreg:$0x6];
	s4 =	sadd.s32 $0x1, s30  }
0xac: {  	p0 =	sne.s32 s4, s31  }
.Ltmp5:
0xad: {  	_ = 	snop;
	(pc) =	sbr.rel @p0 .LBB2_1-.Ltmp5, $3  }
0xae: {  	_ =	sdelay $0x1  }
0xaf: {  	[sflag:s18] =	ssyncset.done $0x0  }
0xb0: {  	[sflag:s18] =	ssyncadd.s32 $0xFFFFFF80  }
0xb1: {  	_ =	sfence.sel $0x180000  }
0xb2: {  	[bflag:$0x0] =	sbarrier.arrive $0xFFFF  }
0xb3: {  	_ =	strace $0x9000004A  }
0xb4: {  	s0 =	stileid.u32;
	[bflag:$0x2] =	sbarrier.arrive $0xFFFF  }
0xb5: {  	p0 =	sne.s32 s0, $0x0;
	s0 =	rddreg [dreg:$0x4]  }
0xb6: {  	s0 =	sadd.s32 @!p0 $0x100000, s0  }
0xb7: {  	[sflag:s0] =	ssyncadd.tile.s32 @!p0 $0x1;
	_ =	shalt  }
.Lfunc_end2:
_tile_overlayer_lowered:
.L_overlay_start_2:
0xb8: {  	(tag) =	ssettag $0x2  }
0xb9: {  	s0 =	rddreg [dreg:$0x0];
	s2 =	stileid.u32  }
0xba: {  	s1 =	rddreg [dreg:$0x1];
	p0 =	sne.s32 s2, $0x0  }
0xbb: {  	s3 =	rddreg [dreg:$0x2];
	[bflag:$0x3] =	sbarrier.arrive $0xFFFF;
	s2 =	simm.s32 @!p0 $0x1C01  }
0xbc: {  	[timem:s3], [sflag:s2] =	dma.local @!p0 [hbm:s0], s1  }
0xbd: {  	s0 =	simm.s32 @!p0 $0x1  }
0xbe: {  	_ =	swait.ge @!p0 [sflag:s0], s1  }
0xbf: {  	s1 =	ssub.s32 @!p0 $0x0, s1;
	[sflag:s0] =	ssyncset.done @!p0 $0x0  }
0xc0: {  	[sflag:s0] =	ssyncadd.s32 @!p0 s1  }
0xc1: {  	[bflag:$0x3] =	sbarrier.arrive $0xFFFF  }
0xc2: {  	_ =	shalt  }

</sc_bundles>
